<compile_context>
chip_gen: v7x
topology: tpu7x:2x2x1
jax: 0.10.2.dev20260603
libtpu: 0.0.44.dev20260713+nightly
codegen_flags: <defaults>
</compile_context>

<pallas_src>
import functools

import jax
import jax.numpy as jnp
from jax import lax
from jax.experimental import pallas as pl
from jax.experimental.pallas import tpu as pltpu
from jax.experimental.pallas import tpu_sc as plsc


def _router_kernel(T, NB, x_ref, gw_ref, gb_ref,
                   rank_ref, be_ref, bv_ref,
                   r1_ref, r2_ref, wn1_ref, wn2_ref):
    S, Hd = x_ref.shape
    E = gw_ref.shape[1]
    f32 = jnp.float32
    bf16 = jnp.bfloat16

    logits = lax.dot(x_ref[...], gw_ref[...].astype(bf16),
                     preferred_element_type=f32) + gb_ref[...]

    m1 = jnp.max(logits, axis=1, keepdims=True)
    ex = jnp.exp(logits - m1)
    z = jnp.sum(ex, axis=1, keepdims=True)
    p = ex / z
    ioe = lax.broadcasted_iota(jnp.int32, (S, E), 1)
    pm1 = jnp.max(p, axis=1, keepdims=True)
    i1 = jnp.min(jnp.where(p == pm1, ioe, E), axis=1, keepdims=True)
    p_m = jnp.where(ioe == i1, -1.0, p)
    pm2 = jnp.max(p_m, axis=1, keepdims=True)
    i2 = jnp.min(jnp.where(p_m == pm2, ioe, E), axis=1, keepdims=True)
    denom = pm1 + pm2 + 1e-6
    wn1_ref[...] = jnp.broadcast_to(pm1 / denom, wn1_ref.shape)
    wn2_ref[...] = jnp.broadcast_to(pm2 / denom, wn2_ref.shape)
    sel1 = ioe == i1
    sel2 = ioe == i2
    m = jnp.logical_or(sel1, sel2).astype(f32)

    rio = lax.broadcasted_iota(jnp.int32, (S, S), 0)
    cio = lax.broadcasted_iota(jnp.int32, (S, S), 1)
    ltri = (cio < rio).astype(bf16)
    rank = lax.dot(ltri, m.astype(bf16), preferred_element_type=f32)
    rank_ref[...] = jnp.where(m > 0.5, rank, -1.0)

    ones_col = jnp.ones((S, 1), bf16)
    counts_t = lax.dot_general(m.astype(bf16), ones_col,
                               (((0,), (0,)), ((), ())),
                               preferred_element_type=f32)
    nb_t = jnp.floor((counts_t + (T - 1)) / T)
    eio_r = lax.broadcasted_iota(jnp.int32, (E, E), 0)
    eio_c = lax.broadcasted_iota(jnp.int32, (E, E), 1)
    l8 = (eio_r > eio_c).astype(bf16)
    pad_t = lax.dot(l8, nb_t.astype(bf16), preferred_element_type=f32)
    total = jnp.sum(nb_t, axis=0, keepdims=True)

    counts_row = jnp.sum(m, axis=0, keepdims=True)
    nb_row = jnp.floor((counts_row + (T - 1)) / T)
    l8u = (eio_r < eio_c).astype(bf16)
    pad_row = lax.dot(nb_row.astype(bf16), l8u,
                      preferred_element_type=f32)
    base_row = pad_row * T

    r1v = jnp.sum(jnp.where(sel1, rank + base_row, 0.0), axis=1, keepdims=True)
    r2v = jnp.sum(jnp.where(sel2, rank + base_row, 0.0), axis=1, keepdims=True)
    r1_ref[...] = r1v.astype(jnp.int32)
    r2_ref[...] = r2v.astype(jnp.int32)

    bio = lax.broadcasted_iota(jnp.int32, (E, NB), 1).astype(f32)
    bsafe = jnp.minimum(bio, total - 1.0)
    cmp = (pad_t <= bsafe).astype(f32)
    be_row = jnp.sum(cmp, axis=0, keepdims=True) - 1.0
    bio1 = lax.broadcasted_iota(jnp.int32, (1, NB), 1).astype(f32)
    be_ref[...] = be_row.astype(jnp.int32)
    bv_ref[...] = (bio1 < total).astype(jnp.int32)


def _sc_dispatch_kernel(S, Hd, CH, NW, x_hbm, r1_hbm, r2_hbm, xs_hbm,
                        idx_v, idx2_v, rows_v, sem):
    nc = lax.axis_index("c")
    ns = lax.axis_index("s")
    wid = ns * 2 + nc
    per_w = S // NW
    nch = per_w // CH

    def chunk_body(c, carry):
        base = wid * per_w + c * CH
        pltpu.sync_copy(x_hbm.at[pl.ds(base, CH)], rows_v)
        pltpu.sync_copy(r1_hbm.at[pl.ds(base, CH)], idx_v)
        pltpu.sync_copy(r2_hbm.at[pl.ds(base, CH)], idx2_v)
        c1 = pltpu.async_copy(rows_v, xs_hbm.at[idx_v], sem)
        c2 = pltpu.async_copy(rows_v, xs_hbm.at[idx2_v], sem)
        c1.wait()
        c2.wait()
        return carry

    lax.fori_loop(0, nch, chunk_body, 0, unroll=False)


def _ffn_kernel(T, KI, be_ref, bv_ref,
                xs_in_ref, w1_ref, b1_ref, w2_ref, b2_ref,
                y_ref, xs_ref, ya_ref):
    f32 = jnp.float32
    bf16 = jnp.bfloat16
    b = pl.program_id(0)
    ki = pl.program_id(1)

    valid = bv_ref[b] == 1

    @pl.when(valid)
    def _body():
        @pl.when(ki == 0)
        def _stage():
            xs_ref[...] = xs_in_ref[...].astype(bf16)

        h = lax.dot(xs_ref[...], w1_ref[0].astype(bf16),
                    preferred_element_type=f32) + b1_ref[0]
        h = jax.nn.gelu(h, approximate=True)
        part = lax.dot(h.astype(bf16), w2_ref[0].astype(bf16),
                       preferred_element_type=f32)

        @pl.when(ki == 0)
        def _acc0():
            ya_ref[...] = part

        @pl.when(ki != 0)
        def _accn():
            ya_ref[...] += part

        @pl.when(ki == KI - 1)
        def _emit():
            y_ref[...] = ya_ref[...] + b2_ref[0]


def _sc_combine_kernel(S, Hd, CH, NW, y_hbm, r1_hbm, r2_hbm, w1_hbm, w2_hbm,
                       out_hbm, idx_v, idx2_v, wv1_v, wv2_v,
                       rows1_v, rows2_v, sem):
    nc = lax.axis_index("c")
    ns = lax.axis_index("s")
    wid = ns * 2 + nc
    per_w = S // NW
    nch = per_w // CH

    def chunk_body(c, carry):
        base = wid * per_w + c * CH
        pltpu.sync_copy(r1_hbm.at[pl.ds(base, CH)], idx_v)
        pltpu.sync_copy(r2_hbm.at[pl.ds(base, CH)], idx2_v)
        pltpu.sync_copy(w1_hbm.at[pl.ds(base, CH)], wv1_v)
        pltpu.sync_copy(w2_hbm.at[pl.ds(base, CH)], wv2_v)
        c1 = pltpu.async_copy(y_hbm.at[idx_v], rows1_v, sem)
        c2 = pltpu.async_copy(y_hbm.at[idx2_v], rows2_v, sem)
        c1.wait()
        c2.wait()

        def row_body(i, carry2):
            w1b = wv1_v[i, :]
            w2b = wv2_v[i, :]
            for j in range(Hd // 16):
                sl = pl.ds(j * 16, 16)
                rows1_v[i, sl] = rows1_v[i, sl] * w1b + rows2_v[i, sl] * w2b
            return carry2

        lax.fori_loop(0, CH, row_body, 0, unroll=False)
        pltpu.sync_copy(rows1_v, out_hbm.at[pl.ds(base, CH)])
        return carry

    lax.fori_loop(0, nch, chunk_body, 0, unroll=False)


def kernel(x, gate_w, gate_b, w1, b1, w2, b2):
    Bx, Sx, Hd = x.shape
    E = gate_w.shape[1]
    I = w1.shape[2]
    S = Bx * Sx
    T = 576
    NB = -((-2 * S) // T) + (E - 1)
    TI = 1024
    KI = I // TI
    NW = 32
    CH = 32

    flat32 = x.reshape(S, Hd)
    flat = flat32.astype(jnp.bfloat16)
    gb2 = gate_b.reshape(1, E)

    rank, be, bv, r1, r2, wn1, wn2 = pl.pallas_call(
        functools.partial(_router_kernel, T, NB),
        out_shape=[
            jax.ShapeDtypeStruct((S, E), jnp.float32),
            jax.ShapeDtypeStruct((1, NB), jnp.int32),
            jax.ShapeDtypeStruct((1, NB), jnp.int32),
            jax.ShapeDtypeStruct((S, 1), jnp.int32),
            jax.ShapeDtypeStruct((S, 1), jnp.int32),
            jax.ShapeDtypeStruct((S, 16), jnp.float32),
            jax.ShapeDtypeStruct((S, 16), jnp.float32),
        ],
    )(flat, gate_w, gb2)

    be = be.reshape(NB)
    bv = bv.reshape(NB)
    r1f = r1.reshape(S)
    r2f = r2.reshape(S)

    mesh = plsc.VectorSubcoreMesh(core_axis_name="c", subcore_axis_name="s")
    xs_all = pl.kernel(
        functools.partial(_sc_dispatch_kernel, S, Hd, CH, NW),
        out_type=jax.ShapeDtypeStruct((NB * T, Hd), jnp.float32),
        mesh=mesh,
        scratch_types=[
            pltpu.VMEM((CH,), jnp.int32),
            pltpu.VMEM((CH,), jnp.int32),
            pltpu.VMEM((CH, Hd), jnp.float32),
            pltpu.SemaphoreType.DMA,
        ],
    )(flat32, r1f, r2f)

    def _clamped_ki(b_i, ki_i, bv_s):
        return jnp.where(bv_s[b_i] == 1, ki_i, KI - 1)

    def w1_map(b_i, ki_i, be_s, bv_s):
        return (be_s[b_i], 0, _clamped_ki(b_i, ki_i, bv_s))

    def b1_map(b_i, ki_i, be_s, bv_s):
        return (be_s[b_i] * KI + _clamped_ki(b_i, ki_i, bv_s), 0, 0)

    def w2_map(b_i, ki_i, be_s, bv_s):
        return (be_s[b_i], _clamped_ki(b_i, ki_i, bv_s), 0)

    def b2_map(b_i, ki_i, be_s, bv_s):
        return (be_s[b_i], 0, 0)

    grid_spec = pltpu.PrefetchScalarGridSpec(
        num_scalar_prefetch=2,
        grid=(NB, KI),
        in_specs=[
            pl.BlockSpec((T, Hd), lambda b_i, ki_i, *_: (b_i, 0)),
            pl.BlockSpec((1, Hd, TI), w1_map),
            pl.BlockSpec((1, 1, TI), b1_map),
            pl.BlockSpec((1, TI, Hd), w2_map),
            pl.BlockSpec((1, 1, Hd), b2_map),
        ],
        out_specs=pl.BlockSpec((T, Hd), lambda b_i, ki_i, *_: (b_i, 0)),
        scratch_shapes=[
            pltpu.VMEM((T, Hd), jnp.bfloat16),
            pltpu.VMEM((T, Hd), jnp.float32),
        ],
    )

    y_all = pl.pallas_call(
        functools.partial(_ffn_kernel, T, KI),
        grid_spec=grid_spec,
        out_shape=jax.ShapeDtypeStruct((NB * T, Hd), jnp.float32),
    )(be, bv, xs_all,
      w1, b1.reshape(E * KI, 1, TI), w2, b2.reshape(E, 1, Hd))

    out = pl.kernel(
        functools.partial(_sc_combine_kernel, S, Hd, CH, NW),
        out_type=jax.ShapeDtypeStruct((S, Hd), jnp.float32),
        mesh=mesh,
        scratch_types=[
            pltpu.VMEM((CH,), jnp.int32),
            pltpu.VMEM((CH,), jnp.int32),
            pltpu.VMEM((CH, 16), jnp.float32),
            pltpu.VMEM((CH, 16), jnp.float32),
            pltpu.VMEM((CH, Hd), jnp.float32),
            pltpu.VMEM((CH, Hd), jnp.float32),
            pltpu.SemaphoreType.DMA,
        ],
    )(y_all, r1f, r2f, wn1, wn2)

    return out.reshape(Bx, Sx, Hd)

# --- scband reference (transcript-rebuilt; emitter-appended) ---
"""Pipeline reference for scband-sparse-mo-elayer-62062277427624 (READ-ONLY COPY).

The authoritative reference and input builder live on the scoring server;
editing this copy changes nothing except your own understanding.
"""

import jax, jax.numpy as jnp
import numpy as np

H = 1024
E = 8
I = 4096
B = 1
S = 2048


def setup_inputs(seed: int = 0) -> dict:
    key = jax.random.key(seed)
    ks = jax.random.split(key, 8)
    x = jax.random.normal(ks[0], (B, S, H), dtype=jnp.float32)
    gate_w = jax.random.normal(ks[1], (H, E), dtype=jnp.float32) * 0.02
    gate_b = jnp.zeros((E,), dtype=jnp.float32)
    w1 = jax.random.normal(ks[2], (E, H, I), dtype=jnp.float32) * 0.02
    b1 = jnp.zeros((E, I), dtype=jnp.float32)
    w2 = jax.random.normal(ks[3], (E, I, H), dtype=jnp.float32) * 0.02
    b2 = jnp.zeros((E, H), dtype=jnp.float32)
    return {"x": x, "gate_w": gate_w, "gate_b": gate_b, "w1": w1, "b1": b1, "w2": w2, "b2": b2}


def reference(x, gate_w, gate_b, w1, b1, w2, b2):
    Bx, Sx, Hd = x.shape
    flat = x.reshape(-1, Hd)
    logits = flat @ gate_w + gate_b
    probs = jax.nn.softmax(logits, axis=-1)
    top_w, top_idx = jax.lax.top_k(probs, 2)
    top_w = top_w / (jnp.sum(top_w, axis=-1, keepdims=True) + 1e-06)
    num_experts = gate_w.shape[1]
    out = jnp.zeros_like(flat)
    for i in range(num_experts):
        mask = (top_idx == i)
        w = jnp.sum(jnp.where(mask, top_w, jnp.zeros_like(top_w)), axis=-1)
        h = jax.nn.gelu(flat @ w1[i] + b1[i], approximate=True)
        eo = h @ w2[i] + b2[i]
        out = out + eo * w[:, None]
    return out.reshape(Bx, Sx, Hd)

if __name__ == "__main__":
    import jax
    _d = setup_inputs()
    print(jax.jit(kernel)(*tuple(_d.values())))

</pallas_src>

<mosaic_0001>
#map = affine_map<(d0, d1) -> (0, 0)>
#map1 = affine_map<(d0, d1) -> (0)>
module attributes {stable_mosaic.version = 14 : i64} {
  func.func @_sc_dispatch_kernel(%arg0: i32, %arg1: i32, %arg2: memref<2048x1024xf32, #tpu.memory_space<hbm>>, %arg3: memref<2048xi32, #tpu.memory_space<hbm>>, %arg4: memref<2048xi32, #tpu.memory_space<hbm>>, %arg5: memref<8640x1024xf32, #tpu.memory_space<hbm>>, %arg6: memref<32xi32, #tpu.memory_space<vmem>>, %arg7: memref<32xi32, #tpu.memory_space<vmem>>, %arg8: memref<32x1024xf32, #tpu.memory_space<vmem>>, %arg9: memref<!tpu.dma_semaphore, #tpu.memory_space<semaphore_mem>>) attributes {dimension_semantics = [#tpu.dimension_semantics<core_parallel>, #tpu.dimension_semantics<subcore_parallel>], iteration_bounds = array<i64: 2, 16>, scalar_prefetch = 0 : i64, scratch_operands = 4 : i64, tpu.core_type = #tpu.core_type<sc_vector_subcore>, window_params = [{transform_indices = #map}, {transform_indices = #map1}, {transform_indices = #map1}, {transform_indices = #map}]} {
    %mul3A = arith.constant 2 : i32
    %mul3A_0 = arith.muli %arg1, %mul3A : i32
    %add3A = arith.addi %mul3A_0, %arg0 : i32
    %scan3A = arith.constant 0 : i32
    %scan3A_1 = arith.constant 0 : i32
    %scan3A_2 = arith.constant 2 : i32
    %scan3A_3 = arith.addi %scan3A_1, %scan3A_2 : i32
    %scan3A_4 = arith.constant 1 : i32
    scf.for %scan3A_6 = %scan3A_1 to %scan3A_3 step %scan3A_4  : i32 {
      %mul3A_7 = arith.constant 64 : i32
      %mul3A_8 = arith.muli %add3A, %mul3A_7 : i32
      %mul3A_9 = arith.constant 32 : i32
      %mul3A_10 = arith.muli %scan3A_6, %mul3A_9 : i32
      %add3A_11 = arith.addi %mul3A_8, %mul3A_10 : i32
      "tpu.region"() ({
        %run_scoped3A = tpu.sem_alloc : memref<!tpu.dma_semaphore, #tpu.memory_space<semaphore_mem>>
        %dma_start3A_22 = arith.constant 0 : i32
        %dma_start3A_23 = tpu.memref_slice %arg2[%add3A_11, %dma_start3A_22] : memref<2048x1024xf32, #tpu.memory_space<hbm>> -> memref<32x1024xf32, #tpu.memory_space<hbm>>
        %dma_start3A_24 = arith.constant 0 : i32
        %dma_start3A_25 = tpu.memref_slice %arg2[%add3A_11, %dma_start3A_24] : memref<2048x1024xf32, #tpu.memory_space<hbm>> -> memref<32x1024xf32, #tpu.memory_space<hbm>>
        tpu.enqueue_dma source(%dma_start3A_25 : memref<32x1024xf32, #tpu.memory_space<hbm>>) target(%arg8 : memref<32x1024xf32, #tpu.memory_space<vmem>>) target_semaphore(%run_scoped3A : memref<!tpu.dma_semaphore, #tpu.memory_space<semaphore_mem>>)
        %dma_wait3A_26 = arith.constant 0 : i32
        %dma_wait3A_27 = tpu.memref_slice %arg2[%add3A_11, %dma_wait3A_26] : memref<2048x1024xf32, #tpu.memory_space<hbm>> -> memref<32x1024xf32, #tpu.memory_space<hbm>>
        %dma_wait3A_28 = arith.constant 0 : i32
        %dma_wait3A_29 = tpu.memref_slice %arg2[%add3A_11, %dma_wait3A_28] : memref<2048x1024xf32, #tpu.memory_space<hbm>> -> memref<32x1024xf32, #tpu.memory_space<hbm>>
        tpu.wait_dma2 semaphore(%run_scoped3A : memref<!tpu.dma_semaphore, #tpu.memory_space<semaphore_mem>>) src(%dma_wait3A_29 : memref<32x1024xf32, #tpu.memory_space<hbm>>) dst(%arg8 : memref<32x1024xf32, #tpu.memory_space<vmem>>)
        tpu.yield
      }) : () -> ()
      "tpu.region"() ({
        %run_scoped3A = tpu.sem_alloc : memref<!tpu.dma_semaphore, #tpu.memory_space<semaphore_mem>>
        %dma_start3A_22 = tpu.memref_slice %arg3[%add3A_11] : memref<2048xi32, #tpu.memory_space<hbm>> -> memref<32xi32, #tpu.memory_space<hbm>>
        %dma_start3A_23 = tpu.memref_slice %arg3[%add3A_11] : memref<2048xi32, #tpu.memory_space<hbm>> -> memref<32xi32, #tpu.memory_space<hbm>>
        tpu.enqueue_dma source(%dma_start3A_23 : memref<32xi32, #tpu.memory_space<hbm>>) target(%arg6 : memref<32xi32, #tpu.memory_space<vmem>>) target_semaphore(%run_scoped3A : memref<!tpu.dma_semaphore, #tpu.memory_space<semaphore_mem>>)
        %dma_wait3A_24 = tpu.memref_slice %arg3[%add3A_11] : memref<2048xi32, #tpu.memory_space<hbm>> -> memref<32xi32, #tpu.memory_space<hbm>>
        %dma_wait3A_25 = tpu.memref_slice %arg3[%add3A_11] : memref<2048xi32, #tpu.memory_space<hbm>> -> memref<32xi32, #tpu.memory_space<hbm>>
        tpu.wait_dma2 semaphore(%run_scoped3A : memref<!tpu.dma_semaphore, #tpu.memory_space<semaphore_mem>>) src(%dma_wait3A_25 : memref<32xi32, #tpu.memory_space<hbm>>) dst(%arg6 : memref<32xi32, #tpu.memory_space<vmem>>)
        tpu.yield
      }) : () -> ()
      "tpu.region"() ({
        %run_scoped3A = tpu.sem_alloc : memref<!tpu.dma_semaphore, #tpu.memory_space<semaphore_mem>>
        %dma_start3A_22 = tpu.memref_slice %arg4[%add3A_11] : memref<2048xi32, #tpu.memory_space<hbm>> -> memref<32xi32, #tpu.memory_space<hbm>>
        %dma_start3A_23 = tpu.memref_slice %arg4[%add3A_11] : memref<2048xi32, #tpu.memory_space<hbm>> -> memref<32xi32, #tpu.memory_space<hbm>>
        tpu.enqueue_dma source(%dma_start3A_23 : memref<32xi32, #tpu.memory_space<hbm>>) target(%arg7 : memref<32xi32, #tpu.memory_space<vmem>>) target_semaphore(%run_scoped3A : memref<!tpu.dma_semaphore, #tpu.memory_space<semaphore_mem>>)
        %dma_wait3A_24 = tpu.memref_slice %arg4[%add3A_11] : memref<2048xi32, #tpu.memory_space<hbm>> -> memref<32xi32, #tpu.memory_space<hbm>>
        %dma_wait3A_25 = tpu.memref_slice %arg4[%add3A_11] : memref<2048xi32, #tpu.memory_space<hbm>> -> memref<32xi32, #tpu.memory_space<hbm>>
        tpu.wait_dma2 semaphore(%run_scoped3A : memref<!tpu.dma_semaphore, #tpu.memory_space<semaphore_mem>>) src(%dma_wait3A_25 : memref<32xi32, #tpu.memory_space<hbm>>) dst(%arg7 : memref<32xi32, #tpu.memory_space<vmem>>)
        tpu.yield
      }) : () -> ()
      %dma_start3A = arith.constant 0 : i32
      %dma_start3A_12 = arith.constant 0 : i32
      %dma_start3A_13 = tpu.memref_slice %arg5[%dma_start3A, %dma_start3A_12] : memref<8640x1024xf32, #tpu.memory_space<hbm>> -> memref<8640x1024xf32, #tpu.memory_space<hbm>>
      tpu.enqueue_indirect_dma source(%arg8 : memref<32x1024xf32, #tpu.memory_space<vmem>>) target(%dma_start3A_13 : memref<8640x1024xf32, #tpu.memory_space<hbm>>) offsets(%arg6 : memref<32xi32, #tpu.memory_space<vmem>>) semaphore(%arg9 : memref<!tpu.dma_semaphore, #tpu.memory_space<semaphore_mem>>)
      %dma_start3A_14 = arith.constant 0 : i32
      %dma_start3A_15 = arith.constant 0 : i32
      %dma_start3A_16 = tpu.memref_slice %arg5[%dma_start3A_14, %dma_start3A_15] : memref<8640x1024xf32, #tpu.memory_space<hbm>> -> memref<8640x1024xf32, #tpu.memory_space<hbm>>
      tpu.enqueue_indirect_dma source(%arg8 : memref<32x1024xf32, #tpu.memory_space<vmem>>) target(%dma_start3A_16 : memref<8640x1024xf32, #tpu.memory_space<hbm>>) offsets(%arg7 : memref<32xi32, #tpu.memory_space<vmem>>) semaphore(%arg9 : memref<!tpu.dma_semaphore, #tpu.memory_space<semaphore_mem>>)
      %dma_wait3A = arith.constant 0 : i32
      %dma_wait3A_17 = arith.constant 0 : i32
      %dma_wait3A_18 = tpu.memref_slice %arg5[%dma_wait3A, %dma_wait3A_17] : memref<8640x1024xf32, #tpu.memory_space<hbm>> -> memref<8640x1024xf32, #tpu.memory_space<hbm>>
      tpu.wait_indirect_dma semaphore(%arg9 : memref<!tpu.dma_semaphore, #tpu.memory_space<semaphore_mem>>) src(%arg8 : memref<32x1024xf32, #tpu.memory_space<vmem>>) dst(%dma_wait3A_18 : memref<8640x1024xf32, #tpu.memory_space<hbm>>)
      %dma_wait3A_19 = arith.constant 0 : i32
      %dma_wait3A_20 = arith.constant 0 : i32
      %dma_wait3A_21 = tpu.memref_slice %arg5[%dma_wait3A_19, %dma_wait3A_20] : memref<8640x1024xf32, #tpu.memory_space<hbm>> -> memref<8640x1024xf32, #tpu.memory_space<hbm>>
      tpu.wait_indirect_dma semaphore(%arg9 : memref<!tpu.dma_semaphore, #tpu.memory_space<semaphore_mem>>) src(%arg8 : memref<32x1024xf32, #tpu.memory_space<vmem>>) dst(%dma_wait3A_21 : memref<8640x1024xf32, #tpu.memory_space<hbm>>)
    }
    %scan3A_5 = arith.constant 2 : i32
    return
  }
}

#map = affine_map<(d0, d1) -> (0, 0)>
#map1 = affine_map<(d0, d1) -> (0)>
module attributes {stable_mosaic.version = 14 : i64} {
  func.func @_sc_combine_kernel(%arg0: i32, %arg1: i32, %arg2: memref<8640x1024xf32, #tpu.memory_space<hbm>>, %arg3: memref<2048xi32, #tpu.memory_space<hbm>>, %arg4: memref<2048xi32, #tpu.memory_space<hbm>>, %arg5: memref<2048x16xf32, #tpu.memory_space<hbm>>, %arg6: memref<2048x16xf32, #tpu.memory_space<hbm>>, %arg7: memref<2048x1024xf32, #tpu.memory_space<hbm>>, %arg8: memref<32xi32, #tpu.memory_space<vmem>>, %arg9: memref<32xi32, #tpu.memory_space<vmem>>, %arg10: memref<32x16xf32, #tpu.memory_space<vmem>>, %arg11: memref<32x16xf32, #tpu.memory_space<vmem>>, %arg12: memref<32x1024xf32, #tpu.memory_space<vmem>>, %arg13: memref<32x1024xf32, #tpu.memory_space<vmem>>, %arg14: memref<!tpu.dma_semaphore, #tpu.memory_space<semaphore_mem>>) attributes {dimension_semantics = [#tpu.dimension_semantics<core_parallel>, #tpu.dimension_semantics<subcore_parallel>], iteration_bounds = array<i64: 2, 16>, scalar_prefetch = 0 : i64, scratch_operands = 7 : i64, tpu.core_type = #tpu.core_type<sc_vector_subcore>, window_params = [{transform_indices = #map}, {transform_indices = #map1}, {transform_indices = #map1}, {transform_indices = #map}, {transform_indices = #map}, {transform_indices = #map}]} {
    %mul3A = arith.constant 2 : i32
    %mul3A_0 = arith.muli %arg1, %mul3A : i32
    %add3A = arith.addi %mul3A_0, %arg0 : i32
    %scan3A = arith.constant 0 : i32
    %scan3A_1 = arith.constant 0 : i32
    %scan3A_2 = arith.constant 2 : i32
    %scan3A_3 = arith.addi %scan3A_1, %scan3A_2 : i32
    %scan3A_4 = arith.constant 1 : i32
    scf.for %scan3A_6 = %scan3A_1 to %scan3A_3 step %scan3A_4  : i32 {
      %mul3A_7 = arith.constant 64 : i32
      %mul3A_8 = arith.muli %add3A, %mul3A_7 : i32
      %mul3A_9 = arith.constant 32 : i32
      %mul3A_10 = arith.muli %scan3A_6, %mul3A_9 : i32
      %add3A_11 = arith.addi %mul3A_8, %mul3A_10 : i32
      "tpu.region"() ({
        %run_scoped3A = tpu.sem_alloc : memref<!tpu.dma_semaphore, #tpu.memory_space<semaphore_mem>>
        %dma_start3A_28 = tpu.memref_slice %arg3[%add3A_11] : memref<2048xi32, #tpu.memory_space<hbm>> -> memref<32xi32, #tpu.memory_space<hbm>>
        %dma_start3A_29 = tpu.memref_slice %arg3[%add3A_11] : memref<2048xi32, #tpu.memory_space<hbm>> -> memref<32xi32, #tpu.memory_space<hbm>>
        tpu.enqueue_dma source(%dma_start3A_29 : memref<32xi32, #tpu.memory_space<hbm>>) target(%arg8 : memref<32xi32, #tpu.memory_space<vmem>>) target_semaphore(%run_scoped3A : memref<!tpu.dma_semaphore, #tpu.memory_space<semaphore_mem>>)
        %dma_wait3A_30 = tpu.memref_slice %arg3[%add3A_11] : memref<2048xi32, #tpu.memory_space<hbm>> -> memref<32xi32, #tpu.memory_space<hbm>>
        %dma_wait3A_31 = tpu.memref_slice %arg3[%add3A_11] : memref<2048xi32, #tpu.memory_space<hbm>> -> memref<32xi32, #tpu.memory_space<hbm>>
        tpu.wait_dma2 semaphore(%run_scoped3A : memref<!tpu.dma_semaphore, #tpu.memory_space<semaphore_mem>>) src(%dma_wait3A_31 : memref<32xi32, #tpu.memory_space<hbm>>) dst(%arg8 : memref<32xi32, #tpu.memory_space<vmem>>)
        tpu.yield
      }) : () -> ()
      "tpu.region"() ({
        %run_scoped3A = tpu.sem_alloc : memref<!tpu.dma_semaphore, #tpu.memory_space<semaphore_mem>>
        %dma_start3A_28 = tpu.memref_slice %arg4[%add3A_11] : memref<2048xi32, #tpu.memory_space<hbm>> -> memref<32xi32, #tpu.memory_space<hbm>>
        %dma_start3A_29 = tpu.memref_slice %arg4[%add3A_11] : memref<2048xi32, #tpu.memory_space<hbm>> -> memref<32xi32, #tpu.memory_space<hbm>>
        tpu.enqueue_dma source(%dma_start3A_29 : memref<32xi32, #tpu.memory_space<hbm>>) target(%arg9 : memref<32xi32, #tpu.memory_space<vmem>>) target_semaphore(%run_scoped3A : memref<!tpu.dma_semaphore, #tpu.memory_space<semaphore_mem>>)
        %dma_wait3A_30 = tpu.memref_slice %arg4[%add3A_11] : memref<2048xi32, #tpu.memory_space<hbm>> -> memref<32xi32, #tpu.memory_space<hbm>>
        %dma_wait3A_31 = tpu.memref_slice %arg4[%add3A_11] : memref<2048xi32, #tpu.memory_space<hbm>> -> memref<32xi32, #tpu.memory_space<hbm>>
        tpu.wait_dma2 semaphore(%run_scoped3A : memref<!tpu.dma_semaphore, #tpu.memory_space<semaphore_mem>>) src(%dma_wait3A_31 : memref<32xi32, #tpu.memory_space<hbm>>) dst(%arg9 : memref<32xi32, #tpu.memory_space<vmem>>)
        tpu.yield
      }) : () -> ()
      "tpu.region"() ({
        %run_scoped3A = tpu.sem_alloc : memref<!tpu.dma_semaphore, #tpu.memory_space<semaphore_mem>>
        %dma_start3A_28 = arith.constant 0 : i32
        %dma_start3A_29 = tpu.memref_slice %arg5[%add3A_11, %dma_start3A_28] : memref<2048x16xf32, #tpu.memory_space<hbm>> -> memref<32x16xf32, #tpu.memory_space<hbm>>
        %dma_start3A_30 = arith.constant 0 : i32
        %dma_start3A_31 = tpu.memref_slice %arg5[%add3A_11, %dma_start3A_30] : memref<2048x16xf32, #tpu.memory_space<hbm>> -> memref<32x16xf32, #tpu.memory_space<hbm>>
        tpu.enqueue_dma source(%dma_start3A_31 : memref<32x16xf32, #tpu.memory_space<hbm>>) target(%arg10 : memref<32x16xf32, #tpu.memory_space<vmem>>) target_semaphore(%run_scoped3A : memref<!tpu.dma_semaphore, #tpu.memory_space<semaphore_mem>>)
        %dma_wait3A_32 = arith.constant 0 : i32
        %dma_wait3A_33 = tpu.memref_slice %arg5[%add3A_11, %dma_wait3A_32] : memref<2048x16xf32, #tpu.memory_space<hbm>> -> memref<32x16xf32, #tpu.memory_space<hbm>>
        %dma_wait3A_34 = arith.constant 0 : i32
        %dma_wait3A_35 = tpu.memref_slice %arg5[%add3A_11, %dma_wait3A_34] : memref<2048x16xf32, #tpu.memory_space<hbm>> -> memref<32x16xf32, #tpu.memory_space<hbm>>
        tpu.wait_dma2 semaphore(%run_scoped3A : memref<!tpu.dma_semaphore, #tpu.memory_space<semaphore_mem>>) src(%dma_wait3A_35 : memref<32x16xf32, #tpu.memory_space<hbm>>) dst(%arg10 : memref<32x16xf32, #tpu.memory_space<vmem>>)
        tpu.yield
      }) : () -> ()
      "tpu.region"() ({
        %run_scoped3A = tpu.sem_alloc : memref<!tpu.dma_semaphore, #tpu.memory_space<semaphore_mem>>
        %dma_start3A_28 = arith.constant 0 : i32
        %dma_start3A_29 = tpu.memref_slice %arg6[%add3A_11, %dma_start3A_28] : memref<2048x16xf32, #tpu.memory_space<hbm>> -> memref<32x16xf32, #tpu.memory_space<hbm>>
        %dma_start3A_30 = arith.constant 0 : i32
        %dma_start3A_31 = tpu.memref_slice %arg6[%add3A_11, %dma_start3A_30] : memref<2048x16xf32, #tpu.memory_space<hbm>> -> memref<32x16xf32, #tpu.memory_space<hbm>>
        tpu.enqueue_dma source(%dma_start3A_31 : memref<32x16xf32, #tpu.memory_space<hbm>>) target(%arg11 : memref<32x16xf32, #tpu.memory_space<vmem>>) target_semaphore(%run_scoped3A : memref<!tpu.dma_semaphore, #tpu.memory_space<semaphore_mem>>)
        %dma_wait3A_32 = arith.constant 0 : i32
        %dma_wait3A_33 = tpu.memref_slice %arg6[%add3A_11, %dma_wait3A_32] : memref<2048x16xf32, #tpu.memory_space<hbm>> -> memref<32x16xf32, #tpu.memory_space<hbm>>
        %dma_wait3A_34 = arith.constant 0 : i32
        %dma_wait3A_35 = tpu.memref_slice %arg6[%add3A_11, %dma_wait3A_34] : memref<2048x16xf32, #tpu.memory_space<hbm>> -> memref<32x16xf32, #tpu.memory_space<hbm>>
        tpu.wait_dma2 semaphore(%run_scoped3A : memref<!tpu.dma_semaphore, #tpu.memory_space<semaphore_mem>>) src(%dma_wait3A_35 : memref<32x16xf32, #tpu.memory_space<hbm>>) dst(%arg11 : memref<32x16xf32, #tpu.memory_space<vmem>>)
        tpu.yield
      }) : () -> ()
      %dma_start3A = arith.constant 0 : i32
      %dma_start3A_12 = arith.constant 0 : i32
      %dma_start3A_13 = tpu.memref_slice %arg2[%dma_start3A, %dma_start3A_12] : memref<8640x1024xf32, #tpu.memory_space<hbm>> -> memref<8640x1024xf32, #tpu.memory_space<hbm>>
      tpu.enqueue_indirect_dma source(%dma_start3A_13 : memref<8640x1024xf32, #tpu.memory_space<hbm>>) target(%arg12 : memref<32x1024xf32, #tpu.memory_space<vmem>>) offsets(%arg8 : memref<32xi32, #tpu.memory_space<vmem>>) semaphore(%arg14 : memref<!tpu.dma_semaphore, #tpu.memory_space<semaphore_mem>>)
      %dma_start3A_14 = arith.constant 0 : i32
      %dma_start3A_15 = arith.constant 0 : i32
      %dma_start3A_16 = tpu.memref_slice %arg2[%dma_start3A_14, %dma_start3A_15] : memref<8640x1024xf32, #tpu.memory_space<hbm>> -> memref<8640x1024xf32, #tpu.memory_space<hbm>>
      tpu.enqueue_indirect_dma source(%dma_start3A_16 : memref<8640x1024xf32, #tpu.memory_space<hbm>>) target(%arg13 : memref<32x1024xf32, #tpu.memory_space<vmem>>) offsets(%arg9 : memref<32xi32, #tpu.memory_space<vmem>>) semaphore(%arg14 : memref<!tpu.dma_semaphore, #tpu.memory_space<semaphore_mem>>)
      %dma_wait3A = arith.constant 0 : i32
      %dma_wait3A_17 = arith.constant 0 : i32
      %dma_wait3A_18 = tpu.memref_slice %arg2[%dma_wait3A, %dma_wait3A_17] : memref<8640x1024xf32, #tpu.memory_space<hbm>> -> memref<8640x1024xf32, #tpu.memory_space<hbm>>
      tpu.wait_indirect_dma semaphore(%arg14 : memref<!tpu.dma_semaphore, #tpu.memory_space<semaphore_mem>>) src(%dma_wait3A_18 : memref<8640x1024xf32, #tpu.memory_space<hbm>>) dst(%arg12 : memref<32x1024xf32, #tpu.memory_space<vmem>>)
      %dma_wait3A_19 = arith.constant 0 : i32
      %dma_wait3A_20 = arith.constant 0 : i32
      %dma_wait3A_21 = tpu.memref_slice %arg2[%dma_wait3A_19, %dma_wait3A_20] : memref<8640x1024xf32, #tpu.memory_space<hbm>> -> memref<8640x1024xf32, #tpu.memory_space<hbm>>
      tpu.wait_indirect_dma semaphore(%arg14 : memref<!tpu.dma_semaphore, #tpu.memory_space<semaphore_mem>>) src(%dma_wait3A_21 : memref<8640x1024xf32, #tpu.memory_space<hbm>>) dst(%arg13 : memref<32x1024xf32, #tpu.memory_space<vmem>>)
      %scan3A_22 = arith.constant 0 : i32
      %scan3A_23 = arith.constant 0 : i32
      %scan3A_24 = arith.constant 32 : i32
      %scan3A_25 = arith.addi %scan3A_23, %scan3A_24 : i32
      %scan3A_26 = arith.constant 1 : i32
      scf.for %scan3A_28 = %scan3A_23 to %scan3A_25 step %scan3A_26  : i32 {
        %get3A = arith.index_cast %scan3A_28 : i32 to index
        %get3A_29 = arith.constant 0 : index
        %get3A_30 = tpu.vector_load %arg10[%get3A, %get3A_29] {strides = array<i32>} : memref<32x16xf32, #tpu.memory_space<vmem>>, vector<1x16xf32>,
        %get3A_31 = vector.shape_cast %get3A_30 : vector<1x16xf32> to vector<16xf32>
        %get3A_32 = arith.index_cast %scan3A_28 : i32 to index
        %get3A_33 = arith.constant 0 : index
        %get3A_34 = tpu.vector_load %arg11[%get3A_32, %get3A_33] {strides = array<i32>} : memref<32x16xf32, #tpu.memory_space<vmem>>, vector<1x16xf32>,
        %get3A_35 = vector.shape_cast %get3A_34 : vector<1x16xf32> to vector<16xf32>
        %get3A_36 = arith.index_cast %scan3A_28 : i32 to index
        %get3A_37 = arith.constant 0 : index
        %get3A_38 = tpu.vector_load %arg12[%get3A_36, %get3A_37] {strides = array<i32>} : memref<32x1024xf32, #tpu.memory_space<vmem>>, vector<1x16xf32>,
        %get3A_39 = vector.shape_cast %get3A_38 : vector<1x16xf32> to vector<16xf32>
        %mul3A_40 = arith.mulf %get3A_39, %get3A_31 : vector<16xf32>
        %get3A_41 = arith.index_cast %scan3A_28 : i32 to index
        %get3A_42 = arith.constant 0 : index
        %get3A_43 = tpu.vector_load %arg13[%get3A_41, %get3A_42] {strides = array<i32>} : memref<32x1024xf32, #tpu.memory_space<vmem>>, vector<1x16xf32>,
        %get3A_44 = vector.shape_cast %get3A_43 : vector<1x16xf32> to vector<16xf32>
        %mul3A_45 = arith.mulf %get3A_44, %get3A_35 : vector<16xf32>
        %add3A_46 = arith.addf %mul3A_40, %mul3A_45 : vector<16xf32>
        %swap3A = arith.index_cast %scan3A_28 : i32 to index
        %swap3A_47 = arith.constant 0 : index
        %swap3A_48 = tpu.vector_load %arg12[%swap3A, %swap3A_47] {strides = array<i32>} : memref<32x1024xf32, #tpu.memory_space<vmem>>, vector<1x16xf32>,
        %swap3A_49 = vector.shape_cast %swap3A_48 : vector<1x16xf32> to vector<16xf32>
        %swap3A_50 = vector.shape_cast %add3A_46 : vector<16xf32> to vector<1x16xf32>
        tpu.vector_store %arg12[%swap3A, %swap3A_47], %swap3A_50 {strides = array<i32>} : memref<32x1024xf32, #tpu.memory_space<vmem>>, vector<1x16xf32>,
        %get3A_51 = arith.index_cast %scan3A_28 : i32 to index
        %get3A_52 = arith.constant 16 : index
        %get3A_53 = tpu.vector_load %arg12[%get3A_51, %get3A_52] {strides = array<i32>} : memref<32x1024xf32, #tpu.memory_space<vmem>>, vector<1x16xf32>,
        %get3A_54 = vector.shape_cast %get3A_53 : vector<1x16xf32> to vector<16xf32>
        %mul3A_55 = arith.mulf %get3A_54, %get3A_31 : vector<16xf32>
        %get3A_56 = arith.index_cast %scan3A_28 : i32 to index
        %get3A_57 = arith.constant 16 : index
        %get3A_58 = tpu.vector_load %arg13[%get3A_56, %get3A_57] {strides = array<i32>} : memref<32x1024xf32, #tpu.memory_space<vmem>>, vector<1x16xf32>,
        %get3A_59 = vector.shape_cast %get3A_58 : vector<1x16xf32> to vector<16xf32>
        %mul3A_60 = arith.mulf %get3A_59, %get3A_35 : vector<16xf32>
        %add3A_61 = arith.addf %mul3A_55, %mul3A_60 : vector<16xf32>
        %swap3A_62 = arith.index_cast %scan3A_28 : i32 to index
        %swap3A_63 = arith.constant 16 : index
        %swap3A_64 = tpu.vector_load %arg12[%swap3A_62, %swap3A_63] {strides = array<i32>} : memref<32x1024xf32, #tpu.memory_space<vmem>>, vector<1x16xf32>,
        %swap3A_65 = vector.shape_cast %swap3A_64 : vector<1x16xf32> to vector<16xf32>
        %swap3A_66 = vector.shape_cast %add3A_61 : vector<16xf32> to vector<1x16xf32>
        tpu.vector_store %arg12[%swap3A_62, %swap3A_63], %swap3A_66 {strides = array<i32>} : memref<32x1024xf32, #tpu.memory_space<vmem>>, vector<1x16xf32>,
        %get3A_67 = arith.index_cast %scan3A_28 : i32 to index
        %get3A_68 = arith.constant 32 : index
        %get3A_69 = tpu.vector_load %arg12[%get3A_67, %get3A_68] {strides = array<i32>} : memref<32x1024xf32, #tpu.memory_space<vmem>>, vector<1x16xf32>,
        %get3A_70 = vector.shape_cast %get3A_69 : vector<1x16xf32> to vector<16xf32>
        %mul3A_71 = arith.mulf %get3A_70, %get3A_31 : vector<16xf32>
        %get3A_72 = arith.index_cast %scan3A_28 : i32 to index
        %get3A_73 = arith.constant 32 : index
        %get3A_74 = tpu.vector_load %arg13[%get3A_72, %get3A_73] {strides = array<i32>} : memref<32x1024xf32, #tpu.memory_space<vmem>>, vector<1x16xf32>,
        %get3A_75 = vector.shape_cast %get3A_74 : vector<1x16xf32> to vector<16xf32>
        %mul3A_76 = arith.mulf %get3A_75, %get3A_35 : vector<16xf32>
        %add3A_77 = arith.addf %mul3A_71, %mul3A_76 : vector<16xf32>
        %swap3A_78 = arith.index_cast %scan3A_28 : i32 to index
        %swap3A_79 = arith.constant 32 : index
        %swap3A_80 = tpu.vector_load %arg12[%swap3A_78, %swap3A_79] {strides = array<i32>} : memref<32x1024xf32, #tpu.memory_space<vmem>>, vector<1x16xf32>,
        %swap3A_81 = vector.shape_cast %swap3A_80 : vector<1x16xf32> to vector<16xf32>
        %swap3A_82 = vector.shape_cast %add3A_77 : vector<16xf32> to vector<1x16xf32>
        tpu.vector_store %arg12[%swap3A_78, %swap3A_79], %swap3A_82 {strides = array<i32>} : memref<32x1024xf32, #tpu.memory_space<vmem>>, vector<1x16xf32>,
        %get3A_83 = arith.index_cast %scan3A_28 : i32 to index
        %get3A_84 = arith.constant 48 : index
        %get3A_85 = tpu.vector_load %arg12[%get3A_83, %get3A_84] {strides = array<i32>} : memref<32x1024xf32, #tpu.memory_space<vmem>>, vector<1x16xf32>,
        %get3A_86 = vector.shape_cast %get3A_85 : vector<1x16xf32> to vector<16xf32>
        %mul3A_87 = arith.mulf %get3A_86, %get3A_31 : vector<16xf32>
        %get3A_88 = arith.index_cast %scan3A_28 : i32 to index
        %get3A_89 = arith.constant 48 : index
        %get3A_90 = tpu.vector_load %arg13[%get3A_88, %get3A_89] {strides = array<i32>} : memref<32x1024xf32, #tpu.memory_space<vmem>>, vector<1x16xf32>,
        %get3A_91 = vector.shape_cast %get3A_90 : vector<1x16xf32> to vector<16xf32>
        %mul3A_92 = arith.mulf %get3A_91, %get3A_35 : vector<16xf32>
        %add3A_93 = arith.addf %mul3A_87, %mul3A_92 : vector<16xf32>
        %swap3A_94 = arith.index_cast %scan3A_28 : i32 to index
        %swap3A_95 = arith.constant 48 : index
        %swap3A_96 = tpu.vector_load %arg12[%swap3A_94, %swap3A_95] {strides = array<i32>} : memref<32x1024xf32, #tpu.memory_space<vmem>>, vector<1x16xf32>,
        %swap3A_97 = vector.shape_cast %swap3A_96 : vector<1x16xf32> to vector<16xf32>
        %swap3A_98 = vector.shape_cast %add3A_93 : vector<16xf32> to vector<1x16xf32>
        tpu.vector_store %arg12[%swap3A_94, %swap3A_95], %swap3A_98 {strides = array<i32>} : memref<32x1024xf32, #tpu.memory_space<vmem>>, vector<1x16xf32>,
        %get3A_99 = arith.index_cast %scan3A_28 : i32 to index
        %get3A_100 = arith.constant 64 : index
        %get3A_101 = tpu.vector_load %arg12[%get3A_99, %get3A_100] {strides = array<i32>} : memref<32x1024xf32, #tpu.memory_space<vmem>>, vector<1x16xf32>,
        %get3A_102 = vector.shape_cast %get3A_101 : vector<1x16xf32> to vector<16xf32>
        %mul3A_103 = arith.mulf %get3A_102, %get3A_31 : vector<16xf32>
        %get3A_104 = arith.index_cast %scan3A_28 : i32 to index
        %get3A_105 = arith.constant 64 : index
        %get3A_106 = tpu.vector_load %arg13[%get3A_104, %get3A_105] {strides = array<i32>} : memref<32x1024xf32, #tpu.memory_space<vmem>>, vector<1x16xf32>,
        %get3A_107 = vector.shape_cast %get3A_106 : vector<1x16xf32> to vector<16xf32>
        %mul3A_108 = arith.mulf %get3A_107, %get3A_35 : vector<16xf32>
        %add3A_109 = arith.addf %mul3A_103, %mul3A_108 : vector<16xf32>
        %swap3A_110 = arith.index_cast %scan3A_28 : i32 to index
        %swap3A_111 = arith.constant 64 : index
        %swap3A_112 = tpu.vector_load %arg12[%swap3A_110, %swap3A_111] {strides = array<i32>} : memref<32x1024xf32, #tpu.memory_space<vmem>>, vector<1x16xf32>,
        %swap3A_113 = vector.shape_cast %swap3A_112 : vector<1x16xf32> to vector<16xf32>
        %swap3A_114 = vector.shape_cast %add3A_109 : vector<16xf32> to vector<1x16xf32>
        tpu.vector_store %arg12[%swap3A_110, %swap3A_111], %swap3A_114 {strides = array<i32>} : memref<32x1024xf32, #tpu.memory_space<vmem>>, vector<1x16xf32>,
        %get3A_115 = arith.index_cast %scan3A_28 : i32 to index
        %get3A_116 = arith.constant 80 : index
        %get3A_117 = tpu.vector_load %arg12[%get3A_115, %get3A_116] {strides = array<i32>} : memref<32x1024xf32, #tpu.memory_space<vmem>>, vector<1x16xf32>,
        %get3A_118 = vector.shape_cast %get3A_117 : vector<1x16xf32> to vector<16xf32>
        %mul3A_119 = arith.mulf %get3A_118, %get3A_31 : vector<16xf32>
        %get3A_120 = arith.index_cast %scan3A_28 : i32 to index
        %get3A_121 = arith.constant 80 : index
        %get3A_122 = tpu.vector_load %arg13[%get3A_120, %get3A_121] {strides = array<i32>} : memref<32x1024xf32, #tpu.memory_space<vmem>>, vector<1x16xf32>,
        %get3A_123 = vector.shape_cast %get3A_122 : vector<1x16xf32> to vector<16xf32>
        %mul3A_124 = arith.mulf %get3A_123, %get3A_35 : vector<16xf32>
        %add3A_125 = arith.addf %mul3A_119, %mul3A_124 : vector<16xf32>
        %swap3A_126 = arith.index_cast %scan3A_28 : i32 to index
        %swap3A_127 = arith.constant 80 : index
        %swap3A_128 = tpu.vector_load %arg12[%swap3A_126, %swap3A_127] {strides = array<i32>} : memref<32x1024xf32, #tpu.memory_space<vmem>>, vector<1x16xf32>,
        %swap3A_129 = vector.shape_cast %swap3A_128 : vector<1x16xf32> to vector<16xf32>
        %swap3A_130 = vector.shape_cast %add3A_125 : vector<16xf32> to vector<1x16xf32>
        tpu.vector_store %arg12[%swap3A_126, %swap3A_127], %swap3A_130 {strides = array<i32>} : memref<32x1024xf32, #tpu.memory_space<vmem>>, vector<1x16xf32>,
        %get3A_131 = arith.index_cast %scan3A_28 : i32 to index
        %get3A_132 = arith.constant 96 : index
        %get3A_133 = tpu.vector_load %arg12[%get3A_131, %get3A_132] {strides = array<i32>} : memref<32x1024xf32, #tpu.memory_space<vmem>>, vector<1x16xf32>,
        %get3A_134 = vector.shape_cast %get3A_133 : vector<1x16xf32> to vector<16xf32>
        %mul3A_135 = arith.mulf %get3A_134, %get3A_31 : vector<16xf32>
        %get3A_136 = arith.index_cast %scan3A_28 : i32 to index
        %get3A_137 = arith.constant 96 : index
        %get3A_138 = tpu.vector_load %arg13[%get3A_136, %get3A_137] {strides = array<i32>} : memref<32x1024xf32, #tpu.memory_space<vmem>>, vector<1x16xf32>,
        %get3A_139 = vector.shape_cast %get3A_138 : vector<1x16xf32> to vector<16xf32>
        %mul3A_140 = arith.mulf %get3A_139, %get3A_35 : vector<16xf32>
        %add3A_141 = arith.addf %mul3A_135, %mul3A_140 : vector<16xf32>
        %swap3A_142 = arith.index_cast %scan3A_28 : i32 to index
        %swap3A_143 = arith.constant 96 : index
        %swap3A_144 = tpu.vector_load %arg12[%swap3A_142, %swap3A_143] {strides = array<i32>} : memref<32x1024xf32, #tpu.memory_space<vmem>>, vector<1x16xf32>,
        %swap3A_145 = vector.shape_cast %swap3A_144 : vector<1x16xf32> to vector<16xf32>
        %swap3A_146 = vector.shape_cast %add3A_141 : vector<16xf32> to vector<1x16xf32>
        tpu.vector_store %arg12[%swap3A_142, %swap3A_143], %swap3A_146 {strides = array<i32>} : memref<32x1024xf32, #tpu.memory_space<vmem>>, vector<1x16xf32>,
        %get3A_147 = arith.index_cast %scan3A_28 : i32 to index
        %get3A_148 = arith.constant 112 : index
        %get3A_149 = tpu.vector_load %arg12[%get3A_147, %get3A_148] {strides = array<i32>} : memref<32x1024xf32, #tpu.memory_space<vmem>>, vector<1x16xf32>,
        %get3A_150 = vector.shape_cast %get3A_149 : vector<1x16xf32> to vector<16xf32>
        %mul3A_151 = arith.mulf %get3A_150, %get3A_31 : vector<16xf32>
        %get3A_152 = arith.index_cast %scan3A_28 : i32 to index
        %get3A_153 = arith.constant 112 : index
        %get3A_154 = tpu.vector_load %arg13[%get3A_152, %get3A_153] {strides = array<i32>} : memref<32x1024xf32, #tpu.memory_space<vmem>>, vector<1x16xf32>,
        %get3A_155 = vector.shape_cast %get3A_154 : vector<1x16xf32> to vector<16xf32>
        %mul3A_156 = arith.mulf %get3A_155, %get3A_35 : vector<16xf32>
        %add3A_157 = arith.addf %mul3A_151, %mul3A_156 : vector<16xf32>
        %swap3A_158 = arith.index_cast %scan3A_28 : i32 to index
        %swap3A_159 = arith.constant 112 : index
        %swap3A_160 = tpu.vector_load %arg12[%swap3A_158, %swap3A_159] {strides = array<i32>} : memref<32x1024xf32, #tpu.memory_space<vmem>>, vector<1x16xf32>,
        %swap3A_161 = vector.shape_cast %swap3A_160 : vector<1x16xf32> to vector<16xf32>
        %swap3A_162 = vector.shape_cast %add3A_157 : vector<16xf32> to vector<1x16xf32>
        tpu.vector_store %arg12[%swap3A_158, %swap3A_159], %swap3A_162 {strides = array<i32>} : memref<32x1024xf32, #tpu.memory_space<vmem>>, vector<1x16xf32>,
        %get3A_163 = arith.index_cast %scan3A_28 : i32 to index
        %get3A_164 = arith.constant 128 : index
        %get3A_165 = tpu.vector_load %arg12[%get3A_163, %get3A_164] {strides = array<i32>} : memref<32x1024xf32, #tpu.memory_space<vmem>>, vector<1x16xf32>,
        %get3A_166 = vector.shape_cast %get3A_165 : vector<1x16xf32> to vector<16xf32>
        %mul3A_167 = arith.mulf %get3A_166, %get3A_31 : vector<16xf32>
        %get3A_168 = arith.index_cast %scan3A_28 : i32 to index
        %get3A_169 = arith.constant 128 : index
        %get3A_170 = tpu.vector_load %arg13[%get3A_168, %get3A_169] {strides = array<i32>} : memref<32x1024xf32, #tpu.memory_space<vmem>>, vector<1x16xf32>,
        %get3A_171 = vector.shape_cast %get3A_170 : vector<1x16xf32> to vector<16xf32>
        %mul3A_172 = arith.mulf %get3A_171, %get3A_35 : vector<16xf32>
        %add3A_173 = arith.addf %mul3A_167, %mul3A_172 : vector<16xf32>
        %swap3A_174 = arith.index_cast %scan3A_28 : i32 to index
        %swap3A_175 = arith.constant 128 : index
        %swap3A_176 = tpu.vector_load %arg12[%swap3A_174, %swap3A_175] {strides = array<i32>} : memref<32x1024xf32, #tpu.memory_space<vmem>>, vector<1x16xf32>,
        %swap3A_177 = vector.shape_cast %swap3A_176 : vector<1x16xf32> to vector<16xf32>
        %swap3A_178 = vector.shape_cast %add3A_173 : vector<16xf32> to vector<1x16xf32>
        tpu.vector_store %arg12[%swap3A_174, %swap3A_175], %swap3A_178 {strides = array<i32>} : memref<32x1024xf32, #tpu.memory_space<vmem>>, vector<1x16xf32>,
        %get3A_179 = arith.index_cast %scan3A_28 : i32 to index
        %get3A_180 = arith.constant 144 : index
        %get3A_181 = tpu.vector_load %arg12[%get3A_179, %get3A_180] {strides = array<i32>} : memref<32x1024xf32, #tpu.memory_space<vmem>>, vector<1x16xf32>,
        %get3A_182 = vector.shape_cast %get3A_181 : vector<1x16xf32> to vector<16xf32>
        %mul3A_183 = arith.mulf %get3A_182, %get3A_31 : vector<16xf32>
        %get3A_184 = arith.index_cast %scan3A_28 : i32 to index
        %get3A_185 = arith.constant 144 : index
        %get3A_186 = tpu.vector_load %arg13[%get3A_184, %get3A_185] {strides = array<i32>} : memref<32x1024xf32, #tpu.memory_space<vmem>>, vector<1x16xf32>,
        %get3A_187 = vector.shape_cast %get3A_186 : vector<1x16xf32> to vector<16xf32>
        %mul3A_188 = arith.mulf %get3A_187, %get3A_35 : vector<16xf32>
        %add3A_189 = arith.addf %mul3A_183, %mul3A_188 : vector<16xf32>
        %swap3A_190 = arith.index_cast %scan3A_28 : i32 to index
        %swap3A_191 = arith.constant 144 : index
        %swap3A_192 = tpu.vector_load %arg12[%swap3A_190, %swap3A_191] {strides = array<i32>} : memref<32x1024xf32, #tpu.memory_space<vmem>>, vector<1x16xf32>,
        %swap3A_193 = vector.shape_cast %swap3A_192 : vector<1x16xf32> to vector<16xf32>
        %swap3A_194 = vector.shape_cast %add3A_189 : vector<16xf32> to vector<1x16xf32>
        tpu.vector_store %arg12[%swap3A_190, %swap3A_191], %swap3A_194 {strides = array<i32>} : memref<32x1024xf32, #tpu.memory_space<vmem>>, vector<1x16xf32>,
        %get3A_195 = arith.index_cast %scan3A_28 : i32 to index
        %get3A_196 = arith.constant 160 : index
        %get3A_197 = tpu.vector_load %arg12[%get3A_195, %get3A_196] {strides = array<i32>} : memref<32x1024xf32, #tpu.memory_space<vmem>>, vector<1x16xf32>,
        %get3A_198 = vector.shape_cast %get3A_197 : vector<1x16xf32> to vector<16xf32>
        %mul3A_199 = arith.mulf %get3A_198, %get3A_31 : vector<16xf32>
        %get3A_200 = arith.index_cast %scan3A_28 : i32 to index
        %get3A_201 = arith.constant 160 : index
        %get3A_202 = tpu.vector_load %arg13[%get3A_200, %get3A_201] {strides = array<i32>} : memref<32x1024xf32, #tpu.memory_space<vmem>>, vector<1x16xf32>,
        %get3A_203 = vector.shape_cast %get3A_202 : vector<1x16xf32> to vector<16xf32>
        %mul3A_204 = arith.mulf %get3A_203, %get3A_35 : vector<16xf32>
        %add3A_205 = arith.addf %mul3A_199, %mul3A_204 : vector<16xf32>
        %swap3A_206 = arith.index_cast %scan3A_28 : i32 to index
        %swap3A_207 = arith.constant 160 : index
        %swap3A_208 = tpu.vector_load %arg12[%swap3A_206, %swap3A_207] {strides = array<i32>} : memref<32x1024xf32, #tpu.memory_space<vmem>>, vector<1x16xf32>,
        %swap3A_209 = vector.shape_cast %swap3A_208 : vector<1x16xf32> to vector<16xf32>
        %swap3A_210 = vector.shape_cast %add3A_205 : vector<16xf32> to vector<1x16xf32>
        tpu.vector_store %arg12[%swap3A_206, %swap3A_207], %swap3A_210 {strides = array<i32>} : memref<32x1024xf32, #tpu.memory_space<vmem>>, vector<1x16xf32>,
        %get3A_211 = arith.index_cast %scan3A_28 : i32 to index
        %get3A_212 = arith.constant 176 : index
        %get3A_213 = tpu.vector_load %arg12[%get3A_211, %get3A_212] {strides = array<i32>} : memref<32x1024xf32, #tpu.memory_space<vmem>>, vector<1x16xf32>,
        %get3A_214 = vector.shape_cast %get3A_213 : vector<1x16xf32> to vector<16xf32>
        %mul3A_215 = arith.mulf %get3A_214, %get3A_31 : vector<16xf32>
        %get3A_216 = arith.index_cast %scan3A_28 : i32 to index
        %get3A_217 = arith.constant 176 : index
        %get3A_218 = tpu.vector_load %arg13[%get3A_216, %get3A_217] {strides = array<i32>} : memref<32x1024xf32, #tpu.memory_space<vmem>>, vector<1x16xf32>,
        %get3A_219 = vector.shape_cast %get3A_218 : vector<1x16xf32> to vector<16xf32>
        %mul3A_220 = arith.mulf %get3A_219, %get3A_35 : vector<16xf32>
        %add3A_221 = arith.addf %mul3A_215, %mul3A_220 : vector<16xf32>
        %swap3A_222 = arith.index_cast %scan3A_28 : i32 to index
        %swap3A_223 = arith.constant 176 : index
        %swap3A_224 = tpu.vector_load %arg12[%swap3A_222, %swap3A_223] {strides = array<i32>} : memref<32x1024xf32, #tpu.memory_space<vmem>>, vector<1x16xf32>,
        %swap3A_225 = vector.shape_cast %swap3A_224 : vector<1x16xf32> to vector<16xf32>
        %swap3A_226 = vector.shape_cast %add3A_221 : vector<16xf32> to vector<1x16xf32>
        tpu.vector_store %arg12[%swap3A_222, %swap3A_223], %swap3A_226 {strides = array<i32>} : memref<32x1024xf32, #tpu.memory_space<vmem>>, vector<1x16xf32>,
        %get3A_227 = arith.index_cast %scan3A_28 : i32 to index
        %get3A_228 = arith.constant 192 : index
        %get3A_229 = tpu.vector_load %arg12[%get3A_227, %get3A_228] {strides = array<i32>} : memref<32x1024xf32, #tpu.memory_space<vmem>>, vector<1x16xf32>,
        %get3A_230 = vector.shape_cast %get3A_229 : vector<1x16xf32> to vector<16xf32>
        %mul3A_231 = arith.mulf %get3A_230, %get3A_31 : vector<16xf32>
        %get3A_232 = arith.index_cast %scan3A_28 : i32 to index
        %get3A_233 = arith.constant 192 : index
        %get3A_234 = tpu.vector_load %arg13[%get3A_232, %get3A_233] {strides = array<i32>} : memref<32x1024xf32, #tpu.memory_space<vmem>>, vector<1x16xf32>,
        %get3A_235 = vector.shape_cast %get3A_234 : vector<1x16xf32> to vector<16xf32>
        %mul3A_236 = arith.mulf %get3A_235, %get3A_35 : vector<16xf32>
        %add3A_237 = arith.addf %mul3A_231, %mul3A_236 : vector<16xf32>
        %swap3A_238 = arith.index_cast %scan3A_28 : i32 to index
        %swap3A_239 = arith.constant 192 : index
        %swap3A_240 = tpu.vector_load %arg12[%swap3A_238, %swap3A_239] {strides = array<i32>} : memref<32x1024xf32, #tpu.memory_space<vmem>>, vector<1x16xf32>,
        %swap3A_241 = vector.shape_cast %swap3A_240 : vector<1x16xf32> to vector<16xf32>
        %swap3A_242 = vector.shape_cast %add3A_237 : vector<16xf32> to vector<1x16xf32>
        tpu.vector_store %arg12[%swap3A_238, %swap3A_239], %swap3A_242 {strides = array<i32>} : memref<32x1024xf32, #tpu.memory_space<vmem>>, vector<1x16xf32>,
        %get3A_243 = arith.index_cast %scan3A_28 : i32 to index
        %get3A_244 = arith.constant 208 : index
        %get3A_245 = tpu.vector_load %arg12[%get3A_243, %get3A_244] {strides = array<i32>} : memref<32x1024xf32, #tpu.memory_space<vmem>>, vector<1x16xf32>,
        %get3A_246 = vector.shape_cast %get3A_245 : vector<1x16xf32> to vector<16xf32>
        %mul3A_247 = arith.mulf %get3A_246, %get3A_31 : vector<16xf32>
        %get3A_248 = arith.index_cast %scan3A_28 : i32 to index
        %get3A_249 = arith.constant 208 : index
        %get3A_250 = tpu.vector_load %arg13[%get3A_248, %get3A_249] {strides = array<i32>} : memref<32x1024xf32, #tpu.memory_space<vmem>>, vector<1x16xf32>,
        %get3A_251 = vector.shape_cast %get3A_250 : vector<1x16xf32> to vector<16xf32>
        %mul3A_252 = arith.mulf %get3A_251, %get3A_35 : vector<16xf32>
        %add3A_253 = arith.addf %mul3A_247, %mul3A_252 : vector<16xf32>
        %swap3A_254 = arith.index_cast %scan3A_28 : i32 to index
        %swap3A_255 = arith.constant 208 : index
        %swap3A_256 = tpu.vector_load %arg12[%swap3A_254, %swap3A_255] {strides = array<i32>} : memref<32x1024xf32, #tpu.memory_space<vmem>>, vector<1x16xf32>,
        %swap3A_257 = vector.shape_cast %swap3A_256 : vector<1x16xf32> to vector<16xf32>
        %swap3A_258 = vector.shape_cast %add3A_253 : vector<16xf32> to vector<1x16xf32>
        tpu.vector_store %arg12[%swap3A_254, %swap3A_255], %swap3A_258 {strides = array<i32>} : memref<32x1024xf32, #tpu.memory_space<vmem>>, vector<1x16xf32>,
        %get3A_259 = arith.index_cast %scan3A_28 : i32 to index
        %get3A_260 = arith.constant 224 : index
        %get3A_261 = tpu.vector_load %arg12[%get3A_259, %get3A_260] {strides = array<i32>} : memref<32x1024xf32, #tpu.memory_space<vmem>>, vector<1x16xf32>,
        %get3A_262 = vector.shape_cast %get3A_261 : vector<1x16xf32> to vector<16xf32>
        %mul3A_263 = arith.mulf %get3A_262, %get3A_31 : vector<16xf32>
        %get3A_264 = arith.index_cast %scan3A_28 : i32 to index
        %get3A_265 = arith.constant 224 : index
        %get3A_266 = tpu.vector_load %arg13[%get3A_264, %get3A_265] {strides = array<i32>} : memref<32x1024xf32, #tpu.memory_space<vmem>>, vector<1x16xf32>,
        %get3A_267 = vector.shape_cast %get3A_266 : vector<1x16xf32> to vector<16xf32>
        %mul3A_268 = arith.mulf %get3A_267, %get3A_35 : vector<16xf32>
        %add3A_269 = arith.addf %mul3A_263, %mul3A_268 : vector<16xf32>
        %swap3A_270 = arith.index_cast %scan3A_28 : i32 to index
        %swap3A_271 = arith.constant 224 : index
        %swap3A_272 = tpu.vector_load %arg12[%swap3A_270, %swap3A_271] {strides = array<i32>} : memref<32x1024xf32, #tpu.memory_space<vmem>>, vector<1x16xf32>,
        %swap3A_273 = vector.shape_cast %swap3A_272 : vector<1x16xf32> to vector<16xf32>
        %swap3A_274 = vector.shape_cast %add3A_269 : vector<16xf32> to vector<1x16xf32>
        tpu.vector_store %arg12[%swap3A_270, %swap3A_271], %swap3A_274 {strides = array<i32>} : memref<32x1024xf32, #tpu.memory_space<vmem>>, vector<1x16xf32>,
        %get3A_275 = arith.index_cast %scan3A_28 : i32 to index
        %get3A_276 = arith.constant 240 : index
        %get3A_277 = tpu.vector_load %arg12[%get3A_275, %get3A_276] {strides = array<i32>} : memref<32x1024xf32, #tpu.memory_space<vmem>>, vector<1x16xf32>,
        %get3A_278 = vector.shape_cast %get3A_277 : vector<1x16xf32> to vector<16xf32>
        %mul3A_279 = arith.mulf %get3A_278, %get3A_31 : vector<16xf32>
        %get3A_280 = arith.index_cast %scan3A_28 : i32 to index
        %get3A_281 = arith.constant 240 : index
        %get3A_282 = tpu.vector_load %arg13[%get3A_280, %get3A_281] {strides = array<i32>} : memref<32x1024xf32, #tpu.memory_space<vmem>>, vector<1x16xf32>,
        %get3A_283 = vector.shape_cast %get3A_282 : vector<1x16xf32> to vector<16xf32>
        %mul3A_284 = arith.mulf %get3A_283, %get3A_35 : vector<16xf32>
        %add3A_285 = arith.addf %mul3A_279, %mul3A_284 : vector<16xf32>
        %swap3A_286 = arith.index_cast %scan3A_28 : i32 to index
        %swap3A_287 = arith.constant 240 : index
        %swap3A_288 = tpu.vector_load %arg12[%swap3A_286, %swap3A_287] {strides = array<i32>} : memref<32x1024xf32, #tpu.memory_space<vmem>>, vector<1x16xf32>,
        %swap3A_289 = vector.shape_cast %swap3A_288 : vector<1x16xf32> to vector<16xf32>
        %swap3A_290 = vector.shape_cast %add3A_285 : vector<16xf32> to vector<1x16xf32>
        tpu.vector_store %arg12[%swap3A_286, %swap3A_287], %swap3A_290 {strides = array<i32>} : memref<32x1024xf32, #tpu.memory_space<vmem>>, vector<1x16xf32>,
        %get3A_291 = arith.index_cast %scan3A_28 : i32 to index
        %get3A_292 = arith.constant 256 : index
        %get3A_293 = tpu.vector_load %arg12[%get3A_291, %get3A_292] {strides = array<i32>} : memref<32x1024xf32, #tpu.memory_space<vmem>>, vector<1x16xf32>,
        %get3A_294 = vector.shape_cast %get3A_293 : vector<1x16xf32> to vector<16xf32>
        %mul3A_295 = arith.mulf %get3A_294, %get3A_31 : vector<16xf32>
        %get3A_296 = arith.index_cast %scan3A_28 : i32 to index
        %get3A_297 = arith.constant 256 : index
        %get3A_298 = tpu.vector_load %arg13[%get3A_296, %get3A_297] {strides = array<i32>} : memref<32x1024xf32, #tpu.memory_space<vmem>>, vector<1x16xf32>,
        %get3A_299 = vector.shape_cast %get3A_298 : vector<1x16xf32> to vector<16xf32>
        %mul3A_300 = arith.mulf %get3A_299, %get3A_35 : vector<16xf32>
        %add3A_301 = arith.addf %mul3A_295, %mul3A_300 : vector<16xf32>
        %swap3A_302 = arith.index_cast %scan3A_28 : i32 to index
        %swap3A_303 = arith.constant 256 : index
        %swap3A_304 = tpu.vector_load %arg12[%swap3A_302, %swap3A_303] {strides = array<i32>} : memref<32x1024xf32, #tpu.memory_space<vmem>>, vector<1x16xf32>,
        %swap3A_305 = vector.shape_cast %swap3A_304 : vector<1x16xf32> to vector<16xf32>
        %swap3A_306 = vector.shape_cast %add3A_301 : vector<16xf32> to vector<1x16xf32>
        tpu.vector_store %arg12[%swap3A_302, %swap3A_303], %swap3A_306 {strides = array<i32>} : memref<32x1024xf32, #tpu.memory_space<vmem>>, vector<1x16xf32>,
        %get3A_307 = arith.index_cast %scan3A_28 : i32 to index
        %get3A_308 = arith.constant 272 : index
        %get3A_309 = tpu.vector_load %arg12[%get3A_307, %get3A_308] {strides = array<i32>} : memref<32x1024xf32, #tpu.memory_space<vmem>>, vector<1x16xf32>,
        %get3A_310 = vector.shape_cast %get3A_309 : vector<1x16xf32> to vector<16xf32>
        %mul3A_311 = arith.mulf %get3A_310, %get3A_31 : vector<16xf32>
        %get3A_312 = arith.index_cast %scan3A_28 : i32 to index
        %get3A_313 = arith.constant 272 : index
        %get3A_314 = tpu.vector_load %arg13[%get3A_312, %get3A_313] {strides = array<i32>} : memref<32x1024xf32, #tpu.memory_space<vmem>>, vector<1x16xf32>,
        %get3A_315 = vector.shape_cast %get3A_314 : vector<1x16xf32> to vector<16xf32>
        %mul3A_316 = arith.mulf %get3A_315, %get3A_35 : vector<16xf32>
        %add3A_317 = arith.addf %mul3A_311, %mul3A_316 : vector<16xf32>
        %swap3A_318 = arith.index_cast %scan3A_28 : i32 to index
        %swap3A_319 = arith.constant 272 : index
        %swap3A_320 = tpu.vector_load %arg12[%swap3A_318, %swap3A_319] {strides = array<i32>} : memref<32x1024xf32, #tpu.memory_space<vmem>>, vector<1x16xf32>,
        %swap3A_321 = vector.shape_cast %swap3A_320 : vector<1x16xf32> to vector<16xf32>
        %swap3A_322 = vector.shape_cast %add3A_317 : vector<16xf32> to vector<1x16xf32>
        tpu.vector_store %arg12[%swap3A_318, %swap3A_319], %swap3A_322 {strides = array<i32>} : memref<32x1024xf32, #tpu.memory_space<vmem>>, vector<1x16xf32>,
        %get3A_323 = arith.index_cast %scan3A_28 : i32 to index
        %get3A_324 = arith.constant 288 : index
        %get3A_325 = tpu.vector_load %arg12[%get3A_323, %get3A_324] {strides = array<i32>} : memref<32x1024xf32, #tpu.memory_space<vmem>>, vector<1x16xf32>,
        %get3A_326 = vector.shape_cast %get3A_325 : vector<1x16xf32> to vector<16xf32>
        %mul3A_327 = arith.mulf %get3A_326, %get3A_31 : vector<16xf32>
        %get3A_328 = arith.index_cast %scan3A_28 : i32 to index
        %get3A_329 = arith.constant 288 : index
        %get3A_330 = tpu.vector_load %arg13[%get3A_328, %get3A_329] {strides = array<i32>} : memref<32x1024xf32, #tpu.memory_space<vmem>>, vector<1x16xf32>,
        %get3A_331 = vector.shape_cast %get3A_330 : vector<1x16xf32> to vector<16xf32>
        %mul3A_332 = arith.mulf %get3A_331, %get3A_35 : vector<16xf32>
        %add3A_333 = arith.addf %mul3A_327, %mul3A_332 : vector<16xf32>
        %swap3A_334 = arith.index_cast %scan3A_28 : i32 to index
        %swap3A_335 = arith.constant 288 : index
        %swap3A_336 = tpu.vector_load %arg12[%swap3A_334, %swap3A_335] {strides = array<i32>} : memref<32x1024xf32, #tpu.memory_space<vmem>>, vector<1x16xf32>,
        %swap3A_337 = vector.shape_cast %swap3A_336 : vector<1x16xf32> to vector<16xf32>
        %swap3A_338 = vector.shape_cast %add3A_333 : vector<16xf32> to vector<1x16xf32>
        tpu.vector_store %arg12[%swap3A_334, %swap3A_335], %swap3A_338 {strides = array<i32>} : memref<32x1024xf32, #tpu.memory_space<vmem>>, vector<1x16xf32>,
        %get3A_339 = arith.index_cast %scan3A_28 : i32 to index
        %get3A_340 = arith.constant 304 : index
        %get3A_341 = tpu.vector_load %arg12[%get3A_339, %get3A_340] {strides = array<i32>} : memref<32x1024xf32, #tpu.memory_space<vmem>>, vector<1x16xf32>,
        %get3A_342 = vector.shape_cast %get3A_341 : vector<1x16xf32> to vector<16xf32>
        %mul3A_343 = arith.mulf %get3A_342, %get3A_31 : vector<16xf32>
        %get3A_344 = arith.index_cast %scan3A_28 : i32 to index
        %get3A_345 = arith.constant 304 : index
        %get3A_346 = tpu.vector_load %arg13[%get3A_344, %get3A_345] {strides = array<i32>} : memref<32x1024xf32, #tpu.memory_space<vmem>>, vector<1x16xf32>,
        %get3A_347 = vector.shape_cast %get3A_346 : vector<1x16xf32> to vector<16xf32>
        %mul3A_348 = arith.mulf %get3A_347, %get3A_35 : vector<16xf32>
        %add3A_349 = arith.addf %mul3A_343, %mul3A_348 : vector<16xf32>
        %swap3A_350 = arith.index_cast %scan3A_28 : i32 to index
        %swap3A_351 = arith.constant 304 : index
        %swap3A_352 = tpu.vector_load %arg12[%swap3A_350, %swap3A_351] {strides = array<i32>} : memref<32x1024xf32, #tpu.memory_space<vmem>>, vector<1x16xf32>,
        %swap3A_353 = vector.shape_cast %swap3A_352 : vector<1x16xf32> to vector<16xf32>
        %swap3A_354 = vector.shape_cast %add3A_349 : vector<16xf32> to vector<1x16xf32>
        tpu.vector_store %arg12[%swap3A_350, %swap3A_351], %swap3A_354 {strides = array<i32>} : memref<32x1024xf32, #tpu.memory_space<vmem>>, vector<1x16xf32>,
        %get3A_355 = arith.index_cast %scan3A_28 : i32 to index
        %get3A_356 = arith.constant 320 : index
        %get3A_357 = tpu.vector_load %arg12[%get3A_355, %get3A_356] {strides = array<i32>} : memref<32x1024xf32, #tpu.memory_space<vmem>>, vector<1x16xf32>,
        %get3A_358 = vector.shape_cast %get3A_357 : vector<1x16xf32> to vector<16xf32>
        %mul3A_359 = arith.mulf %get3A_358, %get3A_31 : vector<16xf32>
        %get3A_360 = arith.index_cast %scan3A_28 : i32 to index
        %get3A_361 = arith.constant 320 : index
        %get3A_362 = tpu.vector_load %arg13[%get3A_360, %get3A_361] {strides = array<i32>} : memref<32x1024xf32, #tpu.memory_space<vmem>>, vector<1x16xf32>,
        %get3A_363 = vector.shape_cast %get3A_362 : vector<1x16xf32> to vector<16xf32>
        %mul3A_364 = arith.mulf %get3A_363, %get3A_35 : vector<16xf32>
        %add3A_365 = arith.addf %mul3A_359, %mul3A_364 : vector<16xf32>
        %swap3A_366 = arith.index_cast %scan3A_28 : i32 to index
        %swap3A_367 = arith.constant 320 : index
        %swap3A_368 = tpu.vector_load %arg12[%swap3A_366, %swap3A_367] {strides = array<i32>} : memref<32x1024xf32, #tpu.memory_space<vmem>>, vector<1x16xf32>,
        %swap3A_369 = vector.shape_cast %swap3A_368 : vector<1x16xf32> to vector<16xf32>
        %swap3A_370 = vector.shape_cast %add3A_365 : vector<16xf32> to vector<1x16xf32>
        tpu.vector_store %arg12[%swap3A_366, %swap3A_367], %swap3A_370 {strides = array<i32>} : memref<32x1024xf32, #tpu.memory_space<vmem>>, vector<1x16xf32>,
        %get3A_371 = arith.index_cast %scan3A_28 : i32 to index
        %get3A_372 = arith.constant 336 : index
        %get3A_373 = tpu.vector_load %arg12[%get3A_371, %get3A_372] {strides = array<i32>} : memref<32x1024xf32, #tpu.memory_space<vmem>>, vector<1x16xf32>,
        %get3A_374 = vector.shape_cast %get3A_373 : vector<1x16xf32> to vector<16xf32>
        %mul3A_375 = arith.mulf %get3A_374, %get3A_31 : vector<16xf32>
        %get3A_376 = arith.index_cast %scan3A_28 : i32 to index
        %get3A_377 = arith.constant 336 : index
        %get3A_378 = tpu.vector_load %arg13[%get3A_376, %get3A_377] {strides = array<i32>} : memref<32x1024xf32, #tpu.memory_space<vmem>>, vector<1x16xf32>,
        %get3A_379 = vector.shape_cast %get3A_378 : vector<1x16xf32> to vector<16xf32>
        %mul3A_380 = arith.mulf %get3A_379, %get3A_35 : vector<16xf32>
        %add3A_381 = arith.addf %mul3A_375, %mul3A_380 : vector<16xf32>
        %swap3A_382 = arith.index_cast %scan3A_28 : i32 to index
        %swap3A_383 = arith.constant 336 : index
        %swap3A_384 = tpu.vector_load %arg12[%swap3A_382, %swap3A_383] {strides = array<i32>} : memref<32x1024xf32, #tpu.memory_space<vmem>>, vector<1x16xf32>,
        %swap3A_385 = vector.shape_cast %swap3A_384 : vector<1x16xf32> to vector<16xf32>
        %swap3A_386 = vector.shape_cast %add3A_381 : vector<16xf32> to vector<1x16xf32>
        tpu.vector_store %arg12[%swap3A_382, %swap3A_383], %swap3A_386 {strides = array<i32>} : memref<32x1024xf32, #tpu.memory_space<vmem>>, vector<1x16xf32>,
        %get3A_387 = arith.index_cast %scan3A_28 : i32 to index
        %get3A_388 = arith.constant 352 : index
        %get3A_389 = tpu.vector_load %arg12[%get3A_387, %get3A_388] {strides = array<i32>} : memref<32x1024xf32, #tpu.memory_space<vmem>>, vector<1x16xf32>,
        %get3A_390 = vector.shape_cast %get3A_389 : vector<1x16xf32> to vector<16xf32>
        %mul3A_391 = arith.mulf %get3A_390, %get3A_31 : vector<16xf32>
        %get3A_392 = arith.index_cast %scan3A_28 : i32 to index
        %get3A_393 = arith.constant 352 : index
        %get3A_394 = tpu.vector_load %arg13[%get3A_392, %get3A_393] {strides = array<i32>} : memref<32x1024xf32, #tpu.memory_space<vmem>>, vector<1x16xf32>,
        %get3A_395 = vector.shape_cast %get3A_394 : vector<1x16xf32> to vector<16xf32>
        %mul3A_396 = arith.mulf %get3A_395, %get3A_35 : vector<16xf32>
        %add3A_397 = arith.addf %mul3A_391, %mul3A_396 : vector<16xf32>
        %swap3A_398 = arith.index_cast %scan3A_28 : i32 to index
        %swap3A_399 = arith.constant 352 : index
        %swap3A_400 = tpu.vector_load %arg12[%swap3A_398, %swap3A_399] {strides = array<i32>} : memref<32x1024xf32, #tpu.memory_space<vmem>>, vector<1x16xf32>,
        %swap3A_401 = vector.shape_cast %swap3A_400 : vector<1x16xf32> to vector<16xf32>
        %swap3A_402 = vector.shape_cast %add3A_397 : vector<16xf32> to vector<1x16xf32>
        tpu.vector_store %arg12[%swap3A_398, %swap3A_399], %swap3A_402 {strides = array<i32>} : memref<32x1024xf32, #tpu.memory_space<vmem>>, vector<1x16xf32>,
        %get3A_403 = arith.index_cast %scan3A_28 : i32 to index
        %get3A_404 = arith.constant 368 : index
        %get3A_405 = tpu.vector_load %arg12[%get3A_403, %get3A_404] {strides = array<i32>} : memref<32x1024xf32, #tpu.memory_space<vmem>>, vector<1x16xf32>,
        %get3A_406 = vector.shape_cast %get3A_405 : vector<1x16xf32> to vector<16xf32>
        %mul3A_407 = arith.mulf %get3A_406, %get3A_31 : vector<16xf32>
        %get3A_408 = arith.index_cast %scan3A_28 : i32 to index
        %get3A_409 = arith.constant 368 : index
        %get3A_410 = tpu.vector_load %arg13[%get3A_408, %get3A_409] {strides = array<i32>} : memref<32x1024xf32, #tpu.memory_space<vmem>>, vector<1x16xf32>,
        %get3A_411 = vector.shape_cast %get3A_410 : vector<1x16xf32> to vector<16xf32>
        %mul3A_412 = arith.mulf %get3A_411, %get3A_35 : vector<16xf32>
        %add3A_413 = arith.addf %mul3A_407, %mul3A_412 : vector<16xf32>
        %swap3A_414 = arith.index_cast %scan3A_28 : i32 to index
        %swap3A_415 = arith.constant 368 : index
        %swap3A_416 = tpu.vector_load %arg12[%swap3A_414, %swap3A_415] {strides = array<i32>} : memref<32x1024xf32, #tpu.memory_space<vmem>>, vector<1x16xf32>,
        %swap3A_417 = vector.shape_cast %swap3A_416 : vector<1x16xf32> to vector<16xf32>
        %swap3A_418 = vector.shape_cast %add3A_413 : vector<16xf32> to vector<1x16xf32>
        tpu.vector_store %arg12[%swap3A_414, %swap3A_415], %swap3A_418 {strides = array<i32>} : memref<32x1024xf32, #tpu.memory_space<vmem>>, vector<1x16xf32>,
        %get3A_419 = arith.index_cast %scan3A_28 : i32 to index
        %get3A_420 = arith.constant 384 : index
        %get3A_421 = tpu.vector_load %arg12[%get3A_419, %get3A_420] {strides = array<i32>} : memref<32x1024xf32, #tpu.memory_space<vmem>>, vector<1x16xf32>,
        %get3A_422 = vector.shape_cast %get3A_421 : vector<1x16xf32> to vector<16xf32>
        %mul3A_423 = arith.mulf %get3A_422, %get3A_31 : vector<16xf32>
        %get3A_424 = arith.index_cast %scan3A_28 : i32 to index
        %get3A_425 = arith.constant 384 : index
        %get3A_426 = tpu.vector_load %arg13[%get3A_424, %get3A_425] {strides = array<i32>} : memref<32x1024xf32, #tpu.memory_space<vmem>>, vector<1x16xf32>,
        %get3A_427 = vector.shape_cast %get3A_426 : vector<1x16xf32> to vector<16xf32>
        %mul3A_428 = arith.mulf %get3A_427, %get3A_35 : vector<16xf32>
        %add3A_429 = arith.addf %mul3A_423, %mul3A_428 : vector<16xf32>
        %swap3A_430 = arith.index_cast %scan3A_28 : i32 to index
        %swap3A_431 = arith.constant 384 : index
        %swap3A_432 = tpu.vector_load %arg12[%swap3A_430, %swap3A_431] {strides = array<i32>} : memref<32x1024xf32, #tpu.memory_space<vmem>>, vector<1x16xf32>,
        %swap3A_433 = vector.shape_cast %swap3A_432 : vector<1x16xf32> to vector<16xf32>
        %swap3A_434 = vector.shape_cast %add3A_429 : vector<16xf32> to vector<1x16xf32>
        tpu.vector_store %arg12[%swap3A_430, %swap3A_431], %swap3A_434 {strides = array<i32>} : memref<32x1024xf32, #tpu.memory_space<vmem>>, vector<1x16xf32>,
        %get3A_435 = arith.index_cast %scan3A_28 : i32 to index
        %get3A_436 = arith.constant 400 : index
        %get3A_437 = tpu.vector_load %arg12[%get3A_435, %get3A_436] {strides = array<i32>} : memref<32x1024xf32, #tpu.memory_space<vmem>>, vector<1x16xf32>,
        %get3A_438 = vector.shape_cast %get3A_437 : vector<1x16xf32> to vector<16xf32>
        %mul3A_439 = arith.mulf %get3A_438, %get3A_31 : vector<16xf32>
        %get3A_440 = arith.index_cast %scan3A_28 : i32 to index
        %get3A_441 = arith.constant 400 : index
        %get3A_442 = tpu.vector_load %arg13[%get3A_440, %get3A_441] {strides = array<i32>} : memref<32x1024xf32, #tpu.memory_space<vmem>>, vector<1x16xf32>,
        %get3A_443 = vector.shape_cast %get3A_442 : vector<1x16xf32> to vector<16xf32>
        %mul3A_444 = arith.mulf %get3A_443, %get3A_35 : vector<16xf32>
        %add3A_445 = arith.addf %mul3A_439, %mul3A_444 : vector<16xf32>
        %swap3A_446 = arith.index_cast %scan3A_28 : i32 to index
        %swap3A_447 = arith.constant 400 : index
        %swap3A_448 = tpu.vector_load %arg12[%swap3A_446, %swap3A_447] {strides = array<i32>} : memref<32x1024xf32, #tpu.memory_space<vmem>>, vector<1x16xf32>,
        %swap3A_449 = vector.shape_cast %swap3A_448 : vector<1x16xf32> to vector<16xf32>
        %swap3A_450 = vector.shape_cast %add3A_445 : vector<16xf32> to vector<1x16xf32>
        tpu.vector_store %arg12[%swap3A_446, %swap3A_447], %swap3A_450 {strides = array<i32>} : memref<32x1024xf32, #tpu.memory_space<vmem>>, vector<1x16xf32>,
        %get3A_451 = arith.index_cast %scan3A_28 : i32 to index
        %get3A_452 = arith.constant 416 : index
        %get3A_453 = tpu.vector_load %arg12[%get3A_451, %get3A_452] {strides = array<i32>} : memref<32x1024xf32, #tpu.memory_space<vmem>>, vector<1x16xf32>,
        %get3A_454 = vector.shape_cast %get3A_453 : vector<1x16xf32> to vector<16xf32>
        %mul3A_455 = arith.mulf %get3A_454, %get3A_31 : vector<16xf32>
        %get3A_456 = arith.index_cast %scan3A_28 : i32 to index
        %get3A_457 = arith.constant 416 : index
        %get3A_458 = tpu.vector_load %arg13[%get3A_456, %get3A_457] {strides = array<i32>} : memref<32x1024xf32, #tpu.memory_space<vmem>>, vector<1x16xf32>,
        %get3A_459 = vector.shape_cast %get3A_458 : vector<1x16xf32> to vector<16xf32>
        %mul3A_460 = arith.mulf %get3A_459, %get3A_35 : vector<16xf32>
        %add3A_461 = arith.addf %mul3A_455, %mul3A_460 : vector<16xf32>
        %swap3A_462 = arith.index_cast %scan3A_28 : i32 to index
        %swap3A_463 = arith.constant 416 : index
        %swap3A_464 = tpu.vector_load %arg12[%swap3A_462, %swap3A_463] {strides = array<i32>} : memref<32x1024xf32, #tpu.memory_space<vmem>>, vector<1x16xf32>,
        %swap3A_465 = vector.shape_cast %swap3A_464 : vector<1x16xf32> to vector<16xf32>
        %swap3A_466 = vector.shape_cast %add3A_461 : vector<16xf32> to vector<1x16xf32>
        tpu.vector_store %arg12[%swap3A_462, %swap3A_463], %swap3A_466 {strides = array<i32>} : memref<32x1024xf32, #tpu.memory_space<vmem>>, vector<1x16xf32>,
        %get3A_467 = arith.index_cast %scan3A_28 : i32 to index
        %get3A_468 = arith.constant 432 : index
        %get3A_469 = tpu.vector_load %arg12[%get3A_467, %get3A_468] {strides = array<i32>} : memref<32x1024xf32, #tpu.memory_space<vmem>>, vector<1x16xf32>,
        %get3A_470 = vector.shape_cast %get3A_469 : vector<1x16xf32> to vector<16xf32>
        %mul3A_471 = arith.mulf %get3A_470, %get3A_31 : vector<16xf32>
        %get3A_472 = arith.index_cast %scan3A_28 : i32 to index
        %get3A_473 = arith.constant 432 : index
        %get3A_474 = tpu.vector_load %arg13[%get3A_472, %get3A_473] {strides = array<i32>} : memref<32x1024xf32, #tpu.memory_space<vmem>>, vector<1x16xf32>,
        %get3A_475 = vector.shape_cast %get3A_474 : vector<1x16xf32> to vector<16xf32>
        %mul3A_476 = arith.mulf %get3A_475, %get3A_35 : vector<16xf32>
        %add3A_477 = arith.addf %mul3A_471, %mul3A_476 : vector<16xf32>
        %swap3A_478 = arith.index_cast %scan3A_28 : i32 to index
        %swap3A_479 = arith.constant 432 : index
        %swap3A_480 = tpu.vector_load %arg12[%swap3A_478, %swap3A_479] {strides = array<i32>} : memref<32x1024xf32, #tpu.memory_space<vmem>>, vector<1x16xf32>,
        %swap3A_481 = vector.shape_cast %swap3A_480 : vector<1x16xf32> to vector<16xf32>
        %swap3A_482 = vector.shape_cast %add3A_477 : vector<16xf32> to vector<1x16xf32>
        tpu.vector_store %arg12[%swap3A_478, %swap3A_479], %swap3A_482 {strides = array<i32>} : memref<32x1024xf32, #tpu.memory_space<vmem>>, vector<1x16xf32>,
        %get3A_483 = arith.index_cast %scan3A_28 : i32 to index
        %get3A_484 = arith.constant 448 : index
        %get3A_485 = tpu.vector_load %arg12[%get3A_483, %get3A_484] {strides = array<i32>} : memref<32x1024xf32, #tpu.memory_space<vmem>>, vector<1x16xf32>,
        %get3A_486 = vector.shape_cast %get3A_485 : vector<1x16xf32> to vector<16xf32>
        %mul3A_487 = arith.mulf %get3A_486, %get3A_31 : vector<16xf32>
        %get3A_488 = arith.index_cast %scan3A_28 : i32 to index
        %get3A_489 = arith.constant 448 : index
        %get3A_490 = tpu.vector_load %arg13[%get3A_488, %get3A_489] {strides = array<i32>} : memref<32x1024xf32, #tpu.memory_space<vmem>>, vector<1x16xf32>,
        %get3A_491 = vector.shape_cast %get3A_490 : vector<1x16xf32> to vector<16xf32>
        %mul3A_492 = arith.mulf %get3A_491, %get3A_35 : vector<16xf32>
        %add3A_493 = arith.addf %mul3A_487, %mul3A_492 : vector<16xf32>
        %swap3A_494 = arith.index_cast %scan3A_28 : i32 to index
        %swap3A_495 = arith.constant 448 : index
        %swap3A_496 = tpu.vector_load %arg12[%swap3A_494, %swap3A_495] {strides = array<i32>} : memref<32x1024xf32, #tpu.memory_space<vmem>>, vector<1x16xf32>,
        %swap3A_497 = vector.shape_cast %swap3A_496 : vector<1x16xf32> to vector<16xf32>
        %swap3A_498 = vector.shape_cast %add3A_493 : vector<16xf32> to vector<1x16xf32>
        tpu.vector_store %arg12[%swap3A_494, %swap3A_495], %swap3A_498 {strides = array<i32>} : memref<32x1024xf32, #tpu.memory_space<vmem>>, vector<1x16xf32>,
        %get3A_499 = arith.index_cast %scan3A_28 : i32 to index
        %get3A_500 = arith.constant 464 : index
        %get3A_501 = tpu.vector_load %arg12[%get3A_499, %get3A_500] {strides = array<i32>} : memref<32x1024xf32, #tpu.memory_space<vmem>>, vector<1x16xf32>,
        %get3A_502 = vector.shape_cast %get3A_501 : vector<1x16xf32> to vector<16xf32>
        %mul3A_503 = arith.mulf %get3A_502, %get3A_31 : vector<16xf32>
        %get3A_504 = arith.index_cast %scan3A_28 : i32 to index
        %get3A_505 = arith.constant 464 : index
        %get3A_506 = tpu.vector_load %arg13[%get3A_504, %get3A_505] {strides = array<i32>} : memref<32x1024xf32, #tpu.memory_space<vmem>>, vector<1x16xf32>,
        %get3A_507 = vector.shape_cast %get3A_506 : vector<1x16xf32> to vector<16xf32>
        %mul3A_508 = arith.mulf %get3A_507, %get3A_35 : vector<16xf32>
        %add3A_509 = arith.addf %mul3A_503, %mul3A_508 : vector<16xf32>
        %swap3A_510 = arith.index_cast %scan3A_28 : i32 to index
        %swap3A_511 = arith.constant 464 : index
        %swap3A_512 = tpu.vector_load %arg12[%swap3A_510, %swap3A_511] {strides = array<i32>} : memref<32x1024xf32, #tpu.memory_space<vmem>>, vector<1x16xf32>,
        %swap3A_513 = vector.shape_cast %swap3A_512 : vector<1x16xf32> to vector<16xf32>
        %swap3A_514 = vector.shape_cast %add3A_509 : vector<16xf32> to vector<1x16xf32>
        tpu.vector_store %arg12[%swap3A_510, %swap3A_511], %swap3A_514 {strides = array<i32>} : memref<32x1024xf32, #tpu.memory_space<vmem>>, vector<1x16xf32>,
        %get3A_515 = arith.index_cast %scan3A_28 : i32 to index
        %get3A_516 = arith.constant 480 : index
        %get3A_517 = tpu.vector_load %arg12[%get3A_515, %get3A_516] {strides = array<i32>} : memref<32x1024xf32, #tpu.memory_space<vmem>>, vector<1x16xf32>,
        %get3A_518 = vector.shape_cast %get3A_517 : vector<1x16xf32> to vector<16xf32>
        %mul3A_519 = arith.mulf %get3A_518, %get3A_31 : vector<16xf32>
        %get3A_520 = arith.index_cast %scan3A_28 : i32 to index
        %get3A_521 = arith.constant 480 : index
        %get3A_522 = tpu.vector_load %arg13[%get3A_520, %get3A_521] {strides = array<i32>} : memref<32x1024xf32, #tpu.memory_space<vmem>>, vector<1x16xf32>,
        %get3A_523 = vector.shape_cast %get3A_522 : vector<1x16xf32> to vector<16xf32>
        %mul3A_524 = arith.mulf %get3A_523, %get3A_35 : vector<16xf32>
        %add3A_525 = arith.addf %mul3A_519, %mul3A_524 : vector<16xf32>
        %swap3A_526 = arith.index_cast %scan3A_28 : i32 to index
        %swap3A_527 = arith.constant 480 : index
        %swap3A_528 = tpu.vector_load %arg12[%swap3A_526, %swap3A_527] {strides = array<i32>} : memref<32x1024xf32, #tpu.memory_space<vmem>>, vector<1x16xf32>,
        %swap3A_529 = vector.shape_cast %swap3A_528 : vector<1x16xf32> to vector<16xf32>
        %swap3A_530 = vector.shape_cast %add3A_525 : vector<16xf32> to vector<1x16xf32>
        tpu.vector_store %arg12[%swap3A_526, %swap3A_527], %swap3A_530 {strides = array<i32>} : memref<32x1024xf32, #tpu.memory_space<vmem>>, vector<1x16xf32>,
        %get3A_531 = arith.index_cast %scan3A_28 : i32 to index
        %get3A_532 = arith.constant 496 : index
        %get3A_533 = tpu.vector_load %arg12[%get3A_531, %get3A_532] {strides = array<i32>} : memref<32x1024xf32, #tpu.memory_space<vmem>>, vector<1x16xf32>,
        %get3A_534 = vector.shape_cast %get3A_533 : vector<1x16xf32> to vector<16xf32>
        %mul3A_535 = arith.mulf %get3A_534, %get3A_31 : vector<16xf32>
        %get3A_536 = arith.index_cast %scan3A_28 : i32 to index
        %get3A_537 = arith.constant 496 : index
        %get3A_538 = tpu.vector_load %arg13[%get3A_536, %get3A_537] {strides = array<i32>} : memref<32x1024xf32, #tpu.memory_space<vmem>>, vector<1x16xf32>,
        %get3A_539 = vector.shape_cast %get3A_538 : vector<1x16xf32> to vector<16xf32>
        %mul3A_540 = arith.mulf %get3A_539, %get3A_35 : vector<16xf32>
        %add3A_541 = arith.addf %mul3A_535, %mul3A_540 : vector<16xf32>
        %swap3A_542 = arith.index_cast %scan3A_28 : i32 to index
        %swap3A_543 = arith.constant 496 : index
        %swap3A_544 = tpu.vector_load %arg12[%swap3A_542, %swap3A_543] {strides = array<i32>} : memref<32x1024xf32, #tpu.memory_space<vmem>>, vector<1x16xf32>,
        %swap3A_545 = vector.shape_cast %swap3A_544 : vector<1x16xf32> to vector<16xf32>
        %swap3A_546 = vector.shape_cast %add3A_541 : vector<16xf32> to vector<1x16xf32>
        tpu.vector_store %arg12[%swap3A_542, %swap3A_543], %swap3A_546 {strides = array<i32>} : memref<32x1024xf32, #tpu.memory_space<vmem>>, vector<1x16xf32>,
        %get3A_547 = arith.index_cast %scan3A_28 : i32 to index
        %get3A_548 = arith.constant 512 : index
        %get3A_549 = tpu.vector_load %arg12[%get3A_547, %get3A_548] {strides = array<i32>} : memref<32x1024xf32, #tpu.memory_space<vmem>>, vector<1x16xf32>,
        %get3A_550 = vector.shape_cast %get3A_549 : vector<1x16xf32> to vector<16xf32>
        %mul3A_551 = arith.mulf %get3A_550, %get3A_31 : vector<16xf32>
        %get3A_552 = arith.index_cast %scan3A_28 : i32 to index
        %get3A_553 = arith.constant 512 : index
        %get3A_554 = tpu.vector_load %arg13[%get3A_552, %get3A_553] {strides = array<i32>} : memref<32x1024xf32, #tpu.memory_space<vmem>>, vector<1x16xf32>,
        %get3A_555 = vector.shape_cast %get3A_554 : vector<1x16xf32> to vector<16xf32>
        %mul3A_556 = arith.mulf %get3A_555, %get3A_35 : vector<16xf32>
        %add3A_557 = arith.addf %mul3A_551, %mul3A_556 : vector<16xf32>
        %swap3A_558 = arith.index_cast %scan3A_28 : i32 to index
        %swap3A_559 = arith.constant 512 : index
        %swap3A_560 = tpu.vector_load %arg12[%swap3A_558, %swap3A_559] {strides = array<i32>} : memref<32x1024xf32, #tpu.memory_space<vmem>>, vector<1x16xf32>,
        %swap3A_561 = vector.shape_cast %swap3A_560 : vector<1x16xf32> to vector<16xf32>
        %swap3A_562 = vector.shape_cast %add3A_557 : vector<16xf32> to vector<1x16xf32>
        tpu.vector_store %arg12[%swap3A_558, %swap3A_559], %swap3A_562 {strides = array<i32>} : memref<32x1024xf32, #tpu.memory_space<vmem>>, vector<1x16xf32>,
        %get3A_563 = arith.index_cast %scan3A_28 : i32 to index
        %get3A_564 = arith.constant 528 : index
        %get3A_565 = tpu.vector_load %arg12[%get3A_563, %get3A_564] {strides = array<i32>} : memref<32x1024xf32, #tpu.memory_space<vmem>>, vector<1x16xf32>,
        %get3A_566 = vector.shape_cast %get3A_565 : vector<1x16xf32> to vector<16xf32>
        %mul3A_567 = arith.mulf %get3A_566, %get3A_31 : vector<16xf32>
        %get3A_568 = arith.index_cast %scan3A_28 : i32 to index
        %get3A_569 = arith.constant 528 : index
        %get3A_570 = tpu.vector_load %arg13[%get3A_568, %get3A_569] {strides = array<i32>} : memref<32x1024xf32, #tpu.memory_space<vmem>>, vector<1x16xf32>,
        %get3A_571 = vector.shape_cast %get3A_570 : vector<1x16xf32> to vector<16xf32>
        %mul3A_572 = arith.mulf %get3A_571, %get3A_35 : vector<16xf32>
        %add3A_573 = arith.addf %mul3A_567, %mul3A_572 : vector<16xf32>
        %swap3A_574 = arith.index_cast %scan3A_28 : i32 to index
        %swap3A_575 = arith.constant 528 : index
        %swap3A_576 = tpu.vector_load %arg12[%swap3A_574, %swap3A_575] {strides = array<i32>} : memref<32x1024xf32, #tpu.memory_space<vmem>>, vector<1x16xf32>,
        %swap3A_577 = vector.shape_cast %swap3A_576 : vector<1x16xf32> to vector<16xf32>
        %swap3A_578 = vector.shape_cast %add3A_573 : vector<16xf32> to vector<1x16xf32>
        tpu.vector_store %arg12[%swap3A_574, %swap3A_575], %swap3A_578 {strides = array<i32>} : memref<32x1024xf32, #tpu.memory_space<vmem>>, vector<1x16xf32>,
        %get3A_579 = arith.index_cast %scan3A_28 : i32 to index
        %get3A_580 = arith.constant 544 : index
        %get3A_581 = tpu.vector_load %arg12[%get3A_579, %get3A_580] {strides = array<i32>} : memref<32x1024xf32, #tpu.memory_space<vmem>>, vector<1x16xf32>,
        %get3A_582 = vector.shape_cast %get3A_581 : vector<1x16xf32> to vector<16xf32>
        %mul3A_583 = arith.mulf %get3A_582, %get3A_31 : vector<16xf32>
        %get3A_584 = arith.index_cast %scan3A_28 : i32 to index
        %get3A_585 = arith.constant 544 : index
        %get3A_586 = tpu.vector_load %arg13[%get3A_584, %get3A_585] {strides = array<i32>} : memref<32x1024xf32, #tpu.memory_space<vmem>>, vector<1x16xf32>,
        %get3A_587 = vector.shape_cast %get3A_586 : vector<1x16xf32> to vector<16xf32>
        %mul3A_588 = arith.mulf %get3A_587, %get3A_35 : vector<16xf32>
        %add3A_589 = arith.addf %mul3A_583, %mul3A_588 : vector<16xf32>
        %swap3A_590 = arith.index_cast %scan3A_28 : i32 to index
        %swap3A_591 = arith.constant 544 : index
        %swap3A_592 = tpu.vector_load %arg12[%swap3A_590, %swap3A_591] {strides = array<i32>} : memref<32x1024xf32, #tpu.memory_space<vmem>>, vector<1x16xf32>,
        %swap3A_593 = vector.shape_cast %swap3A_592 : vector<1x16xf32> to vector<16xf32>
        %swap3A_594 = vector.shape_cast %add3A_589 : vector<16xf32> to vector<1x16xf32>
        tpu.vector_store %arg12[%swap3A_590, %swap3A_591], %swap3A_594 {strides = array<i32>} : memref<32x1024xf32, #tpu.memory_space<vmem>>, vector<1x16xf32>,
        %get3A_595 = arith.index_cast %scan3A_28 : i32 to index
        %get3A_596 = arith.constant 560 : index
        %get3A_597 = tpu.vector_load %arg12[%get3A_595, %get3A_596] {strides = array<i32>} : memref<32x1024xf32, #tpu.memory_space<vmem>>, vector<1x16xf32>,
        %get3A_598 = vector.shape_cast %get3A_597 : vector<1x16xf32> to vector<16xf32>
        %mul3A_599 = arith.mulf %get3A_598, %get3A_31 : vector<16xf32>
        %get3A_600 = arith.index_cast %scan3A_28 : i32 to index
        %get3A_601 = arith.constant 560 : index
        %get3A_602 = tpu.vector_load %arg13[%get3A_600, %get3A_601] {strides = array<i32>} : memref<32x1024xf32, #tpu.memory_space<vmem>>, vector<1x16xf32>,
        %get3A_603 = vector.shape_cast %get3A_602 : vector<1x16xf32> to vector<16xf32>
        %mul3A_604 = arith.mulf %get3A_603, %get3A_35 : vector<16xf32>
        %add3A_605 = arith.addf %mul3A_599, %mul3A_604 : vector<16xf32>
        %swap3A_606 = arith.index_cast %scan3A_28 : i32 to index
        %swap3A_607 = arith.constant 560 : index
        %swap3A_608 = tpu.vector_load %arg12[%swap3A_606, %swap3A_607] {strides = array<i32>} : memref<32x1024xf32, #tpu.memory_space<vmem>>, vector<1x16xf32>,
        %swap3A_609 = vector.shape_cast %swap3A_608 : vector<1x16xf32> to vector<16xf32>
        %swap3A_610 = vector.shape_cast %add3A_605 : vector<16xf32> to vector<1x16xf32>
        tpu.vector_store %arg12[%swap3A_606, %swap3A_607], %swap3A_610 {strides = array<i32>} : memref<32x1024xf32, #tpu.memory_space<vmem>>, vector<1x16xf32>,
        %get3A_611 = arith.index_cast %scan3A_28 : i32 to index
        %get3A_612 = arith.constant 576 : index
        %get3A_613 = tpu.vector_load %arg12[%get3A_611, %get3A_612] {strides = array<i32>} : memref<32x1024xf32, #tpu.memory_space<vmem>>, vector<1x16xf32>,
        %get3A_614 = vector.shape_cast %get3A_613 : vector<1x16xf32> to vector<16xf32>
        %mul3A_615 = arith.mulf %get3A_614, %get3A_31 : vector<16xf32>
        %get3A_616 = arith.index_cast %scan3A_28 : i32 to index
        %get3A_617 = arith.constant 576 : index
        %get3A_618 = tpu.vector_load %arg13[%get3A_616, %get3A_617] {strides = array<i32>} : memref<32x1024xf32, #tpu.memory_space<vmem>>, vector<1x16xf32>,
        %get3A_619 = vector.shape_cast %get3A_618 : vector<1x16xf32> to vector<16xf32>
        %mul3A_620 = arith.mulf %get3A_619, %get3A_35 : vector<16xf32>
        %add3A_621 = arith.addf %mul3A_615, %mul3A_620 : vector<16xf32>
        %swap3A_622 = arith.index_cast %scan3A_28 : i32 to index
        %swap3A_623 = arith.constant 576 : index
        %swap3A_624 = tpu.vector_load %arg12[%swap3A_622, %swap3A_623] {strides = array<i32>} : memref<32x1024xf32, #tpu.memory_space<vmem>>, vector<1x16xf32>,
        %swap3A_625 = vector.shape_cast %swap3A_624 : vector<1x16xf32> to vector<16xf32>
        %swap3A_626 = vector.shape_cast %add3A_621 : vector<16xf32> to vector<1x16xf32>
        tpu.vector_store %arg12[%swap3A_622, %swap3A_623], %swap3A_626 {strides = array<i32>} : memref<32x1024xf32, #tpu.memory_space<vmem>>, vector<1x16xf32>,
        %get3A_627 = arith.index_cast %scan3A_28 : i32 to index
        %get3A_628 = arith.constant 592 : index
        %get3A_629 = tpu.vector_load %arg12[%get3A_627, %get3A_628] {strides = array<i32>} : memref<32x1024xf32, #tpu.memory_space<vmem>>, vector<1x16xf32>,
        %get3A_630 = vector.shape_cast %get3A_629 : vector<1x16xf32> to vector<16xf32>
        %mul3A_631 = arith.mulf %get3A_630, %get3A_31 : vector<16xf32>
        %get3A_632 = arith.index_cast %scan3A_28 : i32 to index
        %get3A_633 = arith.constant 592 : index
        %get3A_634 = tpu.vector_load %arg13[%get3A_632, %get3A_633] {strides = array<i32>} : memref<32x1024xf32, #tpu.memory_space<vmem>>, vector<1x16xf32>,
        %get3A_635 = vector.shape_cast %get3A_634 : vector<1x16xf32> to vector<16xf32>
        %mul3A_636 = arith.mulf %get3A_635, %get3A_35 : vector<16xf32>
        %add3A_637 = arith.addf %mul3A_631, %mul3A_636 : vector<16xf32>
        %swap3A_638 = arith.index_cast %scan3A_28 : i32 to index
        %swap3A_639 = arith.constant 592 : index
        %swap3A_640 = tpu.vector_load %arg12[%swap3A_638, %swap3A_639] {strides = array<i32>} : memref<32x1024xf32, #tpu.memory_space<vmem>>, vector<1x16xf32>,
        %swap3A_641 = vector.shape_cast %swap3A_640 : vector<1x16xf32> to vector<16xf32>
        %swap3A_642 = vector.shape_cast %add3A_637 : vector<16xf32> to vector<1x16xf32>
        tpu.vector_store %arg12[%swap3A_638, %swap3A_639], %swap3A_642 {strides = array<i32>} : memref<32x1024xf32, #tpu.memory_space<vmem>>, vector<1x16xf32>,
        %get3A_643 = arith.index_cast %scan3A_28 : i32 to index
        %get3A_644 = arith.constant 608 : index
        %get3A_645 = tpu.vector_load %arg12[%get3A_643, %get3A_644] {strides = array<i32>} : memref<32x1024xf32, #tpu.memory_space<vmem>>, vector<1x16xf32>,
        %get3A_646 = vector.shape_cast %get3A_645 : vector<1x16xf32> to vector<16xf32>
        %mul3A_647 = arith.mulf %get3A_646, %get3A_31 : vector<16xf32>
        %get3A_648 = arith.index_cast %scan3A_28 : i32 to index
        %get3A_649 = arith.constant 608 : index
        %get3A_650 = tpu.vector_load %arg13[%get3A_648, %get3A_649] {strides = array<i32>} : memref<32x1024xf32, #tpu.memory_space<vmem>>, vector<1x16xf32>,
        %get3A_651 = vector.shape_cast %get3A_650 : vector<1x16xf32> to vector<16xf32>
        %mul3A_652 = arith.mulf %get3A_651, %get3A_35 : vector<16xf32>
        %add3A_653 = arith.addf %mul3A_647, %mul3A_652 : vector<16xf32>
        %swap3A_654 = arith.index_cast %scan3A_28 : i32 to index
        %swap3A_655 = arith.constant 608 : index
        %swap3A_656 = tpu.vector_load %arg12[%swap3A_654, %swap3A_655] {strides = array<i32>} : memref<32x1024xf32, #tpu.memory_space<vmem>>, vector<1x16xf32>,
        %swap3A_657 = vector.shape_cast %swap3A_656 : vector<1x16xf32> to vector<16xf32>
        %swap3A_658 = vector.shape_cast %add3A_653 : vector<16xf32> to vector<1x16xf32>
        tpu.vector_store %arg12[%swap3A_654, %swap3A_655], %swap3A_658 {strides = array<i32>} : memref<32x1024xf32, #tpu.memory_space<vmem>>, vector<1x16xf32>,
        %get3A_659 = arith.index_cast %scan3A_28 : i32 to index
        %get3A_660 = arith.constant 624 : index
        %get3A_661 = tpu.vector_load %arg12[%get3A_659, %get3A_660] {strides = array<i32>} : memref<32x1024xf32, #tpu.memory_space<vmem>>, vector<1x16xf32>,
        %get3A_662 = vector.shape_cast %get3A_661 : vector<1x16xf32> to vector<16xf32>
        %mul3A_663 = arith.mulf %get3A_662, %get3A_31 : vector<16xf32>
        %get3A_664 = arith.index_cast %scan3A_28 : i32 to index
        %get3A_665 = arith.constant 624 : index
        %get3A_666 = tpu.vector_load %arg13[%get3A_664, %get3A_665] {strides = array<i32>} : memref<32x1024xf32, #tpu.memory_space<vmem>>, vector<1x16xf32>,
        %get3A_667 = vector.shape_cast %get3A_666 : vector<1x16xf32> to vector<16xf32>
        %mul3A_668 = arith.mulf %get3A_667, %get3A_35 : vector<16xf32>
        %add3A_669 = arith.addf %mul3A_663, %mul3A_668 : vector<16xf32>
        %swap3A_670 = arith.index_cast %scan3A_28 : i32 to index
        %swap3A_671 = arith.constant 624 : index
        %swap3A_672 = tpu.vector_load %arg12[%swap3A_670, %swap3A_671] {strides = array<i32>} : memref<32x1024xf32, #tpu.memory_space<vmem>>, vector<1x16xf32>,
        %swap3A_673 = vector.shape_cast %swap3A_672 : vector<1x16xf32> to vector<16xf32>
        %swap3A_674 = vector.shape_cast %add3A_669 : vector<16xf32> to vector<1x16xf32>
        tpu.vector_store %arg12[%swap3A_670, %swap3A_671], %swap3A_674 {strides = array<i32>} : memref<32x1024xf32, #tpu.memory_space<vmem>>, vector<1x16xf32>,
        %get3A_675 = arith.index_cast %scan3A_28 : i32 to index
        %get3A_676 = arith.constant 640 : index
        %get3A_677 = tpu.vector_load %arg12[%get3A_675, %get3A_676] {strides = array<i32>} : memref<32x1024xf32, #tpu.memory_space<vmem>>, vector<1x16xf32>,
        %get3A_678 = vector.shape_cast %get3A_677 : vector<1x16xf32> to vector<16xf32>
        %mul3A_679 = arith.mulf %get3A_678, %get3A_31 : vector<16xf32>
        %get3A_680 = arith.index_cast %scan3A_28 : i32 to index
        %get3A_681 = arith.constant 640 : index
        %get3A_682 = tpu.vector_load %arg13[%get3A_680, %get3A_681] {strides = array<i32>} : memref<32x1024xf32, #tpu.memory_space<vmem>>, vector<1x16xf32>,
        %get3A_683 = vector.shape_cast %get3A_682 : vector<1x16xf32> to vector<16xf32>
        %mul3A_684 = arith.mulf %get3A_683, %get3A_35 : vector<16xf32>
        %add3A_685 = arith.addf %mul3A_679, %mul3A_684 : vector<16xf32>
        %swap3A_686 = arith.index_cast %scan3A_28 : i32 to index
        %swap3A_687 = arith.constant 640 : index
        %swap3A_688 = tpu.vector_load %arg12[%swap3A_686, %swap3A_687] {strides = array<i32>} : memref<32x1024xf32, #tpu.memory_space<vmem>>, vector<1x16xf32>,
        %swap3A_689 = vector.shape_cast %swap3A_688 : vector<1x16xf32> to vector<16xf32>
        %swap3A_690 = vector.shape_cast %add3A_685 : vector<16xf32> to vector<1x16xf32>
        tpu.vector_store %arg12[%swap3A_686, %swap3A_687], %swap3A_690 {strides = array<i32>} : memref<32x1024xf32, #tpu.memory_space<vmem>>, vector<1x16xf32>,
        %get3A_691 = arith.index_cast %scan3A_28 : i32 to index
        %get3A_692 = arith.constant 656 : index
        %get3A_693 = tpu.vector_load %arg12[%get3A_691, %get3A_692] {strides = array<i32>} : memref<32x1024xf32, #tpu.memory_space<vmem>>, vector<1x16xf32>,
        %get3A_694 = vector.shape_cast %get3A_693 : vector<1x16xf32> to vector<16xf32>
        %mul3A_695 = arith.mulf %get3A_694, %get3A_31 : vector<16xf32>
        %get3A_696 = arith.index_cast %scan3A_28 : i32 to index
        %get3A_697 = arith.constant 656 : index
        %get3A_698 = tpu.vector_load %arg13[%get3A_696, %get3A_697] {strides = array<i32>} : memref<32x1024xf32, #tpu.memory_space<vmem>>, vector<1x16xf32>,
        %get3A_699 = vector.shape_cast %get3A_698 : vector<1x16xf32> to vector<16xf32>
        %mul3A_700 = arith.mulf %get3A_699, %get3A_35 : vector<16xf32>
        %add3A_701 = arith.addf %mul3A_695, %mul3A_700 : vector<16xf32>
        %swap3A_702 = arith.index_cast %scan3A_28 : i32 to index
        %swap3A_703 = arith.constant 656 : index
        %swap3A_704 = tpu.vector_load %arg12[%swap3A_702, %swap3A_703] {strides = array<i32>} : memref<32x1024xf32, #tpu.memory_space<vmem>>, vector<1x16xf32>,
        %swap3A_705 = vector.shape_cast %swap3A_704 : vector<1x16xf32> to vector<16xf32>
        %swap3A_706 = vector.shape_cast %add3A_701 : vector<16xf32> to vector<1x16xf32>
        tpu.vector_store %arg12[%swap3A_702, %swap3A_703], %swap3A_706 {strides = array<i32>} : memref<32x1024xf32, #tpu.memory_space<vmem>>, vector<1x16xf32>,
        %get3A_707 = arith.index_cast %scan3A_28 : i32 to index
        %get3A_708 = arith.constant 672 : index
        %get3A_709 = tpu.vector_load %arg12[%get3A_707, %get3A_708] {strides = array<i32>} : memref<32x1024xf32, #tpu.memory_space<vmem>>, vector<1x16xf32>,
        %get3A_710 = vector.shape_cast %get3A_709 : vector<1x16xf32> to vector<16xf32>
        %mul3A_711 = arith.mulf %get3A_710, %get3A_31 : vector<16xf32>
        %get3A_712 = arith.index_cast %scan3A_28 : i32 to index
        %get3A_713 = arith.constant 672 : index
        %get3A_714 = tpu.vector_load %arg13[%get3A_712, %get3A_713] {strides = array<i32>} : memref<32x1024xf32, #tpu.memory_space<vmem>>, vector<1x16xf32>,
        %get3A_715 = vector.shape_cast %get3A_714 : vector<1x16xf32> to vector<16xf32>
        %mul3A_716 = arith.mulf %get3A_715, %get3A_35 : vector<16xf32>
        %add3A_717 = arith.addf %mul3A_711, %mul3A_716 : vector<16xf32>
        %swap3A_718 = arith.index_cast %scan3A_28 : i32 to index
        %swap3A_719 = arith.constant 672 : index
        %swap3A_720 = tpu.vector_load %arg12[%swap3A_718, %swap3A_719] {strides = array<i32>} : memref<32x1024xf32, #tpu.memory_space<vmem>>, vector<1x16xf32>,
        %swap3A_721 = vector.shape_cast %swap3A_720 : vector<1x16xf32> to vector<16xf32>
        %swap3A_722 = vector.shape_cast %add3A_717 : vector<16xf32> to vector<1x16xf32>
        tpu.vector_store %arg12[%swap3A_718, %swap3A_719], %swap3A_722 {strides = array<i32>} : memref<32x1024xf32, #tpu.memory_space<vmem>>, vector<1x16xf32>,
        %get3A_723 = arith.index_cast %scan3A_28 : i32 to index
        %get3A_724 = arith.constant 688 : index
        %get3A_725 = tpu.vector_load %arg12[%get3A_723, %get3A_724] {strides = array<i32>} : memref<32x1024xf32, #tpu.memory_space<vmem>>, vector<1x16xf32>,
        %get3A_726 = vector.shape_cast %get3A_725 : vector<1x16xf32> to vector<16xf32>
        %mul3A_727 = arith.mulf %get3A_726, %get3A_31 : vector<16xf32>
        %get3A_728 = arith.index_cast %scan3A_28 : i32 to index
        %get3A_729 = arith.constant 688 : index
        %get3A_730 = tpu.vector_load %arg13[%get3A_728, %get3A_729] {strides = array<i32>} : memref<32x1024xf32, #tpu.memory_space<vmem>>, vector<1x16xf32>,
        %get3A_731 = vector.shape_cast %get3A_730 : vector<1x16xf32> to vector<16xf32>
        %mul3A_732 = arith.mulf %get3A_731, %get3A_35 : vector<16xf32>
        %add3A_733 = arith.addf %mul3A_727, %mul3A_732 : vector<16xf32>
        %swap3A_734 = arith.index_cast %scan3A_28 : i32 to index
        %swap3A_735 = arith.constant 688 : index
        %swap3A_736 = tpu.vector_load %arg12[%swap3A_734, %swap3A_735] {strides = array<i32>} : memref<32x1024xf32, #tpu.memory_space<vmem>>, vector<1x16xf32>,
        %swap3A_737 = vector.shape_cast %swap3A_736 : vector<1x16xf32> to vector<16xf32>
        %swap3A_738 = vector.shape_cast %add3A_733 : vector<16xf32> to vector<1x16xf32>
        tpu.vector_store %arg12[%swap3A_734, %swap3A_735], %swap3A_738 {strides = array<i32>} : memref<32x1024xf32, #tpu.memory_space<vmem>>, vector<1x16xf32>,
        %get3A_739 = arith.index_cast %scan3A_28 : i32 to index
        %get3A_740 = arith.constant 704 : index
        %get3A_741 = tpu.vector_load %arg12[%get3A_739, %get3A_740] {strides = array<i32>} : memref<32x1024xf32, #tpu.memory_space<vmem>>, vector<1x16xf32>,
        %get3A_742 = vector.shape_cast %get3A_741 : vector<1x16xf32> to vector<16xf32>
        %mul3A_743 = arith.mulf %get3A_742, %get3A_31 : vector<16xf32>
        %get3A_744 = arith.index_cast %scan3A_28 : i32 to index
        %get3A_745 = arith.constant 704 : index
        %get3A_746 = tpu.vector_load %arg13[%get3A_744, %get3A_745] {strides = array<i32>} : memref<32x1024xf32, #tpu.memory_space<vmem>>, vector<1x16xf32>,
        %get3A_747 = vector.shape_cast %get3A_746 : vector<1x16xf32> to vector<16xf32>
        %mul3A_748 = arith.mulf %get3A_747, %get3A_35 : vector<16xf32>
        %add3A_749 = arith.addf %mul3A_743, %mul3A_748 : vector<16xf32>
        %swap3A_750 = arith.index_cast %scan3A_28 : i32 to index
        %swap3A_751 = arith.constant 704 : index
        %swap3A_752 = tpu.vector_load %arg12[%swap3A_750, %swap3A_751] {strides = array<i32>} : memref<32x1024xf32, #tpu.memory_space<vmem>>, vector<1x16xf32>,
        %swap3A_753 = vector.shape_cast %swap3A_752 : vector<1x16xf32> to vector<16xf32>
        %swap3A_754 = vector.shape_cast %add3A_749 : vector<16xf32> to vector<1x16xf32>
        tpu.vector_store %arg12[%swap3A_750, %swap3A_751], %swap3A_754 {strides = array<i32>} : memref<32x1024xf32, #tpu.memory_space<vmem>>, vector<1x16xf32>,
        %get3A_755 = arith.index_cast %scan3A_28 : i32 to index
        %get3A_756 = arith.constant 720 : index
        %get3A_757 = tpu.vector_load %arg12[%get3A_755, %get3A_756] {strides = array<i32>} : memref<32x1024xf32, #tpu.memory_space<vmem>>, vector<1x16xf32>,
        %get3A_758 = vector.shape_cast %get3A_757 : vector<1x16xf32> to vector<16xf32>
        %mul3A_759 = arith.mulf %get3A_758, %get3A_31 : vector<16xf32>
        %get3A_760 = arith.index_cast %scan3A_28 : i32 to index
        %get3A_761 = arith.constant 720 : index
        %get3A_762 = tpu.vector_load %arg13[%get3A_760, %get3A_761] {strides = array<i32>} : memref<32x1024xf32, #tpu.memory_space<vmem>>, vector<1x16xf32>,
        %get3A_763 = vector.shape_cast %get3A_762 : vector<1x16xf32> to vector<16xf32>
        %mul3A_764 = arith.mulf %get3A_763, %get3A_35 : vector<16xf32>
        %add3A_765 = arith.addf %mul3A_759, %mul3A_764 : vector<16xf32>
        %swap3A_766 = arith.index_cast %scan3A_28 : i32 to index
        %swap3A_767 = arith.constant 720 : index
        %swap3A_768 = tpu.vector_load %arg12[%swap3A_766, %swap3A_767] {strides = array<i32>} : memref<32x1024xf32, #tpu.memory_space<vmem>>, vector<1x16xf32>,
        %swap3A_769 = vector.shape_cast %swap3A_768 : vector<1x16xf32> to vector<16xf32>
        %swap3A_770 = vector.shape_cast %add3A_765 : vector<16xf32> to vector<1x16xf32>
        tpu.vector_store %arg12[%swap3A_766, %swap3A_767], %swap3A_770 {strides = array<i32>} : memref<32x1024xf32, #tpu.memory_space<vmem>>, vector<1x16xf32>,
        %get3A_771 = arith.index_cast %scan3A_28 : i32 to index
        %get3A_772 = arith.constant 736 : index
        %get3A_773 = tpu.vector_load %arg12[%get3A_771, %get3A_772] {strides = array<i32>} : memref<32x1024xf32, #tpu.memory_space<vmem>>, vector<1x16xf32>,
        %get3A_774 = vector.shape_cast %get3A_773 : vector<1x16xf32> to vector<16xf32>
        %mul3A_775 = arith.mulf %get3A_774, %get3A_31 : vector<16xf32>
        %get3A_776 = arith.index_cast %scan3A_28 : i32 to index
        %get3A_777 = arith.constant 736 : index
        %get3A_778 = tpu.vector_load %arg13[%get3A_776, %get3A_777] {strides = array<i32>} : memref<32x1024xf32, #tpu.memory_space<vmem>>, vector<1x16xf32>,
        %get3A_779 = vector.shape_cast %get3A_778 : vector<1x16xf32> to vector<16xf32>
        %mul3A_780 = arith.mulf %get3A_779, %get3A_35 : vector<16xf32>
        %add3A_781 = arith.addf %mul3A_775, %mul3A_780 : vector<16xf32>
        %swap3A_782 = arith.index_cast %scan3A_28 : i32 to index
        %swap3A_783 = arith.constant 736 : index
        %swap3A_784 = tpu.vector_load %arg12[%swap3A_782, %swap3A_783] {strides = array<i32>} : memref<32x1024xf32, #tpu.memory_space<vmem>>, vector<1x16xf32>,
        %swap3A_785 = vector.shape_cast %swap3A_784 : vector<1x16xf32> to vector<16xf32>
        %swap3A_786 = vector.shape_cast %add3A_781 : vector<16xf32> to vector<1x16xf32>
        tpu.vector_store %arg12[%swap3A_782, %swap3A_783], %swap3A_786 {strides = array<i32>} : memref<32x1024xf32, #tpu.memory_space<vmem>>, vector<1x16xf32>,
        %get3A_787 = arith.index_cast %scan3A_28 : i32 to index
        %get3A_788 = arith.constant 752 : index
        %get3A_789 = tpu.vector_load %arg12[%get3A_787, %get3A_788] {strides = array<i32>} : memref<32x1024xf32, #tpu.memory_space<vmem>>, vector<1x16xf32>,
        %get3A_790 = vector.shape_cast %get3A_789 : vector<1x16xf32> to vector<16xf32>
        %mul3A_791 = arith.mulf %get3A_790, %get3A_31 : vector<16xf32>
        %get3A_792 = arith.index_cast %scan3A_28 : i32 to index
        %get3A_793 = arith.constant 752 : index
        %get3A_794 = tpu.vector_load %arg13[%get3A_792, %get3A_793] {strides = array<i32>} : memref<32x1024xf32, #tpu.memory_space<vmem>>, vector<1x16xf32>,
        %get3A_795 = vector.shape_cast %get3A_794 : vector<1x16xf32> to vector<16xf32>
        %mul3A_796 = arith.mulf %get3A_795, %get3A_35 : vector<16xf32>
        %add3A_797 = arith.addf %mul3A_791, %mul3A_796 : vector<16xf32>
        %swap3A_798 = arith.index_cast %scan3A_28 : i32 to index
        %swap3A_799 = arith.constant 752 : index
        %swap3A_800 = tpu.vector_load %arg12[%swap3A_798, %swap3A_799] {strides = array<i32>} : memref<32x1024xf32, #tpu.memory_space<vmem>>, vector<1x16xf32>,
        %swap3A_801 = vector.shape_cast %swap3A_800 : vector<1x16xf32> to vector<16xf32>
        %swap3A_802 = vector.shape_cast %add3A_797 : vector<16xf32> to vector<1x16xf32>
        tpu.vector_store %arg12[%swap3A_798, %swap3A_799], %swap3A_802 {strides = array<i32>} : memref<32x1024xf32, #tpu.memory_space<vmem>>, vector<1x16xf32>,
        %get3A_803 = arith.index_cast %scan3A_28 : i32 to index
        %get3A_804 = arith.constant 768 : index
        %get3A_805 = tpu.vector_load %arg12[%get3A_803, %get3A_804] {strides = array<i32>} : memref<32x1024xf32, #tpu.memory_space<vmem>>, vector<1x16xf32>,
        %get3A_806 = vector.shape_cast %get3A_805 : vector<1x16xf32> to vector<16xf32>
        %mul3A_807 = arith.mulf %get3A_806, %get3A_31 : vector<16xf32>
        %get3A_808 = arith.index_cast %scan3A_28 : i32 to index
        %get3A_809 = arith.constant 768 : index
        %get3A_810 = tpu.vector_load %arg13[%get3A_808, %get3A_809] {strides = array<i32>} : memref<32x1024xf32, #tpu.memory_space<vmem>>, vector<1x16xf32>,
        %get3A_811 = vector.shape_cast %get3A_810 : vector<1x16xf32> to vector<16xf32>
        %mul3A_812 = arith.mulf %get3A_811, %get3A_35 : vector<16xf32>
        %add3A_813 = arith.addf %mul3A_807, %mul3A_812 : vector<16xf32>
        %swap3A_814 = arith.index_cast %scan3A_28 : i32 to index
        %swap3A_815 = arith.constant 768 : index
        %swap3A_816 = tpu.vector_load %arg12[%swap3A_814, %swap3A_815] {strides = array<i32>} : memref<32x1024xf32, #tpu.memory_space<vmem>>, vector<1x16xf32>,
        %swap3A_817 = vector.shape_cast %swap3A_816 : vector<1x16xf32> to vector<16xf32>
        %swap3A_818 = vector.shape_cast %add3A_813 : vector<16xf32> to vector<1x16xf32>
        tpu.vector_store %arg12[%swap3A_814, %swap3A_815], %swap3A_818 {strides = array<i32>} : memref<32x1024xf32, #tpu.memory_space<vmem>>, vector<1x16xf32>,
        %get3A_819 = arith.index_cast %scan3A_28 : i32 to index
        %get3A_820 = arith.constant 784 : index
        %get3A_821 = tpu.vector_load %arg12[%get3A_819, %get3A_820] {strides = array<i32>} : memref<32x1024xf32, #tpu.memory_space<vmem>>, vector<1x16xf32>,
        %get3A_822 = vector.shape_cast %get3A_821 : vector<1x16xf32> to vector<16xf32>
        %mul3A_823 = arith.mulf %get3A_822, %get3A_31 : vector<16xf32>
        %get3A_824 = arith.index_cast %scan3A_28 : i32 to index
        %get3A_825 = arith.constant 784 : index
        %get3A_826 = tpu.vector_load %arg13[%get3A_824, %get3A_825] {strides = array<i32>} : memref<32x1024xf32, #tpu.memory_space<vmem>>, vector<1x16xf32>,
        %get3A_827 = vector.shape_cast %get3A_826 : vector<1x16xf32> to vector<16xf32>
        %mul3A_828 = arith.mulf %get3A_827, %get3A_35 : vector<16xf32>
        %add3A_829 = arith.addf %mul3A_823, %mul3A_828 : vector<16xf32>
        %swap3A_830 = arith.index_cast %scan3A_28 : i32 to index
        %swap3A_831 = arith.constant 784 : index
        %swap3A_832 = tpu.vector_load %arg12[%swap3A_830, %swap3A_831] {strides = array<i32>} : memref<32x1024xf32, #tpu.memory_space<vmem>>, vector<1x16xf32>,
        %swap3A_833 = vector.shape_cast %swap3A_832 : vector<1x16xf32> to vector<16xf32>
        %swap3A_834 = vector.shape_cast %add3A_829 : vector<16xf32> to vector<1x16xf32>
        tpu.vector_store %arg12[%swap3A_830, %swap3A_831], %swap3A_834 {strides = array<i32>} : memref<32x1024xf32, #tpu.memory_space<vmem>>, vector<1x16xf32>,
        %get3A_835 = arith.index_cast %scan3A_28 : i32 to index
        %get3A_836 = arith.constant 800 : index
        %get3A_837 = tpu.vector_load %arg12[%get3A_835, %get3A_836] {strides = array<i32>} : memref<32x1024xf32, #tpu.memory_space<vmem>>, vector<1x16xf32>,
        %get3A_838 = vector.shape_cast %get3A_837 : vector<1x16xf32> to vector<16xf32>
        %mul3A_839 = arith.mulf %get3A_838, %get3A_31 : vector<16xf32>
        %get3A_840 = arith.index_cast %scan3A_28 : i32 to index
        %get3A_841 = arith.constant 800 : index
        %get3A_842 = tpu.vector_load %arg13[%get3A_840, %get3A_841] {strides = array<i32>} : memref<32x1024xf32, #tpu.memory_space<vmem>>, vector<1x16xf32>,
        %get3A_843 = vector.shape_cast %get3A_842 : vector<1x16xf32> to vector<16xf32>
        %mul3A_844 = arith.mulf %get3A_843, %get3A_35 : vector<16xf32>
        %add3A_845 = arith.addf %mul3A_839, %mul3A_844 : vector<16xf32>
        %swap3A_846 = arith.index_cast %scan3A_28 : i32 to index
        %swap3A_847 = arith.constant 800 : index
        %swap3A_848 = tpu.vector_load %arg12[%swap3A_846, %swap3A_847] {strides = array<i32>} : memref<32x1024xf32, #tpu.memory_space<vmem>>, vector<1x16xf32>,
        %swap3A_849 = vector.shape_cast %swap3A_848 : vector<1x16xf32> to vector<16xf32>
        %swap3A_850 = vector.shape_cast %add3A_845 : vector<16xf32> to vector<1x16xf32>
        tpu.vector_store %arg12[%swap3A_846, %swap3A_847], %swap3A_850 {strides = array<i32>} : memref<32x1024xf32, #tpu.memory_space<vmem>>, vector<1x16xf32>,
        %get3A_851 = arith.index_cast %scan3A_28 : i32 to index
        %get3A_852 = arith.constant 816 : index
        %get3A_853 = tpu.vector_load %arg12[%get3A_851, %get3A_852] {strides = array<i32>} : memref<32x1024xf32, #tpu.memory_space<vmem>>, vector<1x16xf32>,
        %get3A_854 = vector.shape_cast %get3A_853 : vector<1x16xf32> to vector<16xf32>
        %mul3A_855 = arith.mulf %get3A_854, %get3A_31 : vector<16xf32>
        %get3A_856 = arith.index_cast %scan3A_28 : i32 to index
        %get3A_857 = arith.constant 816 : index
        %get3A_858 = tpu.vector_load %arg13[%get3A_856, %get3A_857] {strides = array<i32>} : memref<32x1024xf32, #tpu.memory_space<vmem>>, vector<1x16xf32>,
        %get3A_859 = vector.shape_cast %get3A_858 : vector<1x16xf32> to vector<16xf32>
        %mul3A_860 = arith.mulf %get3A_859, %get3A_35 : vector<16xf32>
        %add3A_861 = arith.addf %mul3A_855, %mul3A_860 : vector<16xf32>
        %swap3A_862 = arith.index_cast %scan3A_28 : i32 to index
        %swap3A_863 = arith.constant 816 : index
        %swap3A_864 = tpu.vector_load %arg12[%swap3A_862, %swap3A_863] {strides = array<i32>} : memref<32x1024xf32, #tpu.memory_space<vmem>>, vector<1x16xf32>,
        %swap3A_865 = vector.shape_cast %swap3A_864 : vector<1x16xf32> to vector<16xf32>
        %swap3A_866 = vector.shape_cast %add3A_861 : vector<16xf32> to vector<1x16xf32>
        tpu.vector_store %arg12[%swap3A_862, %swap3A_863], %swap3A_866 {strides = array<i32>} : memref<32x1024xf32, #tpu.memory_space<vmem>>, vector<1x16xf32>,
        %get3A_867 = arith.index_cast %scan3A_28 : i32 to index
        %get3A_868 = arith.constant 832 : index
        %get3A_869 = tpu.vector_load %arg12[%get3A_867, %get3A_868] {strides = array<i32>} : memref<32x1024xf32, #tpu.memory_space<vmem>>, vector<1x16xf32>,
        %get3A_870 = vector.shape_cast %get3A_869 : vector<1x16xf32> to vector<16xf32>
        %mul3A_871 = arith.mulf %get3A_870, %get3A_31 : vector<16xf32>
        %get3A_872 = arith.index_cast %scan3A_28 : i32 to index
        %get3A_873 = arith.constant 832 : index
        %get3A_874 = tpu.vector_load %arg13[%get3A_872, %get3A_873] {strides = array<i32>} : memref<32x1024xf32, #tpu.memory_space<vmem>>, vector<1x16xf32>,
        %get3A_875 = vector.shape_cast %get3A_874 : vector<1x16xf32> to vector<16xf32>
        %mul3A_876 = arith.mulf %get3A_875, %get3A_35 : vector<16xf32>
        %add3A_877 = arith.addf %mul3A_871, %mul3A_876 : vector<16xf32>
        %swap3A_878 = arith.index_cast %scan3A_28 : i32 to index
        %swap3A_879 = arith.constant 832 : index
        %swap3A_880 = tpu.vector_load %arg12[%swap3A_878, %swap3A_879] {strides = array<i32>} : memref<32x1024xf32, #tpu.memory_space<vmem>>, vector<1x16xf32>,
        %swap3A_881 = vector.shape_cast %swap3A_880 : vector<1x16xf32> to vector<16xf32>
        %swap3A_882 = vector.shape_cast %add3A_877 : vector<16xf32> to vector<1x16xf32>
        tpu.vector_store %arg12[%swap3A_878, %swap3A_879], %swap3A_882 {strides = array<i32>} : memref<32x1024xf32, #tpu.memory_space<vmem>>, vector<1x16xf32>,
        %get3A_883 = arith.index_cast %scan3A_28 : i32 to index
        %get3A_884 = arith.constant 848 : index
        %get3A_885 = tpu.vector_load %arg12[%get3A_883, %get3A_884] {strides = array<i32>} : memref<32x1024xf32, #tpu.memory_space<vmem>>, vector<1x16xf32>,
        %get3A_886 = vector.shape_cast %get3A_885 : vector<1x16xf32> to vector<16xf32>
        %mul3A_887 = arith.mulf %get3A_886, %get3A_31 : vector<16xf32>
        %get3A_888 = arith.index_cast %scan3A_28 : i32 to index
        %get3A_889 = arith.constant 848 : index
        %get3A_890 = tpu.vector_load %arg13[%get3A_888, %get3A_889] {strides = array<i32>} : memref<32x1024xf32, #tpu.memory_space<vmem>>, vector<1x16xf32>,
        %get3A_891 = vector.shape_cast %get3A_890 : vector<1x16xf32> to vector<16xf32>
        %mul3A_892 = arith.mulf %get3A_891, %get3A_35 : vector<16xf32>
        %add3A_893 = arith.addf %mul3A_887, %mul3A_892 : vector<16xf32>
        %swap3A_894 = arith.index_cast %scan3A_28 : i32 to index
        %swap3A_895 = arith.constant 848 : index
        %swap3A_896 = tpu.vector_load %arg12[%swap3A_894, %swap3A_895] {strides = array<i32>} : memref<32x1024xf32, #tpu.memory_space<vmem>>, vector<1x16xf32>,
        %swap3A_897 = vector.shape_cast %swap3A_896 : vector<1x16xf32> to vector<16xf32>
        %swap3A_898 = vector.shape_cast %add3A_893 : vector<16xf32> to vector<1x16xf32>
        tpu.vector_store %arg12[%swap3A_894, %swap3A_895], %swap3A_898 {strides = array<i32>} : memref<32x1024xf32, #tpu.memory_space<vmem>>, vector<1x16xf32>,
        %get3A_899 = arith.index_cast %scan3A_28 : i32 to index
        %get3A_900 = arith.constant 864 : index
        %get3A_901 = tpu.vector_load %arg12[%get3A_899, %get3A_900] {strides = array<i32>} : memref<32x1024xf32, #tpu.memory_space<vmem>>, vector<1x16xf32>,
        %get3A_902 = vector.shape_cast %get3A_901 : vector<1x16xf32> to vector<16xf32>
        %mul3A_903 = arith.mulf %get3A_902, %get3A_31 : vector<16xf32>
        %get3A_904 = arith.index_cast %scan3A_28 : i32 to index
        %get3A_905 = arith.constant 864 : index
        %get3A_906 = tpu.vector_load %arg13[%get3A_904, %get3A_905] {strides = array<i32>} : memref<32x1024xf32, #tpu.memory_space<vmem>>, vector<1x16xf32>,
        %get3A_907 = vector.shape_cast %get3A_906 : vector<1x16xf32> to vector<16xf32>
        %mul3A_908 = arith.mulf %get3A_907, %get3A_35 : vector<16xf32>
        %add3A_909 = arith.addf %mul3A_903, %mul3A_908 : vector<16xf32>
        %swap3A_910 = arith.index_cast %scan3A_28 : i32 to index
        %swap3A_911 = arith.constant 864 : index
        %swap3A_912 = tpu.vector_load %arg12[%swap3A_910, %swap3A_911] {strides = array<i32>} : memref<32x1024xf32, #tpu.memory_space<vmem>>, vector<1x16xf32>,
        %swap3A_913 = vector.shape_cast %swap3A_912 : vector<1x16xf32> to vector<16xf32>
        %swap3A_914 = vector.shape_cast %add3A_909 : vector<16xf32> to vector<1x16xf32>
        tpu.vector_store %arg12[%swap3A_910, %swap3A_911], %swap3A_914 {strides = array<i32>} : memref<32x1024xf32, #tpu.memory_space<vmem>>, vector<1x16xf32>,
        %get3A_915 = arith.index_cast %scan3A_28 : i32 to index
        %get3A_916 = arith.constant 880 : index
        %get3A_917 = tpu.vector_load %arg12[%get3A_915, %get3A_916] {strides = array<i32>} : memref<32x1024xf32, #tpu.memory_space<vmem>>, vector<1x16xf32>,
        %get3A_918 = vector.shape_cast %get3A_917 : vector<1x16xf32> to vector<16xf32>
        %mul3A_919 = arith.mulf %get3A_918, %get3A_31 : vector<16xf32>
        %get3A_920 = arith.index_cast %scan3A_28 : i32 to index
        %get3A_921 = arith.constant 880 : index
        %get3A_922 = tpu.vector_load %arg13[%get3A_920, %get3A_921] {strides = array<i32>} : memref<32x1024xf32, #tpu.memory_space<vmem>>, vector<1x16xf32>,
        %get3A_923 = vector.shape_cast %get3A_922 : vector<1x16xf32> to vector<16xf32>
        %mul3A_924 = arith.mulf %get3A_923, %get3A_35 : vector<16xf32>
        %add3A_925 = arith.addf %mul3A_919, %mul3A_924 : vector<16xf32>
        %swap3A_926 = arith.index_cast %scan3A_28 : i32 to index
        %swap3A_927 = arith.constant 880 : index
        %swap3A_928 = tpu.vector_load %arg12[%swap3A_926, %swap3A_927] {strides = array<i32>} : memref<32x1024xf32, #tpu.memory_space<vmem>>, vector<1x16xf32>,
        %swap3A_929 = vector.shape_cast %swap3A_928 : vector<1x16xf32> to vector<16xf32>
        %swap3A_930 = vector.shape_cast %add3A_925 : vector<16xf32> to vector<1x16xf32>
        tpu.vector_store %arg12[%swap3A_926, %swap3A_927], %swap3A_930 {strides = array<i32>} : memref<32x1024xf32, #tpu.memory_space<vmem>>, vector<1x16xf32>,
        %get3A_931 = arith.index_cast %scan3A_28 : i32 to index
        %get3A_932 = arith.constant 896 : index
        %get3A_933 = tpu.vector_load %arg12[%get3A_931, %get3A_932] {strides = array<i32>} : memref<32x1024xf32, #tpu.memory_space<vmem>>, vector<1x16xf32>,
        %get3A_934 = vector.shape_cast %get3A_933 : vector<1x16xf32> to vector<16xf32>
        %mul3A_935 = arith.mulf %get3A_934, %get3A_31 : vector<16xf32>
        %get3A_936 = arith.index_cast %scan3A_28 : i32 to index
        %get3A_937 = arith.constant 896 : index
        %get3A_938 = tpu.vector_load %arg13[%get3A_936, %get3A_937] {strides = array<i32>} : memref<32x1024xf32, #tpu.memory_space<vmem>>, vector<1x16xf32>,
        %get3A_939 = vector.shape_cast %get3A_938 : vector<1x16xf32> to vector<16xf32>
        %mul3A_940 = arith.mulf %get3A_939, %get3A_35 : vector<16xf32>
        %add3A_941 = arith.addf %mul3A_935, %mul3A_940 : vector<16xf32>
        %swap3A_942 = arith.index_cast %scan3A_28 : i32 to index
        %swap3A_943 = arith.constant 896 : index
        %swap3A_944 = tpu.vector_load %arg12[%swap3A_942, %swap3A_943] {strides = array<i32>} : memref<32x1024xf32, #tpu.memory_space<vmem>>, vector<1x16xf32>,
        %swap3A_945 = vector.shape_cast %swap3A_944 : vector<1x16xf32> to vector<16xf32>
        %swap3A_946 = vector.shape_cast %add3A_941 : vector<16xf32> to vector<1x16xf32>
        tpu.vector_store %arg12[%swap3A_942, %swap3A_943], %swap3A_946 {strides = array<i32>} : memref<32x1024xf32, #tpu.memory_space<vmem>>, vector<1x16xf32>,
        %get3A_947 = arith.index_cast %scan3A_28 : i32 to index
        %get3A_948 = arith.constant 912 : index
        %get3A_949 = tpu.vector_load %arg12[%get3A_947, %get3A_948] {strides = array<i32>} : memref<32x1024xf32, #tpu.memory_space<vmem>>, vector<1x16xf32>,
        %get3A_950 = vector.shape_cast %get3A_949 : vector<1x16xf32> to vector<16xf32>
        %mul3A_951 = arith.mulf %get3A_950, %get3A_31 : vector<16xf32>
        %get3A_952 = arith.index_cast %scan3A_28 : i32 to index
        %get3A_953 = arith.constant 912 : index
        %get3A_954 = tpu.vector_load %arg13[%get3A_952, %get3A_953] {strides = array<i32>} : memref<32x1024xf32, #tpu.memory_space<vmem>>, vector<1x16xf32>,
        %get3A_955 = vector.shape_cast %get3A_954 : vector<1x16xf32> to vector<16xf32>
        %mul3A_956 = arith.mulf %get3A_955, %get3A_35 : vector<16xf32>
        %add3A_957 = arith.addf %mul3A_951, %mul3A_956 : vector<16xf32>
        %swap3A_958 = arith.index_cast %scan3A_28 : i32 to index
        %swap3A_959 = arith.constant 912 : index
        %swap3A_960 = tpu.vector_load %arg12[%swap3A_958, %swap3A_959] {strides = array<i32>} : memref<32x1024xf32, #tpu.memory_space<vmem>>, vector<1x16xf32>,
        %swap3A_961 = vector.shape_cast %swap3A_960 : vector<1x16xf32> to vector<16xf32>
        %swap3A_962 = vector.shape_cast %add3A_957 : vector<16xf32> to vector<1x16xf32>
        tpu.vector_store %arg12[%swap3A_958, %swap3A_959], %swap3A_962 {strides = array<i32>} : memref<32x1024xf32, #tpu.memory_space<vmem>>, vector<1x16xf32>,
        %get3A_963 = arith.index_cast %scan3A_28 : i32 to index
        %get3A_964 = arith.constant 928 : index
        %get3A_965 = tpu.vector_load %arg12[%get3A_963, %get3A_964] {strides = array<i32>} : memref<32x1024xf32, #tpu.memory_space<vmem>>, vector<1x16xf32>,
        %get3A_966 = vector.shape_cast %get3A_965 : vector<1x16xf32> to vector<16xf32>
        %mul3A_967 = arith.mulf %get3A_966, %get3A_31 : vector<16xf32>
        %get3A_968 = arith.index_cast %scan3A_28 : i32 to index
        %get3A_969 = arith.constant 928 : index
        %get3A_970 = tpu.vector_load %arg13[%get3A_968, %get3A_969] {strides = array<i32>} : memref<32x1024xf32, #tpu.memory_space<vmem>>, vector<1x16xf32>,
        %get3A_971 = vector.shape_cast %get3A_970 : vector<1x16xf32> to vector<16xf32>
        %mul3A_972 = arith.mulf %get3A_971, %get3A_35 : vector<16xf32>
        %add3A_973 = arith.addf %mul3A_967, %mul3A_972 : vector<16xf32>
        %swap3A_974 = arith.index_cast %scan3A_28 : i32 to index
        %swap3A_975 = arith.constant 928 : index
        %swap3A_976 = tpu.vector_load %arg12[%swap3A_974, %swap3A_975] {strides = array<i32>} : memref<32x1024xf32, #tpu.memory_space<vmem>>, vector<1x16xf32>,
        %swap3A_977 = vector.shape_cast %swap3A_976 : vector<1x16xf32> to vector<16xf32>
        %swap3A_978 = vector.shape_cast %add3A_973 : vector<16xf32> to vector<1x16xf32>
        tpu.vector_store %arg12[%swap3A_974, %swap3A_975], %swap3A_978 {strides = array<i32>} : memref<32x1024xf32, #tpu.memory_space<vmem>>, vector<1x16xf32>,
        %get3A_979 = arith.index_cast %scan3A_28 : i32 to index
        %get3A_980 = arith.constant 944 : index
        %get3A_981 = tpu.vector_load %arg12[%get3A_979, %get3A_980] {strides = array<i32>} : memref<32x1024xf32, #tpu.memory_space<vmem>>, vector<1x16xf32>,
        %get3A_982 = vector.shape_cast %get3A_981 : vector<1x16xf32> to vector<16xf32>
        %mul3A_983 = arith.mulf %get3A_982, %get3A_31 : vector<16xf32>
        %get3A_984 = arith.index_cast %scan3A_28 : i32 to index
        %get3A_985 = arith.constant 944 : index
        %get3A_986 = tpu.vector_load %arg13[%get3A_984, %get3A_985] {strides = array<i32>} : memref<32x1024xf32, #tpu.memory_space<vmem>>, vector<1x16xf32>,
        %get3A_987 = vector.shape_cast %get3A_986 : vector<1x16xf32> to vector<16xf32>
        %mul3A_988 = arith.mulf %get3A_987, %get3A_35 : vector<16xf32>
        %add3A_989 = arith.addf %mul3A_983, %mul3A_988 : vector<16xf32>
        %swap3A_990 = arith.index_cast %scan3A_28 : i32 to index
        %swap3A_991 = arith.constant 944 : index
        %swap3A_992 = tpu.vector_load %arg12[%swap3A_990, %swap3A_991] {strides = array<i32>} : memref<32x1024xf32, #tpu.memory_space<vmem>>, vector<1x16xf32>,
        %swap3A_993 = vector.shape_cast %swap3A_992 : vector<1x16xf32> to vector<16xf32>
        %swap3A_994 = vector.shape_cast %add3A_989 : vector<16xf32> to vector<1x16xf32>
        tpu.vector_store %arg12[%swap3A_990, %swap3A_991], %swap3A_994 {strides = array<i32>} : memref<32x1024xf32, #tpu.memory_space<vmem>>, vector<1x16xf32>,
        %get3A_995 = arith.index_cast %scan3A_28 : i32 to index
        %get3A_996 = arith.constant 960 : index
        %get3A_997 = tpu.vector_load %arg12[%get3A_995, %get3A_996] {strides = array<i32>} : memref<32x1024xf32, #tpu.memory_space<vmem>>, vector<1x16xf32>,
        %get3A_998 = vector.shape_cast %get3A_997 : vector<1x16xf32> to vector<16xf32>
        %mul3A_999 = arith.mulf %get3A_998, %get3A_31 : vector<16xf32>
        %get3A_1000 = arith.index_cast %scan3A_28 : i32 to index
        %get3A_1001 = arith.constant 960 : index
        %get3A_1002 = tpu.vector_load %arg13[%get3A_1000, %get3A_1001] {strides = array<i32>} : memref<32x1024xf32, #tpu.memory_space<vmem>>, vector<1x16xf32>,
        %get3A_1003 = vector.shape_cast %get3A_1002 : vector<1x16xf32> to vector<16xf32>
        %mul3A_1004 = arith.mulf %get3A_1003, %get3A_35 : vector<16xf32>
        %add3A_1005 = arith.addf %mul3A_999, %mul3A_1004 : vector<16xf32>
        %swap3A_1006 = arith.index_cast %scan3A_28 : i32 to index
        %swap3A_1007 = arith.constant 960 : index
        %swap3A_1008 = tpu.vector_load %arg12[%swap3A_1006, %swap3A_1007] {strides = array<i32>} : memref<32x1024xf32, #tpu.memory_space<vmem>>, vector<1x16xf32>,
        %swap3A_1009 = vector.shape_cast %swap3A_1008 : vector<1x16xf32> to vector<16xf32>
        %swap3A_1010 = vector.shape_cast %add3A_1005 : vector<16xf32> to vector<1x16xf32>
        tpu.vector_store %arg12[%swap3A_1006, %swap3A_1007], %swap3A_1010 {strides = array<i32>} : memref<32x1024xf32, #tpu.memory_space<vmem>>, vector<1x16xf32>,
        %get3A_1011 = arith.index_cast %scan3A_28 : i32 to index
        %get3A_1012 = arith.constant 976 : index
        %get3A_1013 = tpu.vector_load %arg12[%get3A_1011, %get3A_1012] {strides = array<i32>} : memref<32x1024xf32, #tpu.memory_space<vmem>>, vector<1x16xf32>,
        %get3A_1014 = vector.shape_cast %get3A_1013 : vector<1x16xf32> to vector<16xf32>
        %mul3A_1015 = arith.mulf %get3A_1014, %get3A_31 : vector<16xf32>
        %get3A_1016 = arith.index_cast %scan3A_28 : i32 to index
        %get3A_1017 = arith.constant 976 : index
        %get3A_1018 = tpu.vector_load %arg13[%get3A_1016, %get3A_1017] {strides = array<i32>} : memref<32x1024xf32, #tpu.memory_space<vmem>>, vector<1x16xf32>,
        %get3A_1019 = vector.shape_cast %get3A_1018 : vector<1x16xf32> to vector<16xf32>
        %mul3A_1020 = arith.mulf %get3A_1019, %get3A_35 : vector<16xf32>
        %add3A_1021 = arith.addf %mul3A_1015, %mul3A_1020 : vector<16xf32>
        %swap3A_1022 = arith.index_cast %scan3A_28 : i32 to index
        %swap3A_1023 = arith.constant 976 : index
        %swap3A_1024 = tpu.vector_load %arg12[%swap3A_1022, %swap3A_1023] {strides = array<i32>} : memref<32x1024xf32, #tpu.memory_space<vmem>>, vector<1x16xf32>,
        %swap3A_1025 = vector.shape_cast %swap3A_1024 : vector<1x16xf32> to vector<16xf32>
        %swap3A_1026 = vector.shape_cast %add3A_1021 : vector<16xf32> to vector<1x16xf32>
        tpu.vector_store %arg12[%swap3A_1022, %swap3A_1023], %swap3A_1026 {strides = array<i32>} : memref<32x1024xf32, #tpu.memory_space<vmem>>, vector<1x16xf32>,
        %get3A_1027 = arith.index_cast %scan3A_28 : i32 to index
        %get3A_1028 = arith.constant 992 : index
        %get3A_1029 = tpu.vector_load %arg12[%get3A_1027, %get3A_1028] {strides = array<i32>} : memref<32x1024xf32, #tpu.memory_space<vmem>>, vector<1x16xf32>,
        %get3A_1030 = vector.shape_cast %get3A_1029 : vector<1x16xf32> to vector<16xf32>
        %mul3A_1031 = arith.mulf %get3A_1030, %get3A_31 : vector<16xf32>
        %get3A_1032 = arith.index_cast %scan3A_28 : i32 to index
        %get3A_1033 = arith.constant 992 : index
        %get3A_1034 = tpu.vector_load %arg13[%get3A_1032, %get3A_1033] {strides = array<i32>} : memref<32x1024xf32, #tpu.memory_space<vmem>>, vector<1x16xf32>,
        %get3A_1035 = vector.shape_cast %get3A_1034 : vector<1x16xf32> to vector<16xf32>
        %mul3A_1036 = arith.mulf %get3A_1035, %get3A_35 : vector<16xf32>
        %add3A_1037 = arith.addf %mul3A_1031, %mul3A_1036 : vector<16xf32>
        %swap3A_1038 = arith.index_cast %scan3A_28 : i32 to index
        %swap3A_1039 = arith.constant 992 : index
        %swap3A_1040 = tpu.vector_load %arg12[%swap3A_1038, %swap3A_1039] {strides = array<i32>} : memref<32x1024xf32, #tpu.memory_space<vmem>>, vector<1x16xf32>,
        %swap3A_1041 = vector.shape_cast %swap3A_1040 : vector<1x16xf32> to vector<16xf32>
        %swap3A_1042 = vector.shape_cast %add3A_1037 : vector<16xf32> to vector<1x16xf32>
        tpu.vector_store %arg12[%swap3A_1038, %swap3A_1039], %swap3A_1042 {strides = array<i32>} : memref<32x1024xf32, #tpu.memory_space<vmem>>, vector<1x16xf32>,
        %get3A_1043 = arith.index_cast %scan3A_28 : i32 to index
        %get3A_1044 = arith.constant 1008 : index
        %get3A_1045 = tpu.vector_load %arg12[%get3A_1043, %get3A_1044] {strides = array<i32>} : memref<32x1024xf32, #tpu.memory_space<vmem>>, vector<1x16xf32>,
        %get3A_1046 = vector.shape_cast %get3A_1045 : vector<1x16xf32> to vector<16xf32>
        %mul3A_1047 = arith.mulf %get3A_1046, %get3A_31 : vector<16xf32>
        %get3A_1048 = arith.index_cast %scan3A_28 : i32 to index
        %get3A_1049 = arith.constant 1008 : index
        %get3A_1050 = tpu.vector_load %arg13[%get3A_1048, %get3A_1049] {strides = array<i32>} : memref<32x1024xf32, #tpu.memory_space<vmem>>, vector<1x16xf32>,
        %get3A_1051 = vector.shape_cast %get3A_1050 : vector<1x16xf32> to vector<16xf32>
        %mul3A_1052 = arith.mulf %get3A_1051, %get3A_35 : vector<16xf32>
        %add3A_1053 = arith.addf %mul3A_1047, %mul3A_1052 : vector<16xf32>
        %swap3A_1054 = arith.index_cast %scan3A_28 : i32 to index
        %swap3A_1055 = arith.constant 1008 : index
        %swap3A_1056 = tpu.vector_load %arg12[%swap3A_1054, %swap3A_1055] {strides = array<i32>} : memref<32x1024xf32, #tpu.memory_space<vmem>>, vector<1x16xf32>,
        %swap3A_1057 = vector.shape_cast %swap3A_1056 : vector<1x16xf32> to vector<16xf32>
        %swap3A_1058 = vector.shape_cast %add3A_1053 : vector<16xf32> to vector<1x16xf32>
        tpu.vector_store %arg12[%swap3A_1054, %swap3A_1055], %swap3A_1058 {strides = array<i32>} : memref<32x1024xf32, #tpu.memory_space<vmem>>, vector<1x16xf32>,
      }
      %scan3A_27 = arith.constant 32 : i32
      "tpu.region"() ({
        %run_scoped3A = tpu.sem_alloc : memref<!tpu.dma_semaphore, #tpu.memory_space<semaphore_mem>>
        %dma_start3A_28 = arith.constant 0 : i32
        %dma_start3A_29 = tpu.memref_slice %arg7[%add3A_11, %dma_start3A_28] : memref<2048x1024xf32, #tpu.memory_space<hbm>> -> memref<32x1024xf32, #tpu.memory_space<hbm>>
        %dma_start3A_30 = arith.constant 0 : i32
        %dma_start3A_31 = tpu.memref_slice %arg7[%add3A_11, %dma_start3A_30] : memref<2048x1024xf32, #tpu.memory_space<hbm>> -> memref<32x1024xf32, #tpu.memory_space<hbm>>
        tpu.enqueue_dma source(%arg12 : memref<32x1024xf32, #tpu.memory_space<vmem>>) target(%dma_start3A_31 : memref<32x1024xf32, #tpu.memory_space<hbm>>) target_semaphore(%run_scoped3A : memref<!tpu.dma_semaphore, #tpu.memory_space<semaphore_mem>>)
        %dma_wait3A_32 = arith.constant 0 : i32
        %dma_wait3A_33 = tpu.memref_slice %arg7[%add3A_11, %dma_wait3A_32] : memref<2048x1024xf32, #tpu.memory_space<hbm>> -> memref<32x1024xf32, #tpu.memory_space<hbm>>
        %dma_wait3A_34 = arith.constant 0 : i32
        %dma_wait3A_35 = tpu.memref_slice %arg7[%add3A_11, %dma_wait3A_34] : memref<2048x1024xf32, #tpu.memory_space<hbm>> -> memref<32x1024xf32, #tpu.memory_space<hbm>>
        tpu.wait_dma2 semaphore(%run_scoped3A : memref<!tpu.dma_semaphore, #tpu.memory_space<semaphore_mem>>) src(%arg12 : memref<32x1024xf32, #tpu.memory_space<vmem>>) dst(%dma_wait3A_35 : memref<32x1024xf32, #tpu.memory_space<hbm>>)
        tpu.yield
      }) : () -> ()
    }
    %scan3A_5 = arith.constant 2 : i32
    return
  }
}

module attributes {stable_mosaic.version = 14 : i64} {
  func.func @_router_kernel(%arg0: memref<2048x1024xbf16, #tpu.memory_space<vmem>>, %arg1: memref<1024x8xf32, #tpu.memory_space<vmem>>, %arg2: memref<1x8xf32, #tpu.memory_space<vmem>>, %arg3: memref<2048x8xf32, #tpu.memory_space<vmem>>, %arg4: memref<1x15xi32, #tpu.memory_space<vmem>>, %arg5: memref<1x15xi32, #tpu.memory_space<vmem>>, %arg6: memref<2048x1xi32, #tpu.memory_space<vmem>>, %arg7: memref<2048x1xi32, #tpu.memory_space<vmem>>, %arg8: memref<2048x16xf32, #tpu.memory_space<vmem>>, %arg9: memref<2048x16xf32, #tpu.memory_space<vmem>>) attributes {dimension_semantics = [], scalar_prefetch = 0 : i64, scratch_operands = 0 : i64, tpu.core_type = #tpu.core_type<tc>} {
    %get3A = arith.constant 0 : index
    %get3A_0 = arith.constant 0 : index
    %get3A_1 = vector.load %arg0[%get3A, %get3A_0] : memref<2048x1024xbf16, #tpu.memory_space<vmem>>, vector<2048x1024xbf16>
    %get3A_2 = arith.constant 0 : index
    %get3A_3 = arith.constant 0 : index
    %get3A_4 = vector.load %arg1[%get3A_2, %get3A_3] : memref<1024x8xf32, #tpu.memory_space<vmem>>, vector<1024x8xf32>
    %convert_element_type3A = arith.truncf %get3A_4 : vector<1024x8xf32> to vector<1024x8xbf16>
    %dot_general3A = arith.constant dense<0.000000e+00> : vector<2048x8xf32>
    %dot_general3A_5 = tpu.matmul %get3A_1, %convert_element_type3A, %dot_general3A {dimension_numbers = #tpu.dot_dimension_numbers<[1], [0], [0], [1], [0, 0, 1, 1], [], []>, transpose_lhs_hint = false} : vector<2048x1024xbf16>, vector<1024x8xbf16>, vector<2048x8xf32> -> vector<2048x8xf32>
    %get3A_6 = arith.constant 0 : index
    %get3A_7 = arith.constant 0 : index
    %get3A_8 = vector.load %arg2[%get3A_6, %get3A_7] : memref<1x8xf32, #tpu.memory_space<vmem>>, vector<1x8xf32>
    %add3A = vector.broadcast %get3A_8 : vector<1x8xf32> to vector<2048x8xf32>
    %add3A_9 = arith.addf %dot_general3A_5, %add3A : vector<2048x8xf32>
    %reduce_max3A = arith.constant dense<0xFF800000> : vector<2048xf32>
    %reduce_max3A_10 = vector.multi_reduction <maximumf>, %add3A_9, %reduce_max3A [1] : vector<2048x8xf32> to vector<2048xf32>
    %broadcast_in_dim3A = vector.shape_cast %reduce_max3A_10 : vector<2048xf32> to vector<2048x1xf32>
    %sub3A = vector.broadcast %broadcast_in_dim3A : vector<2048x1xf32> to vector<2048x8xf32>
    %sub3A_11 = arith.subf %add3A_9, %sub3A : vector<2048x8xf32>
    %exp3A = math.exp %sub3A_11 : vector<2048x8xf32>
    %reduce_sum3A = arith.constant dense<0.000000e+00> : vector<2048xf32>
    %reduce_sum3A_12 = vector.multi_reduction <add>, %exp3A, %reduce_sum3A [1] : vector<2048x8xf32> to vector<2048xf32>
    %broadcast_in_dim3A_13 = vector.shape_cast %reduce_sum3A_12 : vector<2048xf32> to vector<2048x1xf32>
    %div3A = vector.broadcast %broadcast_in_dim3A_13 : vector<2048x1xf32> to vector<2048x8xf32>
    %div3A_14 = arith.divf %exp3A, %div3A : vector<2048x8xf32>
    %iota3A = tpu.iota {dimensions = array<i32: 1>} : vector<2048x8xi32>
    %reduce_max3A_15 = arith.constant dense<0xFF800000> : vector<2048xf32>
    %reduce_max3A_16 = vector.multi_reduction <maximumf>, %div3A_14, %reduce_max3A_15 [1] : vector<2048x8xf32> to vector<2048xf32>
    %broadcast_in_dim3A_17 = vector.shape_cast %reduce_max3A_16 : vector<2048xf32> to vector<2048x1xf32>
    %eq3A = vector.broadcast %broadcast_in_dim3A_17 : vector<2048x1xf32> to vector<2048x8xf32>
    %eq3A_18 = arith.cmpf oeq, %div3A_14, %eq3A : vector<2048x8xf32>
    %jit3A = arith.constant 8 : i32
    %broadcast_in_dim3A_19 = vector.broadcast %jit3A : i32 to vector<2048x8xi32>
    %select_n3A = arith.select %eq3A_18, %iota3A, %broadcast_in_dim3A_19 : vector<2048x8xi1>, vector<2048x8xi32>
    %reduce_min3A = arith.constant dense<2147483647> : vector<2048xi32>
    %reduce_min3A_20 = vector.multi_reduction <minsi>, %select_n3A, %reduce_min3A [1] : vector<2048x8xi32> to vector<2048xi32>
    %broadcast_in_dim3A_21 = vector.shape_cast %reduce_min3A_20 : vector<2048xi32> to vector<2048x1xi32>
    %eq3A_22 = vector.broadcast %broadcast_in_dim3A_21 : vector<2048x1xi32> to vector<2048x8xi32>
    %eq3A_23 = arith.cmpi eq, %iota3A, %eq3A_22 : vector<2048x8xi32>
    %jit3A_24 = arith.constant -1.000000e+00 : f32
    %broadcast_in_dim3A_25 = vector.broadcast %jit3A_24 : f32 to vector<2048x8xf32>
    %select_n3A_26 = arith.select %eq3A_23, %broadcast_in_dim3A_25, %div3A_14 : vector<2048x8xi1>, vector<2048x8xf32>
    %reduce_max3A_27 = arith.constant dense<0xFF800000> : vector<2048xf32>
    %reduce_max3A_28 = vector.multi_reduction <maximumf>, %select_n3A_26, %reduce_max3A_27 [1] : vector<2048x8xf32> to vector<2048xf32>
    %broadcast_in_dim3A_29 = vector.shape_cast %reduce_max3A_28 : vector<2048xf32> to vector<2048x1xf32>
    %eq3A_30 = vector.broadcast %broadcast_in_dim3A_29 : vector<2048x1xf32> to vector<2048x8xf32>
    %eq3A_31 = arith.cmpf oeq, %select_n3A_26, %eq3A_30 : vector<2048x8xf32>
    %jit3A_32 = arith.constant 8 : i32
    %broadcast_in_dim3A_33 = vector.broadcast %jit3A_32 : i32 to vector<2048x8xi32>
    %select_n3A_34 = arith.select %eq3A_31, %iota3A, %broadcast_in_dim3A_33 : vector<2048x8xi1>, vector<2048x8xi32>
    %reduce_min3A_35 = arith.constant dense<2147483647> : vector<2048xi32>
    %reduce_min3A_36 = vector.multi_reduction <minsi>, %select_n3A_34, %reduce_min3A_35 [1] : vector<2048x8xi32> to vector<2048xi32>
    %broadcast_in_dim3A_37 = vector.shape_cast %reduce_min3A_36 : vector<2048xi32> to vector<2048x1xi32>
    %add3A_38 = arith.addf %broadcast_in_dim3A_17, %broadcast_in_dim3A_29 : vector<2048x1xf32>
    %add3A_39 = arith.constant 9.99999997E-7 : f32
    %add3A_40 = vector.broadcast %add3A_39 : f32 to vector<2048x1xf32>
    %add3A_41 = arith.addf %add3A_38, %add3A_40 : vector<2048x1xf32>
    %div3A_42 = arith.divf %broadcast_in_dim3A_17, %add3A_41 : vector<2048x1xf32>
    %broadcast_in_dim3A_43 = vector.shape_cast %div3A_42 : vector<2048x1xf32> to vector<2048x1xf32>
    %broadcast_in_dim3A_44 = vector.broadcast %broadcast_in_dim3A_43 : vector<2048x1xf32> to vector<2048x16xf32>
    %swap3A = arith.constant 0 : index
    %swap3A_45 = arith.constant 0 : index
    %swap3A_46 = vector.load %arg8[%swap3A, %swap3A_45] : memref<2048x16xf32, #tpu.memory_space<vmem>>, vector<2048x16xf32>
    tpu.vector_store %arg8[%swap3A, %swap3A_45], %broadcast_in_dim3A_44 {strides = array<i32>} : memref<2048x16xf32, #tpu.memory_space<vmem>>, vector<2048x16xf32>,
    %div3A_47 = arith.divf %broadcast_in_dim3A_29, %add3A_41 : vector<2048x1xf32>
    %broadcast_in_dim3A_48 = vector.shape_cast %div3A_47 : vector<2048x1xf32> to vector<2048x1xf32>
    %broadcast_in_dim3A_49 = vector.broadcast %broadcast_in_dim3A_48 : vector<2048x1xf32> to vector<2048x16xf32>
    %swap3A_50 = arith.constant 0 : index
    %swap3A_51 = arith.constant 0 : index
    %swap3A_52 = vector.load %arg9[%swap3A_50, %swap3A_51] : memref<2048x16xf32, #tpu.memory_space<vmem>>, vector<2048x16xf32>
    tpu.vector_store %arg9[%swap3A_50, %swap3A_51], %broadcast_in_dim3A_49 {strides = array<i32>} : memref<2048x16xf32, #tpu.memory_space<vmem>>, vector<2048x16xf32>,
    %eq3A_53 = vector.broadcast %broadcast_in_dim3A_21 : vector<2048x1xi32> to vector<2048x8xi32>
    %eq3A_54 = arith.cmpi eq, %iota3A, %eq3A_53 : vector<2048x8xi32>
    %eq3A_55 = vector.broadcast %broadcast_in_dim3A_37 : vector<2048x1xi32> to vector<2048x8xi32>
    %eq3A_56 = arith.cmpi eq, %iota3A, %eq3A_55 : vector<2048x8xi32>
    %or3A = arith.ori %eq3A_54, %eq3A_56 : vector<2048x8xi1>
    %convert_element_type3A_57 = arith.extui %or3A : vector<2048x8xi1> to vector<2048x8xi32>
    %convert_element_type3A_58 = arith.sitofp %convert_element_type3A_57 : vector<2048x8xi32> to vector<2048x8xf32>
    %iota3A_59 = tpu.iota {dimensions = array<i32: 0>} : vector<2048x2048xi32>
    %iota3A_60 = tpu.iota {dimensions = array<i32: 1>} : vector<2048x2048xi32>
    %lt3A = arith.cmpi slt, %iota3A_60, %iota3A_59 : vector<2048x2048xi32>
    %convert_element_type3A_61 = arith.extui %lt3A : vector<2048x2048xi1> to vector<2048x2048xi32>
    %convert_element_type3A_62 = arith.sitofp %convert_element_type3A_61 : vector<2048x2048xi32> to vector<2048x2048xf32>
    %convert_element_type3A_63 = arith.truncf %convert_element_type3A_62 : vector<2048x2048xf32> to vector<2048x2048xbf16>
    %convert_element_type3A_64 = arith.truncf %convert_element_type3A_58 : vector<2048x8xf32> to vector<2048x8xbf16>
    %dot_general3A_65 = arith.constant dense<0.000000e+00> : vector<2048x8xf32>
    %dot_general3A_66 = tpu.matmul %convert_element_type3A_63, %convert_element_type3A_64, %dot_general3A_65 {dimension_numbers = #tpu.dot_dimension_numbers<[1], [0], [0], [1], [0, 0, 1, 1], [], []>, transpose_lhs_hint = false} : vector<2048x2048xbf16>, vector<2048x8xbf16>, vector<2048x8xf32> -> vector<2048x8xf32>
    %gt3A = arith.constant 5.000000e-01 : f32
    %gt3A_67 = vector.broadcast %gt3A : f32 to vector<2048x8xf32>
    %gt3A_68 = arith.cmpf ogt, %convert_element_type3A_58, %gt3A_67 : vector<2048x8xf32>
    %jit3A_69 = arith.constant -1.000000e+00 : f32
    %broadcast_in_dim3A_70 = vector.broadcast %jit3A_69 : f32 to vector<2048x8xf32>
    %select_n3A_71 = arith.select %gt3A_68, %dot_general3A_66, %broadcast_in_dim3A_70 : vector<2048x8xi1>, vector<2048x8xf32>
    %swap3A_72 = arith.constant 0 : index
    %swap3A_73 = arith.constant 0 : index
    %swap3A_74 = vector.load %arg3[%swap3A_72, %swap3A_73] : memref<2048x8xf32, #tpu.memory_space<vmem>>, vector<2048x8xf32>
    tpu.vector_store %arg3[%swap3A_72, %swap3A_73], %select_n3A_71 {strides = array<i32>} : memref<2048x8xf32, #tpu.memory_space<vmem>>, vector<2048x8xf32>,
    %broadcast_in_dim3A_75 = arith.constant 1.000000e+00 : bf16
    %broadcast_in_dim3A_76 = vector.broadcast %broadcast_in_dim3A_75 : bf16 to vector<2048x1xbf16>
    %convert_element_type3A_77 = arith.truncf %convert_element_type3A_58 : vector<2048x8xf32> to vector<2048x8xbf16>
    %dot_general3A_78 = arith.constant dense<0.000000e+00> : vector<8x1xf32>
    %dot_general3A_79 = tpu.matmul %convert_element_type3A_77, %broadcast_in_dim3A_76, %dot_general3A_78 {dimension_numbers = #tpu.dot_dimension_numbers<[0], [0], [1], [1], [0, 1, 1, 1], [], []>, transpose_lhs_hint = false} : vector<2048x8xbf16>, vector<2048x1xbf16>, vector<8x1xf32> -> vector<8x1xf32>
    %add3A_80 = arith.constant 5.750000e+02 : f32
    %add3A_81 = vector.broadcast %add3A_80 : f32 to vector<8x1xf32>
    %add3A_82 = arith.addf %dot_general3A_79, %add3A_81 : vector<8x1xf32>
    %div3A_83 = arith.constant 5.760000e+02 : f32
    %div3A_84 = vector.broadcast %div3A_83 : f32 to vector<8x1xf32>
    %div3A_85 = arith.divf %add3A_82, %div3A_84 : vector<8x1xf32>
    %floor3A = math.floor %div3A_85 : vector<8x1xf32>
    %iota3A_86 = tpu.iota {dimensions = array<i32: 0>} : vector<8x8xi32>
    %iota3A_87 = tpu.iota {dimensions = array<i32: 1>} : vector<8x8xi32>
    %gt3A_88 = arith.cmpi sgt, %iota3A_86, %iota3A_87 : vector<8x8xi32>
    %convert_element_type3A_89 = arith.extui %gt3A_88 : vector<8x8xi1> to vector<8x8xi32>
    %convert_element_type3A_90 = arith.sitofp %convert_element_type3A_89 : vector<8x8xi32> to vector<8x8xf32>
    %convert_element_type3A_91 = arith.truncf %convert_element_type3A_90 : vector<8x8xf32> to vector<8x8xbf16>
    %convert_element_type3A_92 = arith.truncf %floor3A : vector<8x1xf32> to vector<8x1xbf16>
    %dot_general3A_93 = arith.constant dense<0.000000e+00> : vector<8x1xf32>
    %dot_general3A_94 = tpu.matmul %convert_element_type3A_91, %convert_element_type3A_92, %dot_general3A_93 {dimension_numbers = #tpu.dot_dimension_numbers<[1], [0], [0], [1], [0, 0, 1, 1], [], []>, transpose_lhs_hint = false} : vector<8x8xbf16>, vector<8x1xbf16>, vector<8x1xf32> -> vector<8x1xf32>
    %reduce_sum3A_95 = arith.constant dense<0.000000e+00> : vector<1xf32>
    %reduce_sum3A_96 = vector.multi_reduction <add>, %floor3A, %reduce_sum3A_95 [0] : vector<8x1xf32> to vector<1xf32>
    %broadcast_in_dim3A_97 = vector.shape_cast %reduce_sum3A_96 : vector<1xf32> to vector<1x1xf32>
    %reduce_sum3A_98 = arith.constant dense<0.000000e+00> : vector<8xf32>
    %reduce_sum3A_99 = vector.multi_reduction <add>, %convert_element_type3A_58, %reduce_sum3A_98 [0] : vector<2048x8xf32> to vector<8xf32>
    %broadcast_in_dim3A_100 = vector.shape_cast %reduce_sum3A_99 : vector<8xf32> to vector<1x8xf32>
    %add3A_101 = arith.constant 5.750000e+02 : f32
    %add3A_102 = vector.broadcast %add3A_101 : f32 to vector<1x8xf32>
    %add3A_103 = arith.addf %broadcast_in_dim3A_100, %add3A_102 : vector<1x8xf32>
    %div3A_104 = arith.constant 5.760000e+02 : f32
    %div3A_105 = vector.broadcast %div3A_104 : f32 to vector<1x8xf32>
    %div3A_106 = arith.divf %add3A_103, %div3A_105 : vector<1x8xf32>
    %floor3A_107 = math.floor %div3A_106 : vector<1x8xf32>
    %lt3A_108 = arith.cmpi slt, %iota3A_86, %iota3A_87 : vector<8x8xi32>
    %convert_element_type3A_109 = arith.extui %lt3A_108 : vector<8x8xi1> to vector<8x8xi32>
    %convert_element_type3A_110 = arith.sitofp %convert_element_type3A_109 : vector<8x8xi32> to vector<8x8xf32>
    %convert_element_type3A_111 = arith.truncf %convert_element_type3A_110 : vector<8x8xf32> to vector<8x8xbf16>
    %convert_element_type3A_112 = arith.truncf %floor3A_107 : vector<1x8xf32> to vector<1x8xbf16>
    %dot_general3A_113 = arith.constant dense<0.000000e+00> : vector<1x8xf32>
    %dot_general3A_114 = tpu.matmul %convert_element_type3A_112, %convert_element_type3A_111, %dot_general3A_113 {dimension_numbers = #tpu.dot_dimension_numbers<[1], [0], [0], [1], [0, 0, 1, 1], [], []>, transpose_lhs_hint = false} : vector<1x8xbf16>, vector<8x8xbf16>, vector<1x8xf32> -> vector<1x8xf32>
    %mul3A = arith.constant 5.760000e+02 : f32
    %mul3A_115 = vector.broadcast %mul3A : f32 to vector<1x8xf32>
    %mul3A_116 = arith.mulf %dot_general3A_114, %mul3A_115 : vector<1x8xf32>
    %add3A_117 = vector.broadcast %mul3A_116 : vector<1x8xf32> to vector<2048x8xf32>
    %add3A_118 = arith.addf %dot_general3A_66, %add3A_117 : vector<2048x8xf32>
    %jit3A_119 = arith.constant 0.000000e+00 : f32
    %broadcast_in_dim3A_120 = vector.broadcast %jit3A_119 : f32 to vector<2048x8xf32>
    %select_n3A_121 = arith.select %eq3A_54, %add3A_118, %broadcast_in_dim3A_120 : vector<2048x8xi1>, vector<2048x8xf32>
    %reduce_sum3A_122 = arith.constant dense<0.000000e+00> : vector<2048xf32>
    %reduce_sum3A_123 = vector.multi_reduction <add>, %select_n3A_121, %reduce_sum3A_122 [1] : vector<2048x8xf32> to vector<2048xf32>
    %broadcast_in_dim3A_124 = vector.shape_cast %reduce_sum3A_123 : vector<2048xf32> to vector<2048x1xf32>
    %add3A_125 = vector.broadcast %mul3A_116 : vector<1x8xf32> to vector<2048x8xf32>
    %add3A_126 = arith.addf %dot_general3A_66, %add3A_125 : vector<2048x8xf32>
    %jit3A_127 = arith.constant 0.000000e+00 : f32
    %broadcast_in_dim3A_128 = vector.broadcast %jit3A_127 : f32 to vector<2048x8xf32>
    %select_n3A_129 = arith.select %eq3A_56, %add3A_126, %broadcast_in_dim3A_128 : vector<2048x8xi1>, vector<2048x8xf32>
    %reduce_sum3A_130 = arith.constant dense<0.000000e+00> : vector<2048xf32>
    %reduce_sum3A_131 = vector.multi_reduction <add>, %select_n3A_129, %reduce_sum3A_130 [1] : vector<2048x8xf32> to vector<2048xf32>
    %broadcast_in_dim3A_132 = vector.shape_cast %reduce_sum3A_131 : vector<2048xf32> to vector<2048x1xf32>
    %convert_element_type3A_133 = arith.fptosi %broadcast_in_dim3A_124 : vector<2048x1xf32> to vector<2048x1xi32>
    %swap3A_134 = arith.constant 0 : index
    %swap3A_135 = arith.constant 0 : index
    %swap3A_136 = vector.load %arg6[%swap3A_134, %swap3A_135] : memref<2048x1xi32, #tpu.memory_space<vmem>>, vector<2048x1xi32>
    tpu.vector_store %arg6[%swap3A_134, %swap3A_135], %convert_element_type3A_133 {strides = array<i32>} : memref<2048x1xi32, #tpu.memory_space<vmem>>, vector<2048x1xi32>,
    %convert_element_type3A_137 = arith.fptosi %broadcast_in_dim3A_132 : vector<2048x1xf32> to vector<2048x1xi32>
    %swap3A_138 = arith.constant 0 : index
    %swap3A_139 = arith.constant 0 : index
    %swap3A_140 = vector.load %arg7[%swap3A_138, %swap3A_139] : memref<2048x1xi32, #tpu.memory_space<vmem>>, vector<2048x1xi32>
    tpu.vector_store %arg7[%swap3A_138, %swap3A_139], %convert_element_type3A_137 {strides = array<i32>} : memref<2048x1xi32, #tpu.memory_space<vmem>>, vector<2048x1xi32>,
    %iota3A_141 = tpu.iota {dimensions = array<i32: 1>} : vector<8x15xi32>
    %convert_element_type3A_142 = arith.sitofp %iota3A_141 : vector<8x15xi32> to vector<8x15xf32>
    %sub3A_143 = arith.constant 1.000000e+00 : f32
    %sub3A_144 = vector.broadcast %sub3A_143 : f32 to vector<1x1xf32>
    %sub3A_145 = arith.subf %broadcast_in_dim3A_97, %sub3A_144 : vector<1x1xf32>
    %min3A = vector.broadcast %sub3A_145 : vector<1x1xf32> to vector<8x15xf32>
    %min3A_146 = arith.minimumf %convert_element_type3A_142, %min3A : vector<8x15xf32>
    %le3A = vector.broadcast %dot_general3A_94 : vector<8x1xf32> to vector<8x15xf32>
    %le3A_147 = arith.cmpf ole, %le3A, %min3A_146 : vector<8x15xf32>
    %convert_element_type3A_148 = arith.extui %le3A_147 : vector<8x15xi1> to vector<8x15xi32>
    %convert_element_type3A_149 = arith.sitofp %convert_element_type3A_148 : vector<8x15xi32> to vector<8x15xf32>
    %reduce_sum3A_150 = arith.constant dense<0.000000e+00> : vector<15xf32>
    %reduce_sum3A_151 = vector.multi_reduction <add>, %convert_element_type3A_149, %reduce_sum3A_150 [0] : vector<8x15xf32> to vector<15xf32>
    %broadcast_in_dim3A_152 = vector.shape_cast %reduce_sum3A_151 : vector<15xf32> to vector<1x15xf32>
    %sub3A_153 = arith.constant 1.000000e+00 : f32
    %sub3A_154 = vector.broadcast %sub3A_153 : f32 to vector<1x15xf32>
    %sub3A_155 = arith.subf %broadcast_in_dim3A_152, %sub3A_154 : vector<1x15xf32>
    %iota3A_156 = tpu.iota {dimensions = array<i32: 1>} : vector<1x15xi32>
    %convert_element_type3A_157 = arith.sitofp %iota3A_156 : vector<1x15xi32> to vector<1x15xf32>
    %convert_element_type3A_158 = arith.fptosi %sub3A_155 : vector<1x15xf32> to vector<1x15xi32>
    %swap3A_159 = arith.constant 0 : index
    %swap3A_160 = arith.constant 0 : index
    %swap3A_161 = vector.load %arg4[%swap3A_159, %swap3A_160] : memref<1x15xi32, #tpu.memory_space<vmem>>, vector<1x15xi32>
    tpu.vector_store %arg4[%swap3A_159, %swap3A_160], %convert_element_type3A_158 {strides = array<i32>} : memref<1x15xi32, #tpu.memory_space<vmem>>, vector<1x15xi32>,
    %lt3A_162 = vector.broadcast %broadcast_in_dim3A_97 : vector<1x1xf32> to vector<1x15xf32>
    %lt3A_163 = arith.cmpf olt, %convert_element_type3A_157, %lt3A_162 : vector<1x15xf32>
    %convert_element_type3A_164 = arith.extui %lt3A_163 : vector<1x15xi1> to vector<1x15xi32>
    %swap3A_165 = arith.constant 0 : index
    %swap3A_166 = arith.constant 0 : index
    %swap3A_167 = vector.load %arg5[%swap3A_165, %swap3A_166] : memref<1x15xi32, #tpu.memory_space<vmem>>, vector<1x15xi32>
    tpu.vector_store %arg5[%swap3A_165, %swap3A_166], %convert_element_type3A_164 {strides = array<i32>} : memref<1x15xi32, #tpu.memory_space<vmem>>, vector<1x15xi32>,
    return
  }
}

module attributes {stable_mosaic.version = 14 : i64} {
  func.func @_ffn_kernel(%arg0: i32, %arg1: i32, %arg2: memref<15xi32, #tpu.memory_space<smem>>, %arg3: memref<15xi32, #tpu.memory_space<smem>>, %arg4: memref<576x1024xf32, #tpu.memory_space<vmem>>, %arg5: memref<1x1024x1024xf32, #tpu.memory_space<vmem>>, %arg6: memref<1x1x1024xf32, #tpu.memory_space<vmem>>, %arg7: memref<1x1024x1024xf32, #tpu.memory_space<vmem>>, %arg8: memref<1x1x1024xf32, #tpu.memory_space<vmem>>, %arg9: memref<576x1024xf32, #tpu.memory_space<vmem>>, %arg10: memref<576x1024xbf16, #tpu.memory_space<vmem>>, %arg11: memref<576x1024xf32, #tpu.memory_space<vmem>>) attributes {dimension_semantics = [#tpu.dimension_semantics<arbitrary>, #tpu.dimension_semantics<arbitrary>], iteration_bounds = array<i64: 15, 4>, scalar_prefetch = 2 : i64, scratch_operands = 2 : i64, tpu.core_type = #tpu.core_type<tc>, window_params = [{transform_indices = @transform_0, window_bounds = array<i64: 576, 1024>}, {transform_indices = @transform_1, window_bounds = array<i64: 1, 1024, 1024>}, {transform_indices = @transform_2, window_bounds = array<i64: 1, 1, 1024>}, {transform_indices = @transform_3, window_bounds = array<i64: 1, 1024, 1024>}, {transform_indices = @transform_4, window_bounds = array<i64: 1, 1, 1024>}, {transform_indices = @transform_5, window_bounds = array<i64: 576, 1024>}]} {
    %get3A = arith.index_cast %arg0 : i32 to index
    %get3A_0 = memref.load %arg3[%get3A] : memref<15xi32, #tpu.memory_space<smem>>
    %eq3A = arith.constant 1 : i32
    %eq3A_1 = arith.cmpi eq, %get3A_0, %eq3A : i32
    %convert_element_type3A = arith.extui %eq3A_1 : i1 to i32
    %cond3A = arith.constant 0 : i32
    %cond3A_2 = arith.cmpi ne, %convert_element_type3A, %cond3A : i32
    scf.if %cond3A_2 {
      %eq3A_3 = arith.constant 0 : i32
      %eq3A_4 = arith.cmpi eq, %arg1, %eq3A_3 : i32
      %convert_element_type3A_5 = arith.extui %eq3A_4 : i1 to i32
      %cond3A_6 = arith.constant 0 : i32
      %cond3A_7 = arith.cmpi ne, %convert_element_type3A_5, %cond3A_6 : i32
      scf.if %cond3A_7 {
        %get3A_61 = arith.constant 0 : index
        %get3A_62 = arith.constant 0 : index
        %get3A_63 = vector.load %arg4[%get3A_61, %get3A_62] : memref<576x1024xf32, #tpu.memory_space<vmem>>, vector<576x1024xf32>
        %convert_element_type3A_64 = arith.truncf %get3A_63 : vector<576x1024xf32> to vector<576x1024xbf16>
        %swap3A = arith.constant 0 : index
        %swap3A_65 = arith.constant 0 : index
        %swap3A_66 = vector.load %arg10[%swap3A, %swap3A_65] : memref<576x1024xbf16, #tpu.memory_space<vmem>>, vector<576x1024xbf16>
        tpu.vector_store %arg10[%swap3A, %swap3A_65], %convert_element_type3A_64 {strides = array<i32>} : memref<576x1024xbf16, #tpu.memory_space<vmem>>, vector<576x1024xbf16>,
      } else {
      }
      %get3A_8 = arith.constant 0 : index
      %get3A_9 = arith.constant 0 : index
      %get3A_10 = vector.load %arg10[%get3A_8, %get3A_9] : memref<576x1024xbf16, #tpu.memory_space<vmem>>, vector<576x1024xbf16>
      %get3A_11 = arith.constant 0 : index
      %get3A_12 = arith.constant 0 : index
      %get3A_13 = arith.constant 0 : index
      %get3A_14 = vector.load %arg5[%get3A_11, %get3A_12, %get3A_13] : memref<1x1024x1024xf32, #tpu.memory_space<vmem>>, vector<1x1024x1024xf32>
      %get3A_15 = vector.shape_cast %get3A_14 : vector<1x1024x1024xf32> to vector<1024x1024xf32>
      %convert_element_type3A_16 = arith.truncf %get3A_15 : vector<1024x1024xf32> to vector<1024x1024xbf16>
      %dot_general3A = arith.constant dense<0.000000e+00> : vector<576x1024xf32>
      %dot_general3A_17 = tpu.matmul %get3A_10, %convert_element_type3A_16, %dot_general3A {dimension_numbers = #tpu.dot_dimension_numbers<[1], [0], [0], [1], [0, 0, 1, 1], [], []>, transpose_lhs_hint = false} : vector<576x1024xbf16>, vector<1024x1024xbf16>, vector<576x1024xf32> -> vector<576x1024xf32>
      %get3A_18 = arith.constant 0 : index
      %get3A_19 = arith.constant 0 : index
      %get3A_20 = arith.constant 0 : index
      %get3A_21 = vector.load %arg6[%get3A_18, %get3A_19, %get3A_20] : memref<1x1x1024xf32, #tpu.memory_space<vmem>>, vector<1x1x1024xf32>
      %get3A_22 = vector.shape_cast %get3A_21 : vector<1x1x1024xf32> to vector<1x1024xf32>
      %add3A = vector.broadcast %get3A_22 : vector<1x1024xf32> to vector<576x1024xf32>
      %add3A_23 = arith.addf %dot_general3A_17, %add3A : vector<576x1024xf32>
      %integer_pow3A = arith.mulf %add3A_23, %add3A_23 : vector<576x1024xf32>
      %integer_pow3A_24 = arith.mulf %add3A_23, %integer_pow3A : vector<576x1024xf32>
      %mul3A = arith.constant 4.471500e-02 : f32
      %mul3A_25 = vector.broadcast %mul3A : f32 to vector<576x1024xf32>
      %mul3A_26 = arith.mulf %mul3A_25, %integer_pow3A_24 : vector<576x1024xf32>
      %add3A_27 = arith.addf %add3A_23, %mul3A_26 : vector<576x1024xf32>
      %mul3A_28 = arith.constant 0.797884583 : f32
      %mul3A_29 = vector.broadcast %mul3A_28 : f32 to vector<576x1024xf32>
      %mul3A_30 = arith.mulf %mul3A_29, %add3A_27 : vector<576x1024xf32>
      %tanh3A = math.tanh %mul3A_30 : vector<576x1024xf32>
      %add3A_31 = arith.constant 1.000000e+00 : f32
      %add3A_32 = vector.broadcast %add3A_31 : f32 to vector<576x1024xf32>
      %add3A_33 = arith.addf %add3A_32, %tanh3A : vector<576x1024xf32>
      %mul3A_34 = arith.constant 5.000000e-01 : f32
      %mul3A_35 = vector.broadcast %mul3A_34 : f32 to vector<576x1024xf32>
      %mul3A_36 = arith.mulf %mul3A_35, %add3A_33 : vector<576x1024xf32>
      %mul3A_37 = arith.mulf %add3A_23, %mul3A_36 : vector<576x1024xf32>
      %convert_element_type3A_38 = arith.truncf %mul3A_37 : vector<576x1024xf32> to vector<576x1024xbf16>
      %get3A_39 = arith.constant 0 : index
      %get3A_40 = arith.constant 0 : index
      %get3A_41 = arith.constant 0 : index
      %get3A_42 = vector.load %arg7[%get3A_39, %get3A_40, %get3A_41] : memref<1x1024x1024xf32, #tpu.memory_space<vmem>>, vector<1x1024x1024xf32>
      %get3A_43 = vector.shape_cast %get3A_42 : vector<1x1024x1024xf32> to vector<1024x1024xf32>
      %convert_element_type3A_44 = arith.truncf %get3A_43 : vector<1024x1024xf32> to vector<1024x1024xbf16>
      %dot_general3A_45 = arith.constant dense<0.000000e+00> : vector<576x1024xf32>
      %dot_general3A_46 = tpu.matmul %convert_element_type3A_38, %convert_element_type3A_44, %dot_general3A_45 {dimension_numbers = #tpu.dot_dimension_numbers<[1], [0], [0], [1], [0, 0, 1, 1], [], []>, transpose_lhs_hint = false} : vector<576x1024xbf16>, vector<1024x1024xbf16>, vector<576x1024xf32> -> vector<576x1024xf32>
      %eq3A_47 = arith.constant 0 : i32
      %eq3A_48 = arith.cmpi eq, %arg1, %eq3A_47 : i32
      %convert_element_type3A_49 = arith.extui %eq3A_48 : i1 to i32
      %cond3A_50 = arith.constant 0 : i32
      %cond3A_51 = arith.cmpi ne, %convert_element_type3A_49, %cond3A_50 : i32
      scf.if %cond3A_51 {
        %swap3A = arith.constant 0 : index
        %swap3A_61 = arith.constant 0 : index
        %swap3A_62 = vector.load %arg11[%swap3A, %swap3A_61] : memref<576x1024xf32, #tpu.memory_space<vmem>>, vector<576x1024xf32>
        tpu.vector_store %arg11[%swap3A, %swap3A_61], %dot_general3A_46 {strides = array<i32>} : memref<576x1024xf32, #tpu.memory_space<vmem>>, vector<576x1024xf32>,
      } else {
      }
      %ne3A = arith.constant 0 : i32
      %ne3A_52 = arith.cmpi ne, %arg1, %ne3A : i32
      %convert_element_type3A_53 = arith.extui %ne3A_52 : i1 to i32
      %cond3A_54 = arith.constant 0 : i32
      %cond3A_55 = arith.cmpi ne, %convert_element_type3A_53, %cond3A_54 : i32
      scf.if %cond3A_55 {
        %get3A_61 = arith.constant 0 : index
        %get3A_62 = arith.constant 0 : index
        %get3A_63 = vector.load %arg11[%get3A_61, %get3A_62] : memref<576x1024xf32, #tpu.memory_space<vmem>>, vector<576x1024xf32>
        %add3A_64 = arith.addf %get3A_63, %dot_general3A_46 : vector<576x1024xf32>
        %swap3A = arith.constant 0 : index
        %swap3A_65 = arith.constant 0 : index
        %swap3A_66 = vector.load %arg11[%swap3A, %swap3A_65] : memref<576x1024xf32, #tpu.memory_space<vmem>>, vector<576x1024xf32>
        tpu.vector_store %arg11[%swap3A, %swap3A_65], %add3A_64 {strides = array<i32>} : memref<576x1024xf32, #tpu.memory_space<vmem>>, vector<576x1024xf32>,
      } else {
      }
      %eq3A_56 = arith.constant 3 : i32
      %eq3A_57 = arith.cmpi eq, %arg1, %eq3A_56 : i32
      %convert_element_type3A_58 = arith.extui %eq3A_57 : i1 to i32
      %cond3A_59 = arith.constant 0 : i32
      %cond3A_60 = arith.cmpi ne, %convert_element_type3A_58, %cond3A_59 : i32
      scf.if %cond3A_60 {
        %get3A_61 = arith.constant 0 : index
        %get3A_62 = arith.constant 0 : index
        %get3A_63 = vector.load %arg11[%get3A_61, %get3A_62] : memref<576x1024xf32, #tpu.memory_space<vmem>>, vector<576x1024xf32>
        %get3A_64 = arith.constant 0 : index
        %get3A_65 = arith.constant 0 : index
        %get3A_66 = arith.constant 0 : index
        %get3A_67 = vector.load %arg8[%get3A_64, %get3A_65, %get3A_66] : memref<1x1x1024xf32, #tpu.memory_space<vmem>>, vector<1x1x1024xf32>
        %get3A_68 = vector.shape_cast %get3A_67 : vector<1x1x1024xf32> to vector<1x1024xf32>
        %add3A_69 = vector.broadcast %get3A_68 : vector<1x1024xf32> to vector<576x1024xf32>
        %add3A_70 = arith.addf %get3A_63, %add3A_69 : vector<576x1024xf32>
        %swap3A = arith.constant 0 : index
        %swap3A_71 = arith.constant 0 : index
        %swap3A_72 = vector.load %arg9[%swap3A, %swap3A_71] : memref<576x1024xf32, #tpu.memory_space<vmem>>, vector<576x1024xf32>
        tpu.vector_store %arg9[%swap3A, %swap3A_71], %add3A_70 {strides = array<i32>} : memref<576x1024xf32, #tpu.memory_space<vmem>>, vector<576x1024xf32>,
      } else {
      }
    } else {
    }
    return
  }
  func.func @transform_0(%arg0: i32, %arg1: i32, %arg2: memref<15xi32, #tpu.memory_space<smem>>, %arg3: memref<15xi32, #tpu.memory_space<smem>>) -> (i32, i32) {
    %c0_i32 = arith.constant 0 : i32
    %c0_i32_0 = arith.constant 0 : i32
    return %arg0, %c0_i32 : i32, i32
  }
  func.func @transform_1(%arg0: i32, %arg1: i32, %arg2: memref<15xi32, #tpu.memory_space<smem>>, %arg3: memref<15xi32, #tpu.memory_space<smem>>) -> (i32, i32, i32) {
    %get3A = arith.index_cast %arg0 : i32 to index
    %get3A_0 = memref.load %arg2[%get3A] : memref<15xi32, #tpu.memory_space<smem>>
    %get3A_1 = arith.index_cast %arg0 : i32 to index
    %get3A_2 = memref.load %arg3[%get3A_1] : memref<15xi32, #tpu.memory_space<smem>>
    %eq3A = arith.constant 1 : i32
    %eq3A_3 = arith.cmpi eq, %get3A_2, %eq3A : i32
    %jit3A = arith.constant 3 : i32
    %select_n3A = arith.select %eq3A_3, %arg1, %jit3A : i32
    %c0_i32 = arith.constant 0 : i32
    %c0_i32_4 = arith.constant 0 : i32
    return %get3A_0, %c0_i32, %select_n3A : i32, i32, i32
  }
  func.func @transform_2(%arg0: i32, %arg1: i32, %arg2: memref<15xi32, #tpu.memory_space<smem>>, %arg3: memref<15xi32, #tpu.memory_space<smem>>) -> (i32, i32, i32) {
    %get3A = arith.index_cast %arg0 : i32 to index
    %get3A_0 = memref.load %arg2[%get3A] : memref<15xi32, #tpu.memory_space<smem>>
    %mul3A = arith.constant 4 : i32
    %mul3A_1 = arith.muli %get3A_0, %mul3A : i32
    %get3A_2 = arith.index_cast %arg0 : i32 to index
    %get3A_3 = memref.load %arg3[%get3A_2] : memref<15xi32, #tpu.memory_space<smem>>
    %eq3A = arith.constant 1 : i32
    %eq3A_4 = arith.cmpi eq, %get3A_3, %eq3A : i32
    %jit3A = arith.constant 3 : i32
    %select_n3A = arith.select %eq3A_4, %arg1, %jit3A : i32
    %add3A = arith.addi %mul3A_1, %select_n3A : i32
    %c0_i32 = arith.constant 0 : i32
    %c0_i32_5 = arith.constant 0 : i32
    %c0_i32_6 = arith.constant 0 : i32
    return %add3A, %c0_i32, %c0_i32_5 : i32, i32, i32
  }
  func.func @transform_3(%arg0: i32, %arg1: i32, %arg2: memref<15xi32, #tpu.memory_space<smem>>, %arg3: memref<15xi32, #tpu.memory_space<smem>>) -> (i32, i32, i32) {
    %get3A = arith.index_cast %arg0 : i32 to index
    %get3A_0 = memref.load %arg2[%get3A] : memref<15xi32, #tpu.memory_space<smem>>
    %get3A_1 = arith.index_cast %arg0 : i32 to index
    %get3A_2 = memref.load %arg3[%get3A_1] : memref<15xi32, #tpu.memory_space<smem>>
    %eq3A = arith.constant 1 : i32
    %eq3A_3 = arith.cmpi eq, %get3A_2, %eq3A : i32
    %jit3A = arith.constant 3 : i32
    %select_n3A = arith.select %eq3A_3, %arg1, %jit3A : i32
    %c0_i32 = arith.constant 0 : i32
    %c0_i32_4 = arith.constant 0 : i32
    return %get3A_0, %select_n3A, %c0_i32 : i32, i32, i32
  }
  func.func @transform_4(%arg0: i32, %arg1: i32, %arg2: memref<15xi32, #tpu.memory_space<smem>>, %arg3: memref<15xi32, #tpu.memory_space<smem>>) -> (i32, i32, i32) {
    %get3A = arith.index_cast %arg0 : i32 to index
    %get3A_0 = memref.load %arg2[%get3A] : memref<15xi32, #tpu.memory_space<smem>>
    %c0_i32 = arith.constant 0 : i32
    %c0_i32_1 = arith.constant 0 : i32
    %c0_i32_2 = arith.constant 0 : i32
    return %get3A_0, %c0_i32, %c0_i32_1 : i32, i32, i32
  }
  func.func @transform_5(%arg0: i32, %arg1: i32, %arg2: memref<15xi32, #tpu.memory_space<smem>>, %arg3: memref<15xi32, #tpu.memory_space<smem>>) -> (i32, i32) {
    %c0_i32 = arith.constant 0 : i32
    %c0_i32_0 = arith.constant 0 : i32
    return %arg0, %c0_i32 : i32, i32
  }
}

</mosaic_0001>

<sc_bundles>
// kernel: kernel.6.cloned.1.call-start
scs
__scs_entry_jumppad:
0x0: {  	(pc) =	sbr.rel $0x88, $3  }
0x1: {  	(tag) =	ssettag $0x0;
	lr =	simm.s32 $0x1  }
0x2: {  	[smem:$0x3F9A] =	sst lr;
	_ =	strace $0xD0000000  }
0x3: {  	_ = 	snop  }
0x4: {  	_ = 	snop  }
0x5: {  	_ = 	snop  }
0x6: {  	_ = 	snop  }
0x7: {  	_ = 	snop  }
__scs_overlays_trampoline_lowered:
0x8: {  	[smem:$0x3FA9] =	sst s0  }
0x9: {  	[smem:$0x3FAA] =	sst s1  }
0xa: {  	[smem:$0x3FAB] =	sst s2  }
0xb: {  	[smem:$0x3FAC] =	sst s3  }
0xc: {  	[smem:$0x3FAD] =	sst s4  }
0xd: {  	[smem:$0x3FAE] =	sst s5  }
0xe: {  	[smem:$0x3FAF] =	sst s6  }
0xf: {  	[smem:$0x3FB0] =	sst s7  }
0x10: {  	[smem:$0x3FB1] =	sst s8  }
0x11: {  	[smem:$0x3FB2] =	sst s9;
	s0 =	simm.s32 @!p0 $0x0  }
0x12: {  	s1 =	sld [smem:$0x3F98];
	s0 =	simm.s32 @p0 $0x1  }
0x13: {  	[smem:$0x3FB3] =	sst s0;
	s0 =	simm.s32 @!p1 $0x0  }
0x14: {  	s2 =	sld [smem:$0x3F97];
	s0 =	simm.s32 @p1 $0x1  }
0x15: {  	[smem:$0x3FB4] =	sst s0;
	s0 =	simm.s32 @!p2 $0x0  }
0x16: {  	s3 =	sld [smem:$0x3FDB];
	s0 =	simm.s32 @p2 $0x1  }
0x17: {  	s4 =	simm.s32 $0x1BF5;
	[smem:$0x3FB6] =	sst s0  }
0x18: {  	s0 =	sld [smem:$0x3F99];
	_ =	swait.ge [sflag:s4], $0x0  }
0x19: {  	s7 =	sld [smem:$0x3F9A]  }
0x1a: {  	s8 =	sadd.s32 $0xFFFFE003, lr  }
0x1b: {  	s9 =	sadd.s32 $0xFFFFFEF7, lr;
	s5 =	simm.s32 $0xFFFFFFFF;
	p2 =	slt.u32 s8, $0xFFFFF086  }
0x1c: {  	p1 =	slt.u32 s9, $0xF7A;
	s5 =	simm.s32 @!p2 $0x0  }
0x1d: {  	s5 =	simm.s32 @p1 $0x1;
	p0 =	seq.s32 s7, s2  }
0x1e: {  	s7 =	smul.u32 @!p0 $0xF7A, s2;
	p2 =	seq.s32 @!p0 s5, $0x0  }
0x1f: {  	s9 =	smul.u32 $0xF7A, s1;
	s8 =	simm.s32 @!p0 $0x1BF5;
	p2 =	por !p2, p0  }
0x20: {  	[sflag:s8] =	ssyncset.s32 @!p0 $0xFFFFF086;
	s6 =	sadd.s32 @!p0 s3, s7;
	s7 =	simm.s32 @!p0 $0x108  }
0x21: {  	s3 =	sadd.s32 s3, s9;
	s6 =	sadd.s32 @!p0 $0x88, s6;
	s7 =	simm.s32 @p2 $0x1082  }
0x22: {  	[simem:s7], [sflag:s8] =	dma.local @!p0 [hbm:s6], $0xF7A  }
0x23: {  	s9 =	sor.u32 $0xD0000000, s2;
	s6 =	simm.s32 $0x108;
	_ =	swait.ge @!p0 [sflag:s8], $0x0  }
0x24: {  	s3 =	sadd.s32 $0x88, s3;
	s6 =	simm.s32 @!p1 $0x1082;
	[sflag:s4] =	ssyncset.s32 $0xFFFFF086  }
0x25: {  	[simem:s6], [sflag:s4] =	dma.local [hbm:s3], $0xF7A  }
0x26: {  	[smem:$0x3F9A] =	sst s1;
	(tag) =	ssettag s2;
	_ =	strace s9  }
0x27: {  	s1 =	sld [smem:$0x3FAA]  }
0x28: {  	s2 =	sld [smem:$0x3FAB]  }
0x29: {  	s4 =	sld [smem:$0x3FAD]  }
0x2a: {  	p0 =	seq.s32 s5, $0x0;
	s5 =	sld [smem:$0x3FAE]  }
0x2b: {  	s6 =	sld [smem:$0x3FAF]  }
0x2c: {  	s7 =	sld [smem:$0x3FB0]  }
0x2d: {  	s3 =	simm.s32 $0x108;
	s8 =	sld [smem:$0x3FB1]  }
0x2e: {  	s3 =	simm.s32 @!p0 $0x1082;
	s9 =	sld [smem:$0x3FB2]  }
0x2f: {  	lr =	sadd.s32 s0, s3;
	s0 =	sld [smem:$0x3FA9]  }
0x30: {  	s3 =	sld [smem:$0x3FAC]  }
0x31: {  	[smem:$0x3FB5] =	sst s10  }
0x32: {  	s10 =	sld [smem:$0x3FB3];
	_ =	sdelay $0x3  }
0x33: {  	p0 =	seq.s32 s10, $0x1;
	s10 =	sld [smem:$0x3FB5];
	_ =	sdelay $0x3  }
0x34: {  	[smem:$0x3FB5] =	sst s10  }
0x35: {  	s10 =	sld [smem:$0x3FB4];
	_ =	sdelay $0x3  }
0x36: {  	p1 =	seq.s32 s10, $0x1;
	s10 =	sld [smem:$0x3FB5];
	_ =	sdelay $0x3  }
0x37: {  	[smem:$0x3FB5] =	sst s10  }
0x38: {  	s10 =	sld [smem:$0x3FB6]  }
0x39: {  	_ = 	snop;
	(pc) =	sbr.ind lr, $3  }
0x3a: {  	_ = 	snop  }
0x3b: {  	_ = 	snop  }
0x3c: {  	p2 =	seq.s32 s10, $0x1;
	s10 =	sld [smem:$0x3FB5]  }
0x3d: {  	_ =	shalt  }
0x3e: {  	_ =	shalt  }
0x3f: {  	_ =	shalt  }
0x40: {  	_ =	shalt  }
0x41: {  	_ =	shalt  }
0x42: {  	_ =	shalt  }
0x43: {  	_ =	shalt  }
0x44: {  	_ =	shalt  }
0x45: {  	_ =	shalt  }
0x46: {  	_ =	shalt  }
0x47: {  	_ =	shalt  }
0x48: {  	_ =	shalt  }
0x49: {  	_ =	shalt  }
0x4a: {  	_ =	shalt  }
0x4b: {  	_ =	shalt  }
0x4c: {  	_ =	shalt  }
0x4d: {  	_ =	shalt  }
0x4e: {  	_ =	shalt  }
0x4f: {  	_ =	shalt  }
0x50: {  	_ =	shalt  }
0x51: {  	_ =	shalt  }
0x52: {  	_ =	shalt  }
0x53: {  	_ =	shalt  }
0x54: {  	_ =	shalt  }
0x55: {  	_ =	shalt  }
0x56: {  	_ =	shalt  }
0x57: {  	_ =	shalt  }
0x58: {  	_ =	shalt  }
0x59: {  	_ =	shalt  }
0x5a: {  	_ =	shalt  }
0x5b: {  	_ =	shalt  }
0x5c: {  	_ =	shalt  }
0x5d: {  	_ =	shalt  }
0x5e: {  	_ =	shalt  }
0x5f: {  	_ =	shalt  }
0x60: {  	_ =	shalt  }
0x61: {  	_ =	shalt  }
0x62: {  	_ =	shalt  }
0x63: {  	_ =	shalt  }
0x64: {  	_ =	shalt  }
0x65: {  	_ =	shalt  }
0x66: {  	_ =	shalt  }
0x67: {  	_ =	shalt  }
0x68: {  	_ =	shalt  }
0x69: {  	_ =	shalt  }
0x6a: {  	_ =	shalt  }
0x6b: {  	_ =	shalt  }
0x6c: {  	_ =	shalt  }
0x6d: {  	_ =	shalt  }
0x6e: {  	_ =	shalt  }
0x6f: {  	_ =	shalt  }
0x70: {  	_ =	shalt  }
0x71: {  	_ =	shalt  }
0x72: {  	_ =	shalt  }
0x73: {  	_ =	shalt  }
0x74: {  	_ =	shalt  }
0x75: {  	_ =	shalt  }
0x76: {  	_ =	shalt  }
0x77: {  	_ =	shalt  }
0x78: {  	_ =	shalt  }
0x79: {  	_ =	shalt  }
0x7a: {  	_ =	shalt  }
0x7b: {  	_ =	shalt  }
0x7c: {  	_ =	shalt  }
0x7d: {  	_ =	shalt  }
0x7e: {  	_ =	shalt  }
0x7f: {  	_ =	shalt  }
0x80: {  	_ =	shalt  }
0x81: {  	_ =	shalt  }
0x82: {  	_ =	shalt  }
0x83: {  	_ =	shalt  }
0x84: {  	_ =	shalt  }
0x85: {  	_ =	shalt  }
0x86: {  	_ =	shalt  }
0x87: {  	_ =	shalt  }
.Lfunc_end0:
.L_simem_size_0:
called_computation_lowered:
.L_overlay_start_0:
0x88: {  	s2 =	sld [smem:$0x3FD9]  }
0x89: {  	s3 =	sld [smem:$0x3FFE];
	_ =	sdelay $0x1  }
0x8a: {  	s1 =	srdreg.scid  }
0x8b: {  	s0 =	sand.u32 $0x1, s1  }
0x8c: {  	s17 =	sshll.u32 s0, $0xA;
	s2 =	sadd.s32 s3, s2  }
0x8d: {  	s2 =	sadd.s32 s2, s17  }
0x8e: {  	[smem:$0x3FC1] =	sst s2  }
0x8f: {  	_ = 	snop  }
0x90: {  	s2 =	sld [smem:$0x3FC9];
	(tm) =	ssettm $0x1  }
0x91: {  	s18 =	sld [smem:$0x3FFB];
	_ =	sdelay $0x3  }
0x92: {  	_ =	strace s18  }
0x93: {  	s3 =	sld [smem:$0x3FFC];
	_ =	sdelay $0x3  }
0x94: {  	_ =	strace s3  }
0x95: {  	s3 =	sld [smem:$0x3FFD];
	_ =	sdelay $0x3  }
0x96: {  	_ =	strace s3  }
0x97: {  	_ =	strace $0x8FFFFFFF  }
0x98: {  	s19 =	sld [smem:$0x3FDB];
	_ =	sdelay $0x1  }
0x99: {  	s4 =	simm.s32 $_scs_section_size  }
0x9a: {  	s5 =	simm.s32 $_size__tile_overlayer_lowered;
	s6 =	simm.s32 $_tile_overlayer_lowered  }
0x9b: {  	s22 =	simm.s32 $0x1BFF;
	s21 =	sshll.u32 s6, $0x1;
	s3 =	sadd.s32 s4, s19  }
0x9c: {  	s7 =	simm.s32 $0x0;
	s20 =	sshll.u32 s5, $0x1;
	s5 =	sadd.s32 s21, s3  }
0x9d: {  	[timem:s7], [sflag:s22] =	dma.local [hbm:s5], s20  }
0x9e: {  	_ =	swait.ge [sflag:s22], s20  }
0x9f: {  	s4 =	ssub.s32 $0x0, s20;
	[sflag:s22] =	ssyncset.done $0x0  }
0xa0: {  	[sflag:s22] =	ssyncadd.s32 s4;
	_ =	sdelay $0x1  }
0xa1: {  	s23 =	simm.s32 $0x1B8B  }
0xa2: {  	_ =	swait.ge [sflag:s23], $0x1  }
0xa3: {  	[sflag:s23] =	ssyncset.done $0x0  }
0xa4: {  	s25 =	simm.s32 $0x1B8E;
	s24 =	sld [smem:$0x3FFE];
	[sflag:s23] =	ssyncadd.s32 $0xFFFFFFFF  }
0xa5: {  	s26 =	simm.s32 $execute0_lowered;
	[smem:$0x3FD2] =	sst s25  }
0xa6: {  	s5 =	sshll.u32 s26, $0x1;
	_ =	strace $0x80000046;
	[dreg:$0x1] =	wrdreg $0xFFFFFFFF  }
0xa7: {  	s28 =	simm.s32 $_size_execute0_lowered;
	s3 =	sadd.s32 s3, s5;
	[dreg:$0x0] =	wrdreg $0x0  }
0xa8: {  	s5 =	sshll.u32 s28, $0x1;
	[dreg:$0x2] =	wrdreg s3  }
0xa9: {  	[dreg:$0x3] =	wrdreg s5  }
0xaa: {  	[dreg:$0x4] =	wrdreg $0xC0  }
0xab: {  	_ =	task [dreg:s7], $0x5FFFF  }
0xac: {  	[dreg:$0x1] =	wrdreg $0xFFFFFFFF  }
0xad: {  	[dreg:$0x0] =	wrdreg $0x60  }
0xae: {  	[dreg:$0x2] =	wrdreg s2  }
0xaf: {  	[dreg:$0x3] =	wrdreg s24  }
0xb0: {  	[dreg:$0x4] =	wrdreg $0x9  }
0xb1: {  	_ =	task.clear_ibuf [dreg:s7], $0x5FFFF;
	_ =	strace $0x90000046  }
0xb2: {  	s29 =	simm.s32 $0x9;
	_ =	strace $0x80000048  }
0xb3: {  	_ =	swait.ge [sflag:s29], $0x1  }
0xb4: {  	[sflag:s29] =	ssyncadd.s32 $0xFFFFFFFF  }
0xb5: {  	_ =	strace $0x90000048  }
0xb6: {  	_ =	sfence  }
0xb7: {  	s30 =	sld [smem:$0x0];
	_ =	sdelay $0x2  }
0xb8: {  	s31 =	sshll.u32 s1, $0xD;
	s1 =	sshrl.u32 s1, $0x2  }
0xb9: {  	s3 =	sand.u32 $0x4000, s31;
	s1 =	sadd.s32 s1, s30  }
0xba: {  	s0 =	sor.u32 s3, s0;
	s1 =	sshll.u32 s1, $0x11  }
0xbb: {  	s0 =	sor.u32 s1, s0  }
0xbc: {  	s0 =	sadd.s32 $0x8F2B, s0  }
0xbd: {  	[sflag:s0] =	ssyncadd.remote.s32 $0x1  }
0xbe: {  	_ =	sfence.sel $0xFFFF  }
0xbf: {  	[dreg:$0x0] =	wrdreg $0xFFFFFFFF;
	(pc) =	sbr.abs _section_cstart, $3  }
0xc0: {  	[dreg:$0x1] =	wrdreg $0xFFFFFFFF  }
0xc1: {  	_ =	task.clear_ibuf [dreg:s7], $0x2FFFF;
	_ =	strace $0x9FFFFFFF  }
0xc2: {  	(tm) =	ssettm $0x7FFFFFFF  }
0xc3: {  	_ =	shalt  }
tec
execute0_lowered:
.L_overlay_start_1:
0x0: {  	(tag) =	ssettag $0x1  }
0x1: {  	s1 =	rddreg [dreg:$0x0]  }
0x2: {  	s0 =	rddreg [dreg:$0x1];
	s2 =	simm.s32 $0x0  }
0x3: {  	s3 =	srdreg.scid;
	s6 =	stileid.u32;
	s12 =	simm.s32 $0x100  }
0x4: {  	s13 =	simm.s32 $0x2;
	s14 =	simm.s32 $0x80;
	s15 =	simm.s32 $0x900  }
0x5: {  	s16 =	simm.s32 $0x1100;
	s17 =	simm.s32 $0x1900;
	s18 =	simm.s32 $0x2100  }
0x6: {  	s19 =	simm.s32 $0x2900;
	s20 =	simm.s32 $0x3100;
	s21 =	simm.s32 $0x3900  }
0x7: {  	s22 =	simm.s32 $0x4100;
	s23 =	simm.s32 $0x4900;
	s24 =	simm.s32 $0x5100  }
0x8: {  	s25 =	simm.s32 $0x5900;
	s28 =	simm.s32 $0x6900;
	s29 =	simm.s32 $0x7100  }
0x9: {  	s30 =	simm.s32 $0x7900;
	s31 =	simm.s32 $0x1;
	[smem:$0x7FF] =	sst s2  }
0xa: {  	s4 =	sadd.s32 $0x10A00, s0;
	s3 =	sand.u32 $0x1, s3;
	s5 =	sadd.s32 $0x10C00, s0  }
0xb: {  	s9 =	sshll.u32 s6, $0x7;
	s6 =	sadd.s32 $0x10E00, s0;
	s7 =	ssub.s32 $0x2, s3  }
0xc: {  	s10 =	sadd.s32 $0x11100, s0;
	s3 =	sshll.u32 s3, $0x6;
	s8 =	sshrl.u32 s7, $0x1  }
0xd: {  	v2 =	vlaneseq.u32;
	_ =	strace $0x80000047;
	s11 =	ssub.s32 s7, s8;
	s7 =	sor.u32 s3, s9  }
0xe: {  	vm0 =	vmmov $0xffff;
	v1 =	vshrl.u32 v2, $0x3;
	s8 =	sadd.s32 $0x10F00, s0;
	s9 =	sadd.s32 $0x11000, s0;
	s26 =	smax.u32 s11, $0x1  }
0xf: {  	v0 =	vand.u32 $0x7, v2;
	v2 =	vor.u32 $0x8, v2;
	v1 =	vmul.u32 $0x8, v1;
	s0 =	simm.s32 $0x0;
	[dreg:$0x3] =	wrdreg s26;
	s26 =	simm.s32 $0x6100  }
.LBB2_1:
0x10: {  	p0 =	por $0x1, $0x1;
	s3 =	simm.s32 $0x0  }
.LBB2_2:
0x11: {  	s3 =	sor.u32 s7, s3  }
0x12: {  	s11 =	sshll.u32 s3, $0x7  }
0x13: {  	s11 =	sadd.s32 s1, s11  }
0x14: {  	[tilespmem:s12], [sflag:$0x2] =	stream.linear.gather [hbm4b:s11+s2], $0x8000, $0x38;
	[tilespmem:$0x8100] =	vst v63  }
0x15: {  	_ =	swait.ge [sflag:s13], $0x8000  }
0x16: {  	s3 =	sshrl.u32 s3, $0x3;
	[sflag:s13] =	ssyncset.done $0x0  }
0x17: {  	s11 =	sadd.s32 s4, s3;
	[sflag:s13] =	ssyncadd.s32 $0xFFFF8000  }
0x18: {  	[tilespmem:s2], [sflag:$0x2] =	stream.linear.gather [hbm4b:s11+s2], $0x20, $0x38;
	[tilespmem:$0x8100] =	vst v63  }
0x19: {  	_ =	swait.ge [sflag:s13], $0x20  }
0x1a: {  	[sflag:s13] =	ssyncset.done $0x0  }
0x1b: {  	s3 =	sadd.s32 s5, s3;
	[sflag:s13] =	ssyncadd.s32 $0xFFFFFFE0  }
0x1c: {  	[tilespmem:s14], [sflag:$0x2] =	stream.linear.gather [hbm4b:s3+s2], $0x20, $0x38;
	[tilespmem:$0x8100] =	vst v63  }
0x1d: {  	_ =	swait.ge [sflag:s13], $0x20  }
0x1e: {  	[sflag:s13] =	ssyncset.done $0x0  }
0x1f: {  	[sflag:s13] =	ssyncadd.s32 $0xFFFFFFE0  }
0x20: {  	v3 =	vld [tilespmem:$0x0];
	_ =	sdelay $0x4  }
0x21: {  	v4 =	vshll.u32 v3, $0x3  }
0x22: {  	v3 =	vand.u32 $0x7, v3;
	v4 =	vand.u32 $0xFFFFFFC0, v4  }
0x23: {  	v3 =	vor.u32 v3, v4  }
0x24: {  	v4 =	vperm.xlane v3, v0;
	_ =	sdelay $0x1  }
0x25: {  	v4 =	vadd.s32 v1, v4;
	_ =	sdelay $0x4  }
0x26: {  	[hbm4b:s6+s2] =	stream.indirect_vreg.scatter [tilespmem:s12], [sflag:$0x1], $0x80, v4, vm0, $0xb8;
	[tilespmem:$0x8100] =	vst v63  }
0x27: {  	v3 =	vperm.xlane v3, v2  }
0x28: {  	[hbm4b:s8+s2] =	stream.indirect_vreg.scatter [tilespmem:s15], [sflag:$0x1], $0x80, v4, vm0, $0xb8;
	[tilespmem:$0x8100] =	vst v63  }
0x29: {  	v3 =	vadd.s32 v1, v3  }
0x2a: {  	[hbm4b:s9+s2] =	stream.indirect_vreg.scatter [tilespmem:s16], [sflag:$0x1], $0x80, v4, vm0, $0xb8;
	[tilespmem:$0x8100] =	vst v63  }
0x2b: {  	_ = 	snop  }
0x2c: {  	[hbm4b:s10+s2] =	stream.indirect_vreg.scatter [tilespmem:s17], [sflag:$0x1], $0x80, v4, vm0, $0xb8;
	[tilespmem:$0x8100] =	vst v63  }
0x2d: {  	_ = 	snop  }
0x2e: {  	[hbm4b:s6+s2] =	stream.indirect_vreg.scatter [tilespmem:s18], [sflag:$0x1], $0x80, v3, vm0, $0xb8;
	[tilespmem:$0x8100] =	vst v63  }
0x2f: {  	_ = 	snop  }
0x30: {  	[hbm4b:s8+s2] =	stream.indirect_vreg.scatter [tilespmem:s19], [sflag:$0x1], $0x80, v3, vm0, $0xb8;
	[tilespmem:$0x8100] =	vst v63  }
0x31: {  	_ = 	snop  }
0x32: {  	[hbm4b:s9+s2] =	stream.indirect_vreg.scatter [tilespmem:s20], [sflag:$0x1], $0x80, v3, vm0, $0xb8;
	[tilespmem:$0x8100] =	vst v63  }
0x33: {  	_ = 	snop  }
0x34: {  	[hbm4b:s10+s2] =	stream.indirect_vreg.scatter [tilespmem:s21], [sflag:$0x1], $0x80, v3, vm0, $0xb8;
	[tilespmem:$0x8100] =	vst v63  }
0x35: {  	v3 =	vld [tilespmem:$0x10];
	_ =	sdelay $0x4  }
0x36: {  	v61 =	vshll.u32 v3, $0x3  }
0x37: {  	v3 =	vand.u32 $0x7, v3;
	v4 =	vand.u32 $0xFFFFFFC0, v61  }
0x38: {  	v3 =	vor.u32 v3, v4  }
0x39: {  	v4 =	vperm.xlane v3, v0;
	_ =	sdelay $0x1  }
0x3a: {  	v4 =	vadd.s32 v1, v4;
	_ =	sdelay $0x4  }
0x3b: {  	[hbm4b:s6+s2] =	stream.indirect_vreg.scatter [tilespmem:s22], [sflag:$0x1], $0x80, v4, vm0, $0xb8;
	[tilespmem:$0x8100] =	vst v63  }
0x3c: {  	v3 =	vperm.xlane v3, v2  }
0x3d: {  	[hbm4b:s8+s2] =	stream.indirect_vreg.scatter [tilespmem:s23], [sflag:$0x1], $0x80, v4, vm0, $0xb8;
	[tilespmem:$0x8100] =	vst v63  }
0x3e: {  	v3 =	vadd.s32 v1, v3  }
0x3f: {  	[hbm4b:s9+s2] =	stream.indirect_vreg.scatter [tilespmem:s24], [sflag:$0x1], $0x80, v4, vm0, $0xb8;
	[tilespmem:$0x8100] =	vst v63  }
0x40: {  	_ = 	snop  }
0x41: {  	[hbm4b:s10+s2] =	stream.indirect_vreg.scatter [tilespmem:s25], [sflag:$0x1], $0x80, v4, vm0, $0xb8;
	[tilespmem:$0x8100] =	vst v63  }
0x42: {  	_ = 	snop  }
0x43: {  	[hbm4b:s6+s2] =	stream.indirect_vreg.scatter [tilespmem:s26], [sflag:$0x1], $0x80, v3, vm0, $0xb8;
	[tilespmem:$0x8100] =	vst v63  }
0x44: {  	_ = 	snop  }
0x45: {  	[hbm4b:s8+s2] =	stream.indirect_vreg.scatter [tilespmem:s28], [sflag:$0x1], $0x80, v3, vm0, $0xb8;
	[tilespmem:$0x8100] =	vst v63  }
0x46: {  	_ = 	snop  }
0x47: {  	[hbm4b:s9+s2] =	stream.indirect_vreg.scatter [tilespmem:s29], [sflag:$0x1], $0x80, v3, vm0, $0xb8;
	[tilespmem:$0x8100] =	vst v63  }
0x48: {  	_ = 	snop  }
0x49: {  	[hbm4b:s10+s2] =	stream.indirect_vreg.scatter [tilespmem:s30], [sflag:$0x1], $0x80, v3, vm0, $0xb8;
	[tilespmem:$0x8100] =	vst v63  }
0x4a: {  	v3 =	vld [tilespmem:$0x80];
	_ =	sdelay $0x4  }
0x4b: {  	v62 =	vshll.u32 v3, $0x3  }
0x4c: {  	v3 =	vand.u32 $0x7, v3;
	v4 =	vand.u32 $0xFFFFFFC0, v62  }
0x4d: {  	v3 =	vor.u32 v3, v4  }
0x4e: {  	v4 =	vperm.xlane v3, v0;
	_ =	sdelay $0x1  }
0x4f: {  	v4 =	vadd.s32 v1, v4;
	_ =	sdelay $0x4  }
0x50: {  	[hbm4b:s6+s2] =	stream.indirect_vreg.scatter [tilespmem:s12], [sflag:$0x1], $0x80, v4, vm0, $0xb8;
	[tilespmem:$0x8100] =	vst v63  }
0x51: {  	v3 =	vperm.xlane v3, v2  }
0x52: {  	[hbm4b:s8+s2] =	stream.indirect_vreg.scatter [tilespmem:s15], [sflag:$0x1], $0x80, v4, vm0, $0xb8;
	[tilespmem:$0x8100] =	vst v63  }
0x53: {  	v3 =	vadd.s32 v1, v3  }
0x54: {  	[hbm4b:s9+s2] =	stream.indirect_vreg.scatter [tilespmem:s16], [sflag:$0x1], $0x80, v4, vm0, $0xb8;
	[tilespmem:$0x8100] =	vst v63  }
0x55: {  	_ = 	snop  }
0x56: {  	[hbm4b:s10+s2] =	stream.indirect_vreg.scatter [tilespmem:s17], [sflag:$0x1], $0x80, v4, vm0, $0xb8;
	[tilespmem:$0x8100] =	vst v63  }
0x57: {  	_ = 	snop  }
0x58: {  	[hbm4b:s6+s2] =	stream.indirect_vreg.scatter [tilespmem:s18], [sflag:$0x1], $0x80, v3, vm0, $0xb8;
	[tilespmem:$0x8100] =	vst v63  }
0x59: {  	_ = 	snop  }
0x5a: {  	[hbm4b:s8+s2] =	stream.indirect_vreg.scatter [tilespmem:s19], [sflag:$0x1], $0x80, v3, vm0, $0xb8;
	[tilespmem:$0x8100] =	vst v63  }
0x5b: {  	_ = 	snop  }
0x5c: {  	[hbm4b:s9+s2] =	stream.indirect_vreg.scatter [tilespmem:s20], [sflag:$0x1], $0x80, v3, vm0, $0xb8;
	[tilespmem:$0x8100] =	vst v63  }
0x5d: {  	_ = 	snop  }
0x5e: {  	[hbm4b:s10+s2] =	stream.indirect_vreg.scatter [tilespmem:s21], [sflag:$0x1], $0x80, v3, vm0, $0xb8;
	[tilespmem:$0x8100] =	vst v63  }
0x5f: {  	v3 =	vld [tilespmem:$0x90];
	_ =	sdelay $0x4  }
0x60: {  	v63 =	vshll.u32 v3, $0x3  }
0x61: {  	v3 =	vand.u32 $0x7, v3;
	v4 =	vand.u32 $0xFFFFFFC0, v63  }
0x62: {  	v3 =	vor.u32 v3, v4  }
0x63: {  	v4 =	vperm.xlane v3, v0;
	_ =	sdelay $0x1  }
0x64: {  	v4 =	vadd.s32 v1, v4;
	_ =	sdelay $0x4  }
0x65: {  	[hbm4b:s6+s2] =	stream.indirect_vreg.scatter [tilespmem:s22], [sflag:$0x1], $0x80, v4, vm0, $0xb8;
	[tilespmem:$0x8100] =	vst v63  }
0x66: {  	v3 =	vperm.xlane v3, v2  }
0x67: {  	[hbm4b:s8+s2] =	stream.indirect_vreg.scatter [tilespmem:s23], [sflag:$0x1], $0x80, v4, vm0, $0xb8;
	[tilespmem:$0x8100] =	vst v63  }
0x68: {  	v3 =	vadd.s32 v1, v3  }
0x69: {  	[hbm4b:s9+s2] =	stream.indirect_vreg.scatter [tilespmem:s24], [sflag:$0x1], $0x80, v4, vm0, $0xb8;
	[tilespmem:$0x8100] =	vst v63  }
0x6a: {  	_ = 	snop  }
0x6b: {  	[hbm4b:s10+s2] =	stream.indirect_vreg.scatter [tilespmem:s25], [sflag:$0x1], $0x80, v4, vm0, $0xb8;
	[tilespmem:$0x8100] =	vst v63  }
0x6c: {  	_ = 	snop  }
0x6d: {  	[hbm4b:s6+s2] =	stream.indirect_vreg.scatter [tilespmem:s26], [sflag:$0x1], $0x80, v3, vm0, $0xb8;
	[tilespmem:$0x8100] =	vst v63  }
0x6e: {  	_ = 	snop  }
0x6f: {  	[hbm4b:s8+s2] =	stream.indirect_vreg.scatter [tilespmem:s28], [sflag:$0x1], $0x80, v3, vm0, $0xb8;
	[tilespmem:$0x8100] =	vst v63  }
0x70: {  	_ = 	snop  }
0x71: {  	[hbm4b:s9+s2] =	stream.indirect_vreg.scatter [tilespmem:s29], [sflag:$0x1], $0x80, v3, vm0, $0xb8;
	[tilespmem:$0x8100] =	vst v63  }
0x72: {  	_ = 	snop  }
0x73: {  	[hbm4b:s10+s2] =	stream.indirect_vreg.scatter [tilespmem:s30], [sflag:$0x1], $0x80, v3, vm0, $0xb8;
	[tilespmem:$0x8100] =	vst v63  }
0x74: {  	p1 =	por p0, p0;
	_ =	swait.ge [sflag:s31], $0x8000  }
.Ltmp0:
0x75: {  	[sflag:s31] =	ssyncset.done $0x0;
	(pc) =	sbr.rel @p1 .LBB2_2-.Ltmp0, $4  }
0x76: {  	[sflag:s31] =	ssyncadd.s32 $0xFFFF8000  }
0x77: {  	_ =	swait.ge [sflag:s31], $0x8000  }
0x78: {  	[sflag:s31] =	ssyncset.done $0x0  }
0x79: {  	p0 =	por $0x0, $0x0;
	s3 =	simm.s32 $0x20;
	[sflag:s31] =	ssyncadd.s32 $0xFFFF8000  }
0x7a: {  	s0 =	sadd.s32 $0x1, s0;
	s3 =	rddreg [dreg:$0x3]  }
0x7b: {  	p0 =	sne.s32 s0, s3  }
.Ltmp1:
0x7c: {  	_ = 	snop;
	(pc) =	sbr.rel @p0 .LBB2_1-.Ltmp1, $1  }
0x7d: {  	_ =	sdelay $0x3  }
0x7e: {  	_ =	sfence.sel $0x180000  }
0x7f: {  	[bflag:$0x0] =	sbarrier.arrive $0xFFFF  }
0x80: {  	_ =	strace $0x90000047  }
0x81: {  	s0 =	stileid.u32;
	[bflag:$0x2] =	sbarrier.arrive $0xFFFF  }
0x82: {  	p0 =	sne.s32 s0, $0x0;
	s0 =	rddreg [dreg:$0x2]  }
0x83: {  	s0 =	sadd.s32 @!p0 $0x100000, s0  }
0x84: {  	[sflag:s0] =	ssyncadd.tile.s32 @!p0 $0x1;
	_ =	shalt  }
.Lfunc_end2:
_tile_overlayer_lowered:
.L_overlay_start_2:
0x85: {  	(tag) =	ssettag $0x2  }
0x86: {  	s0 =	rddreg [dreg:$0x0];
	s2 =	stileid.u32  }
0x87: {  	s1 =	rddreg [dreg:$0x1];
	p0 =	sne.s32 s2, $0x0  }
0x88: {  	s3 =	rddreg [dreg:$0x2];
	[bflag:$0x3] =	sbarrier.arrive $0xFFFF;
	s2 =	simm.s32 @!p0 $0x1C02  }
0x89: {  	[timem:s3], [sflag:s2] =	dma.local @!p0 [hbm:s0], s1  }
0x8a: {  	s0 =	simm.s32 @!p0 $0x2  }
0x8b: {  	_ =	swait.ge @!p0 [sflag:s0], s1  }
0x8c: {  	s1 =	ssub.s32 @!p0 $0x0, s1;
	[sflag:s0] =	ssyncset.done @!p0 $0x0  }
0x8d: {  	[sflag:s0] =	ssyncadd.s32 @!p0 s1  }
0x8e: {  	[bflag:$0x3] =	sbarrier.arrive $0xFFFF  }
0x8f: {  	_ =	shalt  }

// kernel: kernel.9.cloned.1.call-start
scs
__scs_entry_jumppad:
0x0: {  	(pc) =	sbr.rel $0x88, $3  }
0x1: {  	(tag) =	ssettag $0x0;
	lr =	simm.s32 $0x1  }
0x2: {  	[smem:$0x3F9A] =	sst lr;
	_ =	strace $0xD0000000  }
0x3: {  	_ = 	snop  }
0x4: {  	_ = 	snop  }
0x5: {  	_ = 	snop  }
0x6: {  	_ = 	snop  }
0x7: {  	_ = 	snop  }
__scs_overlays_trampoline_lowered:
0x8: {  	[smem:$0x3FA9] =	sst s0  }
0x9: {  	[smem:$0x3FAA] =	sst s1  }
0xa: {  	[smem:$0x3FAB] =	sst s2  }
0xb: {  	[smem:$0x3FAC] =	sst s3  }
0xc: {  	[smem:$0x3FAD] =	sst s4  }
0xd: {  	[smem:$0x3FAE] =	sst s5  }
0xe: {  	[smem:$0x3FAF] =	sst s6  }
0xf: {  	[smem:$0x3FB0] =	sst s7  }
0x10: {  	[smem:$0x3FB1] =	sst s8  }
0x11: {  	[smem:$0x3FB2] =	sst s9;
	s0 =	simm.s32 @!p0 $0x0  }
0x12: {  	s1 =	sld [smem:$0x3F98];
	s0 =	simm.s32 @p0 $0x1  }
0x13: {  	[smem:$0x3FB3] =	sst s0;
	s0 =	simm.s32 @!p1 $0x0  }
0x14: {  	s2 =	sld [smem:$0x3F97];
	s0 =	simm.s32 @p1 $0x1  }
0x15: {  	[smem:$0x3FB4] =	sst s0;
	s0 =	simm.s32 @!p2 $0x0  }
0x16: {  	s3 =	sld [smem:$0x3FDB];
	s0 =	simm.s32 @p2 $0x1  }
0x17: {  	s4 =	simm.s32 $0x1BF5;
	[smem:$0x3FB6] =	sst s0  }
0x18: {  	s0 =	sld [smem:$0x3F99];
	_ =	swait.ge [sflag:s4], $0x0  }
0x19: {  	s7 =	sld [smem:$0x3F9A]  }
0x1a: {  	s8 =	sadd.s32 $0xFFFFE003, lr  }
0x1b: {  	s9 =	sadd.s32 $0xFFFFFEF7, lr;
	s5 =	simm.s32 $0xFFFFFFFF;
	p2 =	slt.u32 s8, $0xFFFFF086  }
0x1c: {  	p1 =	slt.u32 s9, $0xF7A;
	s5 =	simm.s32 @!p2 $0x0  }
0x1d: {  	s5 =	simm.s32 @p1 $0x1;
	p0 =	seq.s32 s7, s2  }
0x1e: {  	s7 =	smul.u32 @!p0 $0xF7A, s2;
	p2 =	seq.s32 @!p0 s5, $0x0  }
0x1f: {  	s9 =	smul.u32 $0xF7A, s1;
	s8 =	simm.s32 @!p0 $0x1BF5;
	p2 =	por !p2, p0  }
0x20: {  	[sflag:s8] =	ssyncset.s32 @!p0 $0xFFFFF086;
	s6 =	sadd.s32 @!p0 s3, s7;
	s7 =	simm.s32 @!p0 $0x108  }
0x21: {  	s3 =	sadd.s32 s3, s9;
	s6 =	sadd.s32 @!p0 $0x88, s6;
	s7 =	simm.s32 @p2 $0x1082  }
0x22: {  	[simem:s7], [sflag:s8] =	dma.local @!p0 [hbm:s6], $0xF7A  }
0x23: {  	s9 =	sor.u32 $0xD0000000, s2;
	s6 =	simm.s32 $0x108;
	_ =	swait.ge @!p0 [sflag:s8], $0x0  }
0x24: {  	s3 =	sadd.s32 $0x88, s3;
	s6 =	simm.s32 @!p1 $0x1082;
	[sflag:s4] =	ssyncset.s32 $0xFFFFF086  }
0x25: {  	[simem:s6], [sflag:s4] =	dma.local [hbm:s3], $0xF7A  }
0x26: {  	[smem:$0x3F9A] =	sst s1;
	(tag) =	ssettag s2;
	_ =	strace s9  }
0x27: {  	s1 =	sld [smem:$0x3FAA]  }
0x28: {  	s2 =	sld [smem:$0x3FAB]  }
0x29: {  	s4 =	sld [smem:$0x3FAD]  }
0x2a: {  	p0 =	seq.s32 s5, $0x0;
	s5 =	sld [smem:$0x3FAE]  }
0x2b: {  	s6 =	sld [smem:$0x3FAF]  }
0x2c: {  	s7 =	sld [smem:$0x3FB0]  }
0x2d: {  	s3 =	simm.s32 $0x108;
	s8 =	sld [smem:$0x3FB1]  }
0x2e: {  	s3 =	simm.s32 @!p0 $0x1082;
	s9 =	sld [smem:$0x3FB2]  }
0x2f: {  	lr =	sadd.s32 s0, s3;
	s0 =	sld [smem:$0x3FA9]  }
0x30: {  	s3 =	sld [smem:$0x3FAC]  }
0x31: {  	[smem:$0x3FB5] =	sst s10  }
0x32: {  	s10 =	sld [smem:$0x3FB3];
	_ =	sdelay $0x3  }
0x33: {  	p0 =	seq.s32 s10, $0x1;
	s10 =	sld [smem:$0x3FB5];
	_ =	sdelay $0x3  }
0x34: {  	[smem:$0x3FB5] =	sst s10  }
0x35: {  	s10 =	sld [smem:$0x3FB4];
	_ =	sdelay $0x3  }
0x36: {  	p1 =	seq.s32 s10, $0x1;
	s10 =	sld [smem:$0x3FB5];
	_ =	sdelay $0x3  }
0x37: {  	[smem:$0x3FB5] =	sst s10  }
0x38: {  	s10 =	sld [smem:$0x3FB6]  }
0x39: {  	_ = 	snop;
	(pc) =	sbr.ind lr, $3  }
0x3a: {  	_ = 	snop  }
0x3b: {  	_ = 	snop  }
0x3c: {  	p2 =	seq.s32 s10, $0x1;
	s10 =	sld [smem:$0x3FB5]  }
0x3d: {  	_ =	shalt  }
0x3e: {  	_ =	shalt  }
0x3f: {  	_ =	shalt  }
0x40: {  	_ =	shalt  }
0x41: {  	_ =	shalt  }
0x42: {  	_ =	shalt  }
0x43: {  	_ =	shalt  }
0x44: {  	_ =	shalt  }
0x45: {  	_ =	shalt  }
0x46: {  	_ =	shalt  }
0x47: {  	_ =	shalt  }
0x48: {  	_ =	shalt  }
0x49: {  	_ =	shalt  }
0x4a: {  	_ =	shalt  }
0x4b: {  	_ =	shalt  }
0x4c: {  	_ =	shalt  }
0x4d: {  	_ =	shalt  }
0x4e: {  	_ =	shalt  }
0x4f: {  	_ =	shalt  }
0x50: {  	_ =	shalt  }
0x51: {  	_ =	shalt  }
0x52: {  	_ =	shalt  }
0x53: {  	_ =	shalt  }
0x54: {  	_ =	shalt  }
0x55: {  	_ =	shalt  }
0x56: {  	_ =	shalt  }
0x57: {  	_ =	shalt  }
0x58: {  	_ =	shalt  }
0x59: {  	_ =	shalt  }
0x5a: {  	_ =	shalt  }
0x5b: {  	_ =	shalt  }
0x5c: {  	_ =	shalt  }
0x5d: {  	_ =	shalt  }
0x5e: {  	_ =	shalt  }
0x5f: {  	_ =	shalt  }
0x60: {  	_ =	shalt  }
0x61: {  	_ =	shalt  }
0x62: {  	_ =	shalt  }
0x63: {  	_ =	shalt  }
0x64: {  	_ =	shalt  }
0x65: {  	_ =	shalt  }
0x66: {  	_ =	shalt  }
0x67: {  	_ =	shalt  }
0x68: {  	_ =	shalt  }
0x69: {  	_ =	shalt  }
0x6a: {  	_ =	shalt  }
0x6b: {  	_ =	shalt  }
0x6c: {  	_ =	shalt  }
0x6d: {  	_ =	shalt  }
0x6e: {  	_ =	shalt  }
0x6f: {  	_ =	shalt  }
0x70: {  	_ =	shalt  }
0x71: {  	_ =	shalt  }
0x72: {  	_ =	shalt  }
0x73: {  	_ =	shalt  }
0x74: {  	_ =	shalt  }
0x75: {  	_ =	shalt  }
0x76: {  	_ =	shalt  }
0x77: {  	_ =	shalt  }
0x78: {  	_ =	shalt  }
0x79: {  	_ =	shalt  }
0x7a: {  	_ =	shalt  }
0x7b: {  	_ =	shalt  }
0x7c: {  	_ =	shalt  }
0x7d: {  	_ =	shalt  }
0x7e: {  	_ =	shalt  }
0x7f: {  	_ =	shalt  }
0x80: {  	_ =	shalt  }
0x81: {  	_ =	shalt  }
0x82: {  	_ =	shalt  }
0x83: {  	_ =	shalt  }
0x84: {  	_ =	shalt  }
0x85: {  	_ =	shalt  }
0x86: {  	_ =	shalt  }
0x87: {  	_ =	shalt  }
.Lfunc_end0:
.L_simem_size_0:
called_computation.1_lowered:
.L_overlay_start_0:
0x88: {  	s2 =	sld [smem:$0x3FD9]  }
0x89: {  	s3 =	sld [smem:$0x3FFE];
	_ =	sdelay $0x1  }
0x8a: {  	s1 =	srdreg.scid  }
0x8b: {  	s0 =	sand.u32 $0x1, s1  }
0x8c: {  	s17 =	sshll.u32 s0, $0xA;
	s2 =	sadd.s32 s3, s2  }
0x8d: {  	s2 =	sadd.s32 s2, s17  }
0x8e: {  	[smem:$0x3FC1] =	sst s2  }
0x8f: {  	_ = 	snop  }
0x90: {  	s2 =	sld [smem:$0x3FD0];
	(tm) =	ssettm $0x1  }
0x91: {  	s18 =	sld [smem:$0x3FFB];
	_ =	sdelay $0x3  }
0x92: {  	_ =	strace s18  }
0x93: {  	s3 =	sld [smem:$0x3FFC];
	_ =	sdelay $0x3  }
0x94: {  	_ =	strace s3  }
0x95: {  	s3 =	sld [smem:$0x3FFD];
	_ =	sdelay $0x3  }
0x96: {  	_ =	strace s3  }
0x97: {  	_ =	strace $0x8FFFFFFF  }
0x98: {  	s19 =	sld [smem:$0x3FDB];
	_ =	sdelay $0x1  }
0x99: {  	s4 =	simm.s32 $_scs_section_size  }
0x9a: {  	s5 =	simm.s32 $_size__tile_overlayer_lowered;
	s6 =	simm.s32 $_tile_overlayer_lowered  }
0x9b: {  	s22 =	simm.s32 $0x1BFF;
	s21 =	sshll.u32 s6, $0x1;
	s3 =	sadd.s32 s4, s19  }
0x9c: {  	s7 =	simm.s32 $0x0;
	s20 =	sshll.u32 s5, $0x1;
	s5 =	sadd.s32 s21, s3  }
0x9d: {  	[timem:s7], [sflag:s22] =	dma.local [hbm:s5], s20  }
0x9e: {  	_ =	swait.ge [sflag:s22], s20  }
0x9f: {  	s4 =	ssub.s32 $0x0, s20;
	[sflag:s22] =	ssyncset.done $0x0  }
0xa0: {  	[sflag:s22] =	ssyncadd.s32 s4;
	_ =	sdelay $0x1  }
0xa1: {  	s23 =	simm.s32 $0x1B8B  }
0xa2: {  	_ =	swait.ge [sflag:s23], $0x1  }
0xa3: {  	[sflag:s23] =	ssyncset.done $0x0  }
0xa4: {  	s25 =	simm.s32 $0x1B8E;
	s24 =	sld [smem:$0x3FFE];
	[sflag:s23] =	ssyncadd.s32 $0xFFFFFFFF  }
0xa5: {  	s26 =	simm.s32 $execute0_lowered;
	[smem:$0x3FD2] =	sst s25  }
0xa6: {  	s5 =	sshll.u32 s26, $0x1;
	_ =	strace $0x80000049;
	[dreg:$0x1] =	wrdreg $0xFFFFFFFF  }
0xa7: {  	s28 =	simm.s32 $_size_execute0_lowered;
	s3 =	sadd.s32 s3, s5;
	[dreg:$0x0] =	wrdreg $0x0  }
0xa8: {  	s5 =	sshll.u32 s28, $0x1;
	[dreg:$0x2] =	wrdreg s3  }
0xa9: {  	[dreg:$0x3] =	wrdreg s5  }
0xaa: {  	[dreg:$0x4] =	wrdreg $0xC0  }
0xab: {  	_ =	task [dreg:s7], $0x5FFFF  }
0xac: {  	[dreg:$0x1] =	wrdreg $0xFFFFFFFF  }
0xad: {  	[dreg:$0x0] =	wrdreg $0x60  }
0xae: {  	[dreg:$0x2] =	wrdreg s24  }
0xaf: {  	[dreg:$0x3] =	wrdreg s2  }
0xb0: {  	[dreg:$0x4] =	wrdreg $0x9  }
0xb1: {  	_ =	task.clear_ibuf [dreg:s7], $0x5FFFF;
	_ =	strace $0x90000049  }
0xb2: {  	s29 =	simm.s32 $0x9;
	_ =	strace $0x8000004B  }
0xb3: {  	_ =	swait.ge [sflag:s29], $0x1  }
0xb4: {  	[sflag:s29] =	ssyncadd.s32 $0xFFFFFFFF  }
0xb5: {  	_ =	strace $0x9000004B  }
0xb6: {  	_ =	sfence  }
0xb7: {  	s30 =	sld [smem:$0x0];
	_ =	sdelay $0x2  }
0xb8: {  	s31 =	sshll.u32 s1, $0xD;
	s1 =	sshrl.u32 s1, $0x2  }
0xb9: {  	s3 =	sand.u32 $0x4000, s31;
	s1 =	sadd.s32 s1, s30  }
0xba: {  	s0 =	sor.u32 s3, s0;
	s1 =	sshll.u32 s1, $0x11  }
0xbb: {  	s0 =	sor.u32 s1, s0  }
0xbc: {  	s0 =	sadd.s32 $0x8F2B, s0  }
0xbd: {  	[sflag:s0] =	ssyncadd.remote.s32 $0x1  }
0xbe: {  	_ =	sfence.sel $0xFFFF  }
0xbf: {  	[dreg:$0x0] =	wrdreg $0xFFFFFFFF;
	(pc) =	sbr.abs _section_cstart, $3  }
0xc0: {  	[dreg:$0x1] =	wrdreg $0xFFFFFFFF  }
0xc1: {  	_ =	task.clear_ibuf [dreg:s7], $0x2FFFF;
	_ =	strace $0x9FFFFFFF  }
0xc2: {  	(tm) =	ssettm $0x7FFFFFFF  }
0xc3: {  	_ =	shalt  }
tec
execute0_lowered:
.L_overlay_start_1:
0x0: {  	(tag) =	ssettag $0x1  }
0x1: {  	s0 =	rddreg [dreg:$0x0]  }
0x2: {  	s1 =	simm.s32 $0x0;
	s30 =	srdreg.scid;
	s9 =	stileid.u32  }
0x3: {  	s14 =	simm.s32 $0x2;
	s16 =	simm.s32 $0x2100;
	s18 =	simm.s32 $0xD100  }
0x4: {  	s19 =	simm.s32 $0xD900;
	s20 =	simm.s32 $0xE100;
	s21 =	simm.s32 $0xE900  }
0x5: {  	s22 =	simm.s32 $0xF100;
	s23 =	simm.s32 $0xF900;
	s24 =	simm.s32 $0x10100  }
0x6: {  	s25 =	simm.s32 $0x10900;
	s26 =	simm.s32 $0x11100;
	s28 =	simm.s32 $0x11900  }
0x7: {  	s29 =	simm.s32 $0x1;
	[smem:$0x7FF] =	sst s1;
	s3 =	sadd.s32 $0x11EE00, s0  }
0x8: {  	s4 =	sadd.s32 $0x10A00, s0;
	s6 =	sadd.s32 $0x10C00, s0;
	s1 =	sand.u32 $0x1, s30  }
0x9: {  	v2 =	vlaneseq.u32;
	s7 =	sadd.s32 $0xA00, s0;
	s8 =	sadd.s32 $0x8A00, s0;
	s2 =	ssub.s32 $0x2, s1  }
0xa: {  	s9 =	sshll.u32 s9, $0x7;
	s10 =	sadd.s32 $0x11EF00, s0;
	v0 =	vand.u32 $0x7, v2;
	v1 =	vshrl.u32 v2, $0x3;
	s5 =	sshrl.u32 s2, $0x1  }
0xb: {  	s11 =	sadd.s32 $0x11F000, s0;
	v63 =	vor.u32 $0x8, v2;
	_ =	strace $0x8000004A;
	[tilespmem:$0x1FFD0] =	vst v0;
	v62 =	vmul.u32 $0x8, v1;
	s2 =	ssub.s32 s2, s5  }
0xc: {  	s12 =	sadd.s32 $0x11F100, s0;
	s1 =	sshll.u32 s1, $0x6;
	[tilespmem:$0x1FFF0] =	vst v63;
	s31 =	smax.u32 s2, $0x1  }
0xd: {  	vm0 =	vmmov $0xffff;
	s9 =	sor.u32 s1, s9;
	s1 =	simm.s32 $0x0;
	[tilespmem:$0x1FFE0] =	vst v62;
	[dreg:$0x3] =	wrdreg s31  }
.LBB2_1:
0xe: {  	[dreg:$0x4] =	wrdreg s1;
	p1 =	por $0x1, $0x1;
	s0 =	simm.s32 $0x0  }
.LBB2_2:
0xf: {  	s30 =	sor.u32 s9, s0  }
0x10: {  	s0 =	sshrl.u32 s30, $0x3  }
0x11: {  	s31 =	simm.s32 $0x0;
	s1 =	sadd.s32 s4, s0  }
0x12: {  	[tilespmem:s31], [sflag:$0x2] =	stream.linear.gather [hbm4b:s1+s31], $0x20, $0x38;
	[tilespmem:$0x12100] =	vst v63  }
0x13: {  	_ =	swait.ge [sflag:s14], $0x20  }
0x14: {  	[sflag:s14] =	ssyncset.done $0x0  }
0x15: {  	s13 =	simm.s32 $0x80;
	s0 =	sadd.s32 s6, s0;
	[sflag:s14] =	ssyncadd.s32 $0xFFFFFFE0  }
0x16: {  	[tilespmem:s13], [sflag:$0x2] =	stream.linear.gather [hbm4b:s0+s31], $0x20, $0x38;
	[tilespmem:$0x12100] =	vst v63  }
0x17: {  	_ =	swait.ge [sflag:s14], $0x20  }
0x18: {  	s15 =	sshll.u32 s30, $0x4;
	[sflag:s14] =	ssyncset.done $0x0  }
0x19: {  	s2 =	sadd.s32 s7, s15;
	s0 =	simm.s32 $0x100;
	[sflag:s14] =	ssyncadd.s32 $0xFFFFFFE0  }
0x1a: {  	[tilespmem:s0], [sflag:$0x2] =	stream.linear.gather [hbm4b:s2+s31], $0x1000, $0x38;
	[tilespmem:$0x12100] =	vst v63  }
0x1b: {  	_ =	swait.ge [sflag:s14], $0x1000  }
0x1c: {  	[sflag:s14] =	ssyncset.done $0x0  }
0x1d: {  	s5 =	simm.s32 $0x1100;
	s1 =	sadd.s32 s8, s15;
	[sflag:s14] =	ssyncadd.s32 $0xFFFFF000  }
0x1e: {  	[tilespmem:s5], [sflag:$0x2] =	stream.linear.gather [hbm4b:s1+s31], $0x1000, $0x38;
	[tilespmem:$0x12100] =	vst v63  }
0x1f: {  	_ =	swait.ge [sflag:s14], $0x1000  }
0x20: {  	[sflag:s14] =	ssyncset.done $0x0  }
0x21: {  	[sflag:s14] =	ssyncadd.s32 $0xFFFFF000  }
0x22: {  	v3 =	vld [tilespmem:$0x0];
	_ =	sdelay $0x2  }
0x23: {  	v0 =	vld [tilespmem:$0x1FFD0];
	_ =	sdelay $0x1  }
0x24: {  	v1 =	vld [tilespmem:$0x1FFE0];
	v4 =	vshll.u32 v3, $0x3  }
0x25: {  	v3 =	vand.u32 $0x7, v3;
	v4 =	vand.u32 $0xFFFFFFC0, v4  }
0x26: {  	v3 =	vor.u32 v3, v4  }
0x27: {  	v4 =	vperm.xlane v3, v0;
	_ =	sdelay $0x1  }
0x28: {  	v4 =	vadd.s32 v1, v4  }
0x29: {  	v2 =	vld [tilespmem:$0x1FFF0];
	_ =	sdelay $0x3  }
0x2a: {  	[tilespmem:s16], [sflag:$0x1] =	stream.indirect_vreg.gather [hbm4b:s3+s31], $0x80, v4, vm0, $0xb8;
	[tilespmem:$0x12100] =	vst v63  }
0x2b: {  	s17 =	simm.s32 $0x2900;
	v3 =	vperm.xlane v3, v2  }
0x2c: {  	[tilespmem:s17], [sflag:$0x1] =	stream.indirect_vreg.gather [hbm4b:s10+s31], $0x80, v4, vm0, $0xb8;
	[tilespmem:$0x12100] =	vst v63  }
0x2d: {  	s2 =	simm.s32 $0x3100;
	v3 =	vadd.s32 v1, v3  }
0x2e: {  	[tilespmem:s2], [sflag:$0x1] =	stream.indirect_vreg.gather [hbm4b:s11+s31], $0x80, v4, vm0, $0xb8;
	[tilespmem:$0x12100] =	vst v63  }
0x2f: {  	s13 =	simm.s32 $0x3900  }
0x30: {  	[tilespmem:s13], [sflag:$0x1] =	stream.indirect_vreg.gather [hbm4b:s12+s31], $0x80, v4, vm0, $0xb8;
	[tilespmem:$0x12100] =	vst v63  }
0x31: {  	s15 =	simm.s32 $0x4100  }
0x32: {  	[tilespmem:s15], [sflag:$0x1] =	stream.indirect_vreg.gather [hbm4b:s3+s31], $0x80, v3, vm0, $0xb8;
	[tilespmem:$0x12100] =	vst v63  }
0x33: {  	s17 =	simm.s32 $0x4900  }
0x34: {  	[tilespmem:s17], [sflag:$0x1] =	stream.indirect_vreg.gather [hbm4b:s10+s31], $0x80, v3, vm0, $0xb8;
	[tilespmem:$0x12100] =	vst v63  }
0x35: {  	s2 =	simm.s32 $0x5100  }
0x36: {  	[tilespmem:s2], [sflag:$0x1] =	stream.indirect_vreg.gather [hbm4b:s11+s31], $0x80, v3, vm0, $0xb8;
	[tilespmem:$0x12100] =	vst v63  }
0x37: {  	s13 =	simm.s32 $0x5900  }
0x38: {  	[tilespmem:s13], [sflag:$0x1] =	stream.indirect_vreg.gather [hbm4b:s12+s31], $0x80, v3, vm0, $0xb8;
	[tilespmem:$0x12100] =	vst v63  }
0x39: {  	v3 =	vld [tilespmem:$0x10];
	_ =	sdelay $0x4  }
0x3a: {  	v61 =	vshll.u32 v3, $0x3  }
0x3b: {  	v3 =	vand.u32 $0x7, v3;
	v4 =	vand.u32 $0xFFFFFFC0, v61  }
0x3c: {  	v3 =	vor.u32 v3, v4  }
0x3d: {  	v4 =	vperm.xlane v3, v0;
	_ =	sdelay $0x1  }
0x3e: {  	v4 =	vadd.s32 v1, v4;
	_ =	sdelay $0x3  }
0x3f: {  	s15 =	simm.s32 $0x6100  }
0x40: {  	[tilespmem:s15], [sflag:$0x1] =	stream.indirect_vreg.gather [hbm4b:s3+s31], $0x80, v4, vm0, $0xb8;
	[tilespmem:$0x12100] =	vst v63  }
0x41: {  	s17 =	simm.s32 $0x6900;
	v3 =	vperm.xlane v3, v2  }
0x42: {  	[tilespmem:s17], [sflag:$0x1] =	stream.indirect_vreg.gather [hbm4b:s10+s31], $0x80, v4, vm0, $0xb8;
	[tilespmem:$0x12100] =	vst v63  }
0x43: {  	s2 =	simm.s32 $0x7100;
	v3 =	vadd.s32 v1, v3  }
0x44: {  	[tilespmem:s2], [sflag:$0x1] =	stream.indirect_vreg.gather [hbm4b:s11+s31], $0x80, v4, vm0, $0xb8;
	[tilespmem:$0x12100] =	vst v63  }
0x45: {  	s13 =	simm.s32 $0x7900  }
0x46: {  	[tilespmem:s13], [sflag:$0x1] =	stream.indirect_vreg.gather [hbm4b:s12+s31], $0x80, v4, vm0, $0xb8;
	[tilespmem:$0x12100] =	vst v63  }
0x47: {  	s15 =	simm.s32 $0x8100  }
0x48: {  	[tilespmem:s15], [sflag:$0x1] =	stream.indirect_vreg.gather [hbm4b:s3+s31], $0x80, v3, vm0, $0xb8;
	[tilespmem:$0x12100] =	vst v63  }
0x49: {  	s17 =	simm.s32 $0x8900  }
0x4a: {  	[tilespmem:s17], [sflag:$0x1] =	stream.indirect_vreg.gather [hbm4b:s10+s31], $0x80, v3, vm0, $0xb8;
	[tilespmem:$0x12100] =	vst v63  }
0x4b: {  	s2 =	simm.s32 $0x9100  }
0x4c: {  	[tilespmem:s2], [sflag:$0x1] =	stream.indirect_vreg.gather [hbm4b:s11+s31], $0x80, v3, vm0, $0xb8;
	[tilespmem:$0x12100] =	vst v63  }
0x4d: {  	s13 =	simm.s32 $0x9900  }
0x4e: {  	[tilespmem:s13], [sflag:$0x1] =	stream.indirect_vreg.gather [hbm4b:s12+s31], $0x80, v3, vm0, $0xb8;
	[tilespmem:$0x12100] =	vst v63  }
0x4f: {  	v3 =	vld [tilespmem:$0x80];
	_ =	sdelay $0x4  }
0x50: {  	v62 =	vshll.u32 v3, $0x3  }
0x51: {  	v3 =	vand.u32 $0x7, v3;
	v4 =	vand.u32 $0xFFFFFFC0, v62  }
0x52: {  	v3 =	vor.u32 v3, v4  }
0x53: {  	v4 =	vperm.xlane v3, v0;
	_ =	sdelay $0x1  }
0x54: {  	v4 =	vadd.s32 v1, v4;
	_ =	sdelay $0x3  }
0x55: {  	s15 =	simm.s32 $0xA100  }
0x56: {  	[tilespmem:s15], [sflag:$0x1] =	stream.indirect_vreg.gather [hbm4b:s3+s31], $0x80, v4, vm0, $0xb8;
	[tilespmem:$0x12100] =	vst v63  }
0x57: {  	s17 =	simm.s32 $0xA900;
	v3 =	vperm.xlane v3, v2  }
0x58: {  	[tilespmem:s17], [sflag:$0x1] =	stream.indirect_vreg.gather [hbm4b:s10+s31], $0x80, v4, vm0, $0xb8;
	[tilespmem:$0x12100] =	vst v63  }
0x59: {  	s2 =	simm.s32 $0xB100;
	v3 =	vadd.s32 v1, v3  }
0x5a: {  	[tilespmem:s2], [sflag:$0x1] =	stream.indirect_vreg.gather [hbm4b:s11+s31], $0x80, v4, vm0, $0xb8;
	[tilespmem:$0x12100] =	vst v63  }
0x5b: {  	s13 =	simm.s32 $0xB900  }
0x5c: {  	[tilespmem:s13], [sflag:$0x1] =	stream.indirect_vreg.gather [hbm4b:s12+s31], $0x80, v4, vm0, $0xb8;
	[tilespmem:$0x12100] =	vst v63  }
0x5d: {  	s15 =	simm.s32 $0xC100  }
0x5e: {  	[tilespmem:s15], [sflag:$0x1] =	stream.indirect_vreg.gather [hbm4b:s3+s31], $0x80, v3, vm0, $0xb8;
	[tilespmem:$0x12100] =	vst v63  }
0x5f: {  	s17 =	simm.s32 $0xC900  }
0x60: {  	[tilespmem:s17], [sflag:$0x1] =	stream.indirect_vreg.gather [hbm4b:s10+s31], $0x80, v3, vm0, $0xb8;
	[tilespmem:$0x12100] =	vst v63  }
0x61: {  	_ = 	snop  }
0x62: {  	[tilespmem:s18], [sflag:$0x1] =	stream.indirect_vreg.gather [hbm4b:s11+s31], $0x80, v3, vm0, $0xb8;
	[tilespmem:$0x12100] =	vst v63  }
0x63: {  	_ = 	snop  }
0x64: {  	[tilespmem:s19], [sflag:$0x1] =	stream.indirect_vreg.gather [hbm4b:s12+s31], $0x80, v3, vm0, $0xb8;
	[tilespmem:$0x12100] =	vst v63  }
0x65: {  	v3 =	vld [tilespmem:$0x90];
	_ =	sdelay $0x4  }
0x66: {  	v63 =	vshll.u32 v3, $0x3  }
0x67: {  	v3 =	vand.u32 $0x7, v3;
	v4 =	vand.u32 $0xFFFFFFC0, v63  }
0x68: {  	v3 =	vor.u32 v3, v4  }
0x69: {  	v4 =	vperm.xlane v3, v0;
	_ =	sdelay $0x1  }
0x6a: {  	v4 =	vadd.s32 v1, v4;
	_ =	sdelay $0x4  }
0x6b: {  	[tilespmem:s20], [sflag:$0x1] =	stream.indirect_vreg.gather [hbm4b:s3+s31], $0x80, v4, vm0, $0xb8;
	[tilespmem:$0x12100] =	vst v63  }
0x6c: {  	v3 =	vperm.xlane v3, v2  }
0x6d: {  	[tilespmem:s21], [sflag:$0x1] =	stream.indirect_vreg.gather [hbm4b:s10+s31], $0x80, v4, vm0, $0xb8;
	[tilespmem:$0x12100] =	vst v63  }
0x6e: {  	v3 =	vadd.s32 v1, v3  }
0x6f: {  	[tilespmem:s22], [sflag:$0x1] =	stream.indirect_vreg.gather [hbm4b:s11+s31], $0x80, v4, vm0, $0xb8;
	[tilespmem:$0x12100] =	vst v63  }
0x70: {  	_ = 	snop  }
0x71: {  	[tilespmem:s23], [sflag:$0x1] =	stream.indirect_vreg.gather [hbm4b:s12+s31], $0x80, v4, vm0, $0xb8;
	[tilespmem:$0x12100] =	vst v63  }
0x72: {  	_ = 	snop  }
0x73: {  	[tilespmem:s24], [sflag:$0x1] =	stream.indirect_vreg.gather [hbm4b:s3+s31], $0x80, v3, vm0, $0xb8;
	[tilespmem:$0x12100] =	vst v63  }
0x74: {  	_ = 	snop  }
0x75: {  	[tilespmem:s25], [sflag:$0x1] =	stream.indirect_vreg.gather [hbm4b:s10+s31], $0x80, v3, vm0, $0xb8;
	[tilespmem:$0x12100] =	vst v63  }
0x76: {  	_ = 	snop  }
0x77: {  	[tilespmem:s26], [sflag:$0x1] =	stream.indirect_vreg.gather [hbm4b:s11+s31], $0x80, v3, vm0, $0xb8;
	[tilespmem:$0x12100] =	vst v63  }
0x78: {  	_ = 	snop  }
0x79: {  	[tilespmem:s28], [sflag:$0x1] =	stream.indirect_vreg.gather [hbm4b:s12+s31], $0x80, v3, vm0, $0xb8;
	[tilespmem:$0x12100] =	vst v63  }
0x7a: {  	_ =	swait.ge [sflag:s29], $0x8000  }
0x7b: {  	[sflag:s29] =	ssyncset.done $0x0  }
0x7c: {  	[sflag:s29] =	ssyncadd.s32 $0xFFFF8000  }
0x7d: {  	_ =	swait.ge [sflag:s29], $0x8000  }
0x7e: {  	p0 =	por p1, p1;
	[sflag:s29] =	ssyncset.done $0x0  }
0x7f: {  	s1 =	simm.s32 $0x0;
	s13 =	simm.s32 $0x0;
	[sflag:s29] =	ssyncadd.s32 $0xFFFF8000  }
.LBB2_3:
0x80: {  	v3 =	vld [tilespmem:s0+$0x0];
	s2 =	sand.u32 $0x6000, s13;
	s15 =	sand.u32 $0x380, s1  }
0x81: {  	v4 =	vld [tilespmem:s5+$0x0];
	s2 =	sor.u32 s15, s2  }
0x82: {  	v6 =	vld [tilespmem:s2+$0x2100]  }
0x83: {  	v7 =	vld [tilespmem:s2+$0xA100]  }
0x84: {  	v10 =	vld [tilespmem:s2+$0x2110]  }
0x85: {  	v11 =	vld [tilespmem:s2+$0xA110]  }
0x86: {  	v14 =	vld [tilespmem:s2+$0x2120]  }
0x87: {  	v17 =	vld [tilespmem:s2+$0xA120]  }
0x88: {  	v20 =	vld [tilespmem:s2+$0x2130]  }
0x89: {  	v21 =	vld [tilespmem:s2+$0xA130]  }
0x8a: {  	v26 =	vld [tilespmem:s2+$0x2140]  }
0x8b: {  	v27 =	vld [tilespmem:s2+$0xA140]  }
0x8c: {  	v28 =	vld [tilespmem:s2+$0x2150]  }
0x8d: {  	v29 =	vld [tilespmem:s2+$0xA150]  }
0x8e: {  	v30 =	vld [tilespmem:s2+$0x2160]  }
0x8f: {  	v31 =	vld [tilespmem:s2+$0xA160]  }
0x90: {  	v32 =	vld [tilespmem:s2+$0x2170]  }
0x91: {  	v33 =	vld [tilespmem:s2+$0xA170]  }
0x92: {  	v34 =	vld [tilespmem:s2+$0x2500]  }
0x93: {  	v35 =	vld [tilespmem:s2+$0xA500]  }
0x94: {  	v36 =	vld [tilespmem:s2+$0x2510]  }
0x95: {  	v37 =	vld [tilespmem:s2+$0xA510]  }
0x96: {  	v38 =	vld [tilespmem:s2+$0x2520]  }
0x97: {  	v39 =	vld [tilespmem:s2+$0xA520]  }
0x98: {  	v40 =	vld [tilespmem:s2+$0x2530]  }
0x99: {  	v41 =	vld [tilespmem:s2+$0xA530]  }
0x9a: {  	v42 =	vld [tilespmem:s2+$0x2540]  }
0x9b: {  	v43 =	vld [tilespmem:s2+$0xA540]  }
0x9c: {  	v44 =	vld [tilespmem:s2+$0x2550]  }
0x9d: {  	v45 =	vld [tilespmem:s2+$0xA550]  }
0x9e: {  	v46 =	vld [tilespmem:s2+$0x2560]  }
0x9f: {  	v47 =	vld [tilespmem:s2+$0xA560]  }
0xa0: {  	v48 =	vld [tilespmem:s2+$0x2570]  }
0xa1: {  	v49 =	vld [tilespmem:s2+$0xA570]  }
0xa2: {  	v50 =	vld [tilespmem:s2+$0x2900]  }
0xa3: {  	v51 =	vld [tilespmem:s2+$0xA900]  }
0xa4: {  	v52 =	vld [tilespmem:s2+$0x2910]  }
0xa5: {  	v53 =	vld [tilespmem:s2+$0xA910]  }
0xa6: {  	v54 =	vld [tilespmem:s2+$0x2920]  }
0xa7: {  	v55 =	vld [tilespmem:s2+$0xA920]  }
0xa8: {  	v56 =	vld [tilespmem:s2+$0x2930]  }
0xa9: {  	v57 =	vld [tilespmem:s2+$0xA930]  }
0xaa: {  	v58 =	vld [tilespmem:s2+$0x2940]  }
0xab: {  	v59 =	vld [tilespmem:s2+$0xA940]  }
0xac: {  	v60 =	vld [tilespmem:s2+$0x2950]  }
0xad: {  	v61 =	vld [tilespmem:s2+$0xA950]  }
0xae: {  	v62 =	vld [tilespmem:s2+$0x2960]  }
0xaf: {  	v63 =	vld [tilespmem:s2+$0xA960]  }
0xb0: {  	v5 =	vld [tilespmem:s2+$0x2970]  }
0xb1: {  	v2 =	vld [tilespmem:s2+$0xA970]  }
0xb2: {  	v24 =	vld [tilespmem:s2+$0x2D00]  }
0xb3: {  	v25 =	vld [tilespmem:s2+$0xAD00]  }
0xb4: {  	v22 =	vld [tilespmem:s2+$0x2D10]  }
0xb5: {  	v23 =	vld [tilespmem:s2+$0xAD10]  }
0xb6: {  	v18 =	vld [tilespmem:s2+$0x2D20]  }
0xb7: {  	v0 =	vld [tilespmem:s2+$0x2D60]  }
0xb8: {  	v19 =	vld [tilespmem:s2+$0xAD20]  }
0xb9: {  	v15 =	vld [tilespmem:s2+$0x2D30]  }
0xba: {  	v16 =	vld [tilespmem:s2+$0xAD30]  }
0xbb: {  	v12 =	vld [tilespmem:s2+$0x2D40];
	v1 =	vmul.f32 v6, v3  }
0xbc: {  	v13 =	vld [tilespmem:s2+$0xAD40];
	[tilespmem:$0x1FFC0] =	vst v0;
	v0 =	vmul.f32 v7, v4;
	v10 =	vmul.f32 v10, v3  }
0xbd: {  	v8 =	vld [tilespmem:s2+$0x2D50];
	v11 =	vmul.f32 v11, v4;
	v14 =	vmul.f32 v14, v3  }
0xbe: {  	v9 =	vld [tilespmem:s2+$0xAD50];
	v17 =	vmul.f32 v17, v4;
	v20 =	vmul.f32 v20, v3  }
0xbf: {  	v7 =	vld [tilespmem:s2+$0xAD60];
	v21 =	vmul.f32 v21, v4;
	v26 =	vmul.f32 v26, v3  }
0xc0: {  	v6 =	vld [tilespmem:s2+$0x2D70];
	v27 =	vmul.f32 v27, v4;
	v34 =	vmul.f32 v34, v3  }
0xc1: {  	v35 =	vmul.f32 v35, v4;
	v38 =	vmul.f32 v38, v3;
	v1 =	vadd.f32 v0, v1;
	v0 =	vld [tilespmem:s2+$0xAD70]  }
0xc2: {  	v39 =	vmul.f32 v39, v4;
	v40 =	vmul.f32 v40, v3;
	v10 =	vadd.f32 v11, v10;
	v11 =	vld [tilespmem:s2+$0x3100]  }
0xc3: {  	v5 =	vmul.f32 v5, v3;
	v2 =	vmul.f32 v2, v4;
	[tilespmem:s2+$0x2100] =	vst v1;
	v1 =	vadd.f32 v17, v14;
	v14 =	vld [tilespmem:s2+$0xB100]  }
0xc4: {  	[tilespmem:s2+$0x2110] =	vst v10;
	v10 =	vadd.f32 v21, v20;
	v21 =	vmul.f32 v28, v3;
	v28 =	vmul.f32 v29, v4;
	v17 =	vld [tilespmem:s2+$0x3110]  }
0xc5: {  	v52 =	vmul.f32 v52, v3;
	v2 =	vadd.f32 v2, v5;
	v20 =	vld [tilespmem:s2+$0xB110];
	v29 =	vmul.f32 v33, v4;
	[tilespmem:s2+$0x2120] =	vst v1  }
0xc6: {  	v1 =	vadd.f32 v27, v26;
	v26 =	vmul.f32 v30, v3;
	[tilespmem:s2+$0x2130] =	vst v10;
	v10 =	vadd.f32 v28, v21;
	v21 =	vld [tilespmem:s2+$0x3120]  }
0xc7: {  	v27 =	vmul.f32 v31, v4;
	v28 =	vmul.f32 v32, v3;
	v31 =	vld [tilespmem:s2+$0x3130]  }
0xc8: {  	v24 =	vmul.f32 v24, v3;
	v25 =	vmul.f32 v25, v4;
	[tilespmem:s2+$0x2970] =	vst v2;
	v32 =	vld [tilespmem:s2+$0xB130]  }
0xc9: {  	v18 =	vmul.f32 v18, v3;
	v33 =	vadd.f32 v27, v26;
	v26 =	vld [tilespmem:s2+$0xB120];
	[tilespmem:s2+$0x2150] =	vst v10;
	v10 =	vadd.f32 v29, v28  }
0xca: {  	[tilespmem:s2+$0x2140] =	vst v1;
	v28 =	vmul.f32 v36, v3;
	v36 =	vmul.f32 v37, v4;
	v37 =	vadd.f32 v35, v34;
	v34 =	vld [tilespmem:s2+$0xB140]  }
0xcb: {  	v19 =	vmul.f32 v19, v4;
	v12 =	vmul.f32 v12, v3;
	v35 =	vld [tilespmem:s2+$0x3150];
	[tilespmem:s2+$0x2160] =	vst v33  }
0xcc: {  	v13 =	vmul.f32 v13, v4;
	v27 =	vld [tilespmem:s2+$0xB520];
	v29 =	vadd.f32 v25, v24;
	[tilespmem:s2+$0x2170] =	vst v10;
	v10 =	vadd.f32 v36, v28  }
0xcd: {  	v36 =	vmul.f32 v41, v4;
	v33 =	vld [tilespmem:s2+$0x3140];
	[tilespmem:s2+$0x2500] =	vst v37;
	v37 =	vadd.f32 v39, v38;
	v38 =	vmul.f32 v42, v3  }
0xce: {  	v39 =	vmul.f32 v43, v4;
	v41 =	vmul.f32 v45, v4;
	v28 =	vld [tilespmem:s2+$0x3520];
	[tilespmem:s2+$0x2D00] =	vst v29  }
0xcf: {  	v43 =	vmul.f32 v46, v3;
	[tilespmem:s2+$0x2510] =	vst v10;
	v10 =	vadd.f32 v36, v40;
	v40 =	vmul.f32 v44, v3;
	v36 =	vld [tilespmem:s2+$0xB150]  }
0xd0: {  	v46 =	vmul.f32 v48, v3;
	[tilespmem:s2+$0x2520] =	vst v37;
	v42 =	vadd.f32 v39, v38;
	v44 =	vmul.f32 v47, v4;
	v37 =	vld [tilespmem:s2+$0x3160]  }
0xd1: {  	v47 =	vmul.f32 v49, v4;
	v49 =	vmul.f32 v50, v3;
	v38 =	vld [tilespmem:s2+$0xB160];
	[tilespmem:s2+$0x2530] =	vst v10;
	v45 =	vadd.f32 v41, v40  }
0xd2: {  	v50 =	vmul.f32 v51, v4;
	v39 =	vld [tilespmem:s2+$0x3170];
	[tilespmem:s2+$0x2540] =	vst v42;
	v48 =	vadd.f32 v44, v43;
	v44 =	vmul.f32 v53, v4  }
0xd3: {  	v51 =	vadd.f32 v47, v46;
	v46 =	vmul.f32 v54, v3;
	v47 =	vmul.f32 v55, v4;
	v40 =	vld [tilespmem:s2+$0xB170];
	[tilespmem:s2+$0x2550] =	vst v45  }
0xd4: {  	v41 =	vld [tilespmem:s2+$0x3500];
	v53 =	vmul.f32 v59, v4;
	v55 =	vmul.f32 v60, v3;
	[tilespmem:s2+$0x2560] =	vst v48;
	v45 =	vadd.f32 v50, v49  }
0xd5: {  	v42 =	vld [tilespmem:s2+$0xB500];
	v59 =	vmul.f32 v63, v4;
	v63 =	vmul.f32 v23, v4;
	[tilespmem:s2+$0x2570] =	vst v51;
	v48 =	vadd.f32 v44, v52  }
0xd6: {  	v43 =	vld [tilespmem:s2+$0x3510];
	v49 =	vmul.f32 v56, v3;
	v50 =	vmul.f32 v57, v4;
	v51 =	vadd.f32 v47, v46;
	[tilespmem:s2+$0x2900] =	vst v45  }
0xd7: {  	v23 =	vld [tilespmem:s2+$0xB530];
	v25 =	vmul.f32 v33, v3;
	v52 =	vmul.f32 v58, v3;
	v47 =	vadd.f32 v19, v18;
	[tilespmem:s2+$0x2910] =	vst v48  }
0xd8: {  	v56 =	vmul.f32 v61, v4;
	v58 =	vmul.f32 v62, v3;
	v44 =	vld [tilespmem:s2+$0xB510];
	v54 =	vadd.f32 v50, v49;
	[tilespmem:s2+$0x2920] =	vst v51  }
0xd9: {  	v62 =	vmul.f32 v22, v3;
	v22 =	vld [tilespmem:s2+$0x3530];
	v46 =	vmul.f32 v16, v4;
	v57 =	vadd.f32 v53, v52;
	[tilespmem:s2+$0x2D20] =	vst v47  }
0xda: {  	v16 =	vld [tilespmem:s2+$0xB540];
	v33 =	vmul.f32 v37, v3;
	v60 =	vadd.f32 v56, v55;
	v45 =	vmul.f32 v15, v3;
	[tilespmem:s2+$0x2930] =	vst v54  }
0xdb: {  	v18 =	vld [tilespmem:s2+$0x3910];
	v61 =	vadd.f32 v59, v58;
	v49 =	vmul.f32 v8, v3;
	v50 =	vmul.f32 v9, v4;
	[tilespmem:s2+$0x2940] =	vst v57  }
0xdc: {  	v19 =	vld [tilespmem:s2+$0xB910];
	v30 =	vadd.f32 v63, v62;
	v56 =	vmul.f32 v11, v3;
	v58 =	vmul.f32 v17, v3;
	[tilespmem:s2+$0x2950] =	vst v60  }
0xdd: {  	v15 =	vld [tilespmem:s2+$0x3540];
	v51 =	vadd.f32 v13, v12;
	v59 =	vmul.f32 v20, v4;
	v62 =	vmul.f32 v26, v4;
	[tilespmem:s2+$0x2960] =	vst v61  }
0xde: {  	v9 =	vld [tilespmem:s2+$0x3550];
	v20 =	vmul.f32 v31, v3;
	v26 =	vmul.f32 v34, v4;
	[tilespmem:s2+$0x2D10] =	vst v30;
	v48 =	vadd.f32 v46, v45  }
0xdf: {  	v52 =	vld [tilespmem:$0x1FFC0];
	v31 =	vmul.f32 v36, v4;
	v34 =	vmul.f32 v38, v4;
	v53 =	vadd.f32 v50, v49;
	[tilespmem:s2+$0x2D40] =	vst v51  }
0xe0: {  	v12 =	vld [tilespmem:s2+$0xB550];
	v36 =	vmul.f32 v39, v3;
	v37 =	vmul.f32 v40, v4;
	v63 =	vadd.f32 v59, v58;
	[tilespmem:s2+$0x2D30] =	vst v48  }
0xe1: {  	v11 =	vld [tilespmem:s2+$0x3570];
	v61 =	vmul.f32 v21, v3;
	v21 =	vmul.f32 v32, v4;
	v32 =	vadd.f32 v26, v25;
	[tilespmem:s2+$0x2D50] =	vst v53  }
0xe2: {  	v13 =	vld [tilespmem:s2+$0xB570];
	v39 =	vmul.f32 v41, v3;
	v40 =	vmul.f32 v42, v4;
	v38 =	vadd.f32 v34, v33;
	[tilespmem:s2+$0x3110] =	vst v63  }
0xe3: {  	v0 =	vmul.f32 v0, v4;
	v17 =	vld [tilespmem:s2+$0xB900];
	v54 =	vmul.f32 v6, v3;
	v42 =	vadd.f32 v37, v36;
	[tilespmem:s2+$0x3140] =	vst v32  }
0xe4: {  	v41 =	vld [tilespmem:s2+$0xB920];
	v57 =	vmul.f32 v14, v4;
	v47 =	vadd.f32 v40, v39;
	[tilespmem:s2+$0x3160] =	vst v38  }
0xe5: {  	v6 =	vld [tilespmem:s2+$0x3560];
	v0 =	vadd.f32 v0, v54;
	[tilespmem:s2+$0x3170] =	vst v42  }
0xe6: {  	v14 =	vld [tilespmem:s2+$0x3900];
	v60 =	vadd.f32 v57, v56;
	[tilespmem:s2+$0x3500] =	vst v47  }
0xe7: {  	v7 =	vmul.f32 v7, v4;
	v30 =	vmul.f32 v35, v3;
	v46 =	vld [tilespmem:s2+$0x3930];
	v24 =	vadd.f32 v62, v61;
	[tilespmem:s2+$0x2D70] =	vst v0  }
0xe8: {  	v43 =	vmul.f32 v43, v3;
	v50 =	vld [tilespmem:s2+$0xB930];
	v45 =	vmul.f32 v44, v4;
	v29 =	vadd.f32 v21, v20;
	[tilespmem:s2+$0x3100] =	vst v60  }
0xe9: {  	v49 =	vmul.f32 v27, v4;
	v58 =	vld [tilespmem:s2+$0x3950];
	v35 =	vadd.f32 v31, v30;
	v10 =	vmul.f32 v52, v3;
	[tilespmem:s2+$0x3120] =	vst v24  }
0xea: {  	v36 =	vld [tilespmem:s2+$0xB970];
	v53 =	vmul.f32 v23, v4;
	v51 =	vadd.f32 v45, v43;
	v52 =	vmul.f32 v22, v3;
	[tilespmem:s2+$0x3130] =	vst v29  }
0xeb: {  	v40 =	vld [tilespmem:s2+$0xB940];
	v57 =	vmul.f32 v16, v4;
	v56 =	vmul.f32 v15, v3;
	[tilespmem:s2+$0x3150] =	vst v35;
	v55 =	vadd.f32 v7, v10  }
0xec: {  	v20 =	vld [tilespmem:s2+$0x3920];
	v26 =	vmul.f32 v11, v3;
	v27 =	vmul.f32 v13, v4;
	[tilespmem:s2+$0x3510] =	vst v51;
	v59 =	vadd.f32 v53, v52  }
0xed: {  	v62 =	vld [tilespmem:s2+$0xB950];
	v61 =	vmul.f32 v12, v4;
	v60 =	vmul.f32 v9, v3;
	v63 =	vadd.f32 v57, v56;
	[tilespmem:s2+$0x2D60] =	vst v55  }
0xee: {  	v34 =	vmul.f32 v18, v3;
	v16 =	vld [tilespmem:s2+$0x3960];
	v35 =	vmul.f32 v19, v4;
	v33 =	vadd.f32 v27, v26;
	[tilespmem:s2+$0x3530] =	vst v59  }
0xef: {  	v48 =	vmul.f32 v28, v3;
	v28 =	vld [tilespmem:s2+$0xB960];
	v31 =	vmul.f32 v17, v4;
	v23 =	vadd.f32 v61, v60;
	[tilespmem:s2+$0x3540] =	vst v63  }
0xf0: {  	v32 =	vld [tilespmem:s2+$0x3970];
	v39 =	vmul.f32 v41, v4;
	v30 =	vmul.f32 v14, v3;
	v41 =	vadd.f32 v35, v34;
	[tilespmem:s2+$0x3570] =	vst v33  }
0xf1: {  	v10 =	vld [tilespmem:s2+$0xB560];
	v42 =	vmul.f32 v46, v3;
	v43 =	vmul.f32 v50, v4;
	v55 =	vadd.f32 v49, v48;
	[tilespmem:s2+$0x3550] =	vst v23  }
0xf2: {  	v54 =	vld [tilespmem:s2+$0x3940];
	v37 =	vadd.f32 v31, v30;
	v38 =	vmul.f32 v20, v3;
	[tilespmem:s2+$0x3910] =	vst v41  }
0xf3: {  	v45 =	vmul.f32 v58, v3;
	v46 =	vmul.f32 v62, v4;
	v47 =	vadd.f32 v43, v42;
	[tilespmem:s2+$0x3520] =	vst v55  }
0xf4: {  	v48 =	vmul.f32 v16, v3;
	v49 =	vmul.f32 v28, v4;
	[tilespmem:s2+$0x3900] =	vst v37;
	v44 =	vadd.f32 v39, v38  }
0xf5: {  	v52 =	vmul.f32 v36, v4;
	v51 =	vmul.f32 v32, v3;
	v50 =	vadd.f32 v46, v45;
	[tilespmem:s2+$0x3930] =	vst v47  }
0xf6: {  	v6 =	vmul.f32 v6, v3;
	v53 =	vadd.f32 v49, v48;
	v12 =	vmul.f32 v10, v4;
	[tilespmem:s2+$0x3920] =	vst v44  }
0xf7: {  	s17 =	sand.u32 $0x7, s31;
	v54 =	vmul.f32 v54, v3;
	v55 =	vmul.f32 v40, v4;
	v56 =	vadd.f32 v52, v51;
	[tilespmem:s2+$0x3950] =	vst v50  }
0xf8: {  	s15 =	sshll.u32 s17, $0x7;
	[tilespmem:s2+$0x3960] =	vst v53;
	v29 =	vadd.f32 v12, v6  }
0xf9: {  	s15 =	sadd.s32 s15, s13;
	v2 =	vadd.f32 v55, v54;
	[tilespmem:s2+$0x3970] =	vst v56  }
0xfa: {  	s17 =	sor.u32 $0x1C00, s15;
	[tilespmem:s2+$0x3560] =	vst v29  }
0xfb: {  	[tilespmem:s2+$0x3940] =	vst v2;
	v0 =	vld [tilespmem:s17+$0x2100]  }
0xfc: {  	v1 =	vld [tilespmem:s17+$0xA100];
	_ =	sdelay $0x4  }
0xfd: {  	v0 =	vmul.f32 v0, v3;
	v1 =	vmul.f32 v1, v4;
	_ =	sdelay $0x1  }
0xfe: {  	v0 =	vadd.f32 v1, v0;
	_ =	sdelay $0x1  }
0xff: {  	[tilespmem:s17+$0x2100] =	vst v0;
	s17 =	sor.u32 $0x1C10, s15  }
0x100: {  	v0 =	vld [tilespmem:s17+$0x2100]  }
0x101: {  	v57 =	vld [tilespmem:s17+$0xA100];
	_ =	sdelay $0x4  }
0x102: {  	v0 =	vmul.f32 v0, v3;
	v1 =	vmul.f32 v57, v4;
	_ =	sdelay $0x1  }
0x103: {  	v0 =	vadd.f32 v1, v0;
	_ =	sdelay $0x1  }
0x104: {  	[tilespmem:s17+$0x2100] =	vst v0;
	s17 =	sor.u32 $0x1C20, s15  }
0x105: {  	v0 =	vld [tilespmem:s17+$0x2100]  }
0x106: {  	v58 =	vld [tilespmem:s17+$0xA100];
	_ =	sdelay $0x4  }
0x107: {  	v0 =	vmul.f32 v0, v3;
	v1 =	vmul.f32 v58, v4;
	_ =	sdelay $0x1  }
0x108: {  	v0 =	vadd.f32 v1, v0;
	_ =	sdelay $0x1  }
0x109: {  	[tilespmem:s17+$0x2100] =	vst v0;
	s17 =	sor.u32 $0x1C30, s15  }
0x10a: {  	v0 =	vld [tilespmem:s17+$0x2100]  }
0x10b: {  	v59 =	vld [tilespmem:s17+$0xA100];
	_ =	sdelay $0x4  }
0x10c: {  	v0 =	vmul.f32 v0, v3;
	v1 =	vmul.f32 v59, v4;
	_ =	sdelay $0x1  }
0x10d: {  	v0 =	vadd.f32 v1, v0;
	_ =	sdelay $0x1  }
0x10e: {  	[tilespmem:s17+$0x2100] =	vst v0;
	s17 =	sor.u32 $0x1C40, s15  }
0x10f: {  	v0 =	vld [tilespmem:s17+$0x2100]  }
0x110: {  	v60 =	vld [tilespmem:s17+$0xA100];
	_ =	sdelay $0x4  }
0x111: {  	v0 =	vmul.f32 v0, v3;
	v1 =	vmul.f32 v60, v4;
	_ =	sdelay $0x1  }
0x112: {  	v0 =	vadd.f32 v1, v0;
	_ =	sdelay $0x1  }
0x113: {  	[tilespmem:s17+$0x2100] =	vst v0;
	s17 =	sor.u32 $0x1C50, s15  }
0x114: {  	v0 =	vld [tilespmem:s17+$0x2100]  }
0x115: {  	v61 =	vld [tilespmem:s17+$0xA100];
	_ =	sdelay $0x4  }
0x116: {  	v0 =	vmul.f32 v0, v3;
	v1 =	vmul.f32 v61, v4;
	_ =	sdelay $0x1  }
0x117: {  	v0 =	vadd.f32 v1, v0;
	_ =	sdelay $0x1  }
0x118: {  	[tilespmem:s17+$0x2100] =	vst v0;
	s17 =	sor.u32 $0x1C60, s15  }
0x119: {  	v0 =	vld [tilespmem:s17+$0x2100]  }
0x11a: {  	v62 =	vld [tilespmem:s17+$0xA100];
	_ =	sdelay $0x4  }
0x11b: {  	v0 =	vmul.f32 v0, v3;
	v1 =	vmul.f32 v62, v4;
	_ =	sdelay $0x1  }
0x11c: {  	v0 =	vadd.f32 v1, v0;
	_ =	sdelay $0x1  }
0x11d: {  	[tilespmem:s17+$0x2100] =	vst v0;
	s17 =	sor.u32 $0x1C70, s15  }
0x11e: {  	v0 =	vld [tilespmem:s17+$0x2100]  }
0x11f: {  	v63 =	vld [tilespmem:s17+$0xA100];
	_ =	sdelay $0x3  }
0x120: {  	p1 =	sne.s32 s1, $0xF80  }
.Ltmp0:
0x121: {  	v0 =	vmul.f32 v0, v3;
	v1 =	vmul.f32 v63, v4;
	(pc) =	sbr.rel @p1 .LBB2_3-.Ltmp0, $4  }
0x122: {  	_ = 	snop  }
0x123: {  	v0 =	vadd.f32 v1, v0  }
0x124: {  	s31 =	sadd.s32 $0x1, s31;
	s0 =	sadd.s32 $0x80, s0  }
0x125: {  	s5 =	sadd.s32 $0x80, s5;
	s1 =	sadd.s32 $0x80, s1;
	s13 =	sadd.s32 $0x400, s13;
	[tilespmem:s17+$0x2100] =	vst v0  }
0x126: {  	s0 =	sshll.u32 s30, $0x7;
	s1 =	rddreg [dreg:$0x1]  }
.Ltmp1:
0x127: {  	s31 =	simm.s32 $0x0;
	s0 =	sadd.s32 s1, s0;
	(pc) =	sbr.rel @p0 .LBB2_2-.Ltmp1, $4  }
0x128: {  	[hbm4b:s0+s31] =	stream.linear.scatter [tilespmem:s16], [sflag:$0x2], $0x8000, $0x38;
	[tilespmem:$0x12100] =	vst v63  }
0x129: {  	_ =	swait.ge [sflag:s14], $0x8000  }
0x12a: {  	[sflag:s14] =	ssyncset.done $0x0  }
0x12b: {  	p1 =	por $0x0, $0x0;
	s0 =	simm.s32 $0x20;
	[sflag:s14] =	ssyncadd.s32 $0xFFFF8000  }
0x12c: {  	s1 =	rddreg [dreg:$0x4]  }
0x12d: {  	s0 =	rddreg [dreg:$0x3];
	s1 =	sadd.s32 $0x1, s1  }
0x12e: {  	p0 =	sne.s32 s1, s0  }
.Ltmp2:
0x12f: {  	_ = 	snop;
	(pc) =	sbr.rel @p0 .LBB2_1-.Ltmp2, $1  }
0x130: {  	_ =	sdelay $0x3  }
0x131: {  	_ =	sfence.sel $0x180000  }
0x132: {  	[bflag:$0x0] =	sbarrier.arrive $0xFFFF  }
0x133: {  	_ =	strace $0x9000004A  }
0x134: {  	s0 =	stileid.u32;
	[bflag:$0x2] =	sbarrier.arrive $0xFFFF  }
0x135: {  	p0 =	sne.s32 s0, $0x0;
	s0 =	rddreg [dreg:$0x2]  }
0x136: {  	s0 =	sadd.s32 @!p0 $0x100000, s0  }
0x137: {  	[sflag:s0] =	ssyncadd.tile.s32 @!p0 $0x1;
	_ =	shalt  }
.Lfunc_end2:
_tile_overlayer_lowered:
.L_overlay_start_2:
0x138: {  	(tag) =	ssettag $0x2  }
0x139: {  	s0 =	rddreg [dreg:$0x0];
	s2 =	stileid.u32  }
0x13a: {  	s1 =	rddreg [dreg:$0x1];
	p0 =	sne.s32 s2, $0x0  }
0x13b: {  	s3 =	rddreg [dreg:$0x2];
	[bflag:$0x3] =	sbarrier.arrive $0xFFFF;
	s2 =	simm.s32 @!p0 $0x1C02  }
0x13c: {  	[timem:s3], [sflag:s2] =	dma.local @!p0 [hbm:s0], s1  }
0x13d: {  	s0 =	simm.s32 @!p0 $0x2  }
0x13e: {  	_ =	swait.ge @!p0 [sflag:s0], s1  }
0x13f: {  	s1 =	ssub.s32 @!p0 $0x0, s1;
	[sflag:s0] =	ssyncset.done @!p0 $0x0  }
0x140: {  	[sflag:s0] =	ssyncadd.s32 @!p0 s1  }
0x141: {  	[bflag:$0x3] =	sbarrier.arrive $0xFFFF  }
0x142: {  	_ =	shalt  }

</sc_bundles>
